<compile_context>
chip_gen: v7x
topology: tpu7x:2x2x1
jax: 0.10.2.dev20260603
libtpu: 0.0.44.dev20260713+nightly
codegen_flags: <defaults>
</compile_context>

<pallas_src>
import jax
import jax.numpy as jnp
from jax import lax
from jax.experimental import pallas as pl
from jax.experimental.pallas import tpu as pltpu
from jax.experimental.pallas import tpu_sc as plsc

_BATCH = 4096
_HIST = 200
_EMB_DIM = 64
_B = _BATCH * _HIST
_NW = 32
_NROWS = 1000001
_NPAIR = 500004

_mesh = plsc.VectorSubcoreMesh(core_axis_name="c", subcore_axis_name="s")


def _wid():
    return lax.axis_index("s") * 2 + lax.axis_index("c")


def _move_pairs(src, dst, n_pairs):

    def step(i, carry):
        for uu in range(2):
            u = 2 * i + uu
            for k in range(4):
                dst[u, pl.ds(16 * k, 16)] = src[2 * u, pl.ds(16 * k, 16)]
                dst[u, pl.ds(64 + 16 * k, 16)] = (
                    src[2 * u + 1, pl.ds(16 * k, 16)])
        return carry

    lax.fori_loop(0, n_pairs // 2, step, 0)



_D_CHUNK = 192
_D_NFULL = 5208
_D_TAIL0 = _D_NFULL * _D_CHUNK


def _depad_body(table_hbm, tp_hbm, bufa, bufb, buf2a, buf2b,
                rsa, rsb, wsa, wsb):
    wid = _wid()
    base = wid * 162 + jnp.minimum(wid, 24)

    buf = (bufa, bufb)
    buf2 = (buf2a, buf2b)
    rs = (rsa, rsb)
    ws = (wsa, wsb)

    def read(c, i):
        r0 = pl.multiple_of((base + c) * _D_CHUNK, 8)
        return pltpu.make_async_copy(
            table_hbm.at[pl.ds(r0, _D_CHUNK)], buf[i], rs[i])

    def write(c, i):
        p0 = pl.multiple_of((base + c) * (_D_CHUNK // 2), 8)
        return pltpu.make_async_copy(
            buf2[i], tp_hbm.at[pl.ds(p0, _D_CHUNK // 2)], ws[i])

    read(0, 0).start()

    def step(t, carry):
        c0 = 2 * t
        c1 = c0 + 1

        read(c0, 0).wait()
        read(c1, 1).start()

        @pl.when(t > 0)
        def _():
            write(c0 - 2, 0).wait()

        _move_pairs(bufa, buf2a, _D_CHUNK // 2)
        write(c0, 0).start()

        read(c1, 1).wait()

        @pl.when(t < 80)
        def _():
            read(c0 + 2, 0).start()

        @pl.when(t > 0)
        def _():
            write(c1 - 2, 1).wait()

        _move_pairs(bufb, buf2b, _D_CHUNK // 2)
        write(c1, 1).start()
        return carry

    lax.fori_loop(0, 81, step, 0)
    write(160, 0).wait()
    write(161, 1).wait()

    @pl.when(wid < 24)
    def _():
        pltpu.sync_copy(
            table_hbm.at[pl.ds(pl.multiple_of((base + 162) * _D_CHUNK, 8),
                               _D_CHUNK)], bufa)
        _move_pairs(bufa, buf2a, _D_CHUNK // 2)
        pltpu.sync_copy(
            buf2a,
            tp_hbm.at[pl.ds(pl.multiple_of((base + 162) * (_D_CHUNK // 2), 8),
                            _D_CHUNK // 2)])

    @pl.when(wid == 31)
    def _():
        pltpu.sync_copy(table_hbm.at[pl.ds(_D_TAIL0, 64)],
                        bufa.at[pl.ds(0, 64)])
        _move_pairs(bufa, buf2a, 32)
        pltpu.sync_copy(buf2a.at[pl.ds(0, 32)],
                        tp_hbm.at[pl.ds(_D_TAIL0 // 2, 32)])
        pltpu.sync_copy(table_hbm.at[pl.ds(_NROWS - 1, 1)],
                        bufa.at[pl.ds(0, 1)])

        def last(k, carry):
            buf2a[0, pl.ds(16 * k, 16)] = bufa[0, pl.ds(16 * k, 16)]
            return carry

        lax.fori_loop(0, 4, last, 0)
        pltpu.sync_copy(buf2a.at[pl.ds(0, 1)],
                        tp_hbm.at[pl.ds((_NROWS - 1) // 2, 1)])


_depad = pl.kernel(
    _depad_body,
    out_type=jax.ShapeDtypeStruct((_NPAIR, 128), jnp.float32),
    mesh=_mesh,
    scratch_types=[
        pltpu.VMEM((_D_CHUNK, _EMB_DIM), jnp.float32),
        pltpu.VMEM((_D_CHUNK, _EMB_DIM), jnp.float32),
        pltpu.VMEM((_D_CHUNK // 2, 128), jnp.float32),
        pltpu.VMEM((_D_CHUNK // 2, 128), jnp.float32),
        pltpu.SemaphoreType.DMA,
        pltpu.SemaphoreType.DMA,
        pltpu.SemaphoreType.DMA,
        pltpu.SemaphoreType.DMA,
    ],
)



_B_PER_W = _B // _NW
_CHUNK = 800
_N_CHUNKS = _B_PER_W // _CHUNK


def _gather_body(x_hbm, table_hbm, out_hbm, idx_v, rows0, rows1, gsem0, gsem1,
                 osem0, osem1):
    base = _wid() * _B_PER_W

    pltpu.sync_copy(x_hbm.at[pl.ds(base, _B_PER_W)], idx_v)

    rows = (rows0, rows1)
    gsem = (gsem0, gsem1)
    osem = (osem0, osem1)

    def gather(g, buf):
        return pltpu.make_async_copy(
            table_hbm.at[idx_v.at[pl.ds(g * _CHUNK, _CHUNK)]],
            rows[buf], gsem[buf])

    def flush(g, buf):
        return pltpu.make_async_copy(
            rows[buf], out_hbm.at[pl.ds(base + g * _CHUNK, _CHUNK)],
            osem[buf])

    gather(0, 0).start()

    def step(t, carry):
        g0 = 2 * t
        g1 = g0 + 1

        @pl.when(t > 0)
        def _():
            flush(g0 - 1, 1).wait()

        gather(g1, 1).start()
        gather(g0, 0).wait()
        flush(g0, 0).start()

        flush(g0, 0).wait()

        @pl.when(t < _N_CHUNKS // 2 - 1)
        def _():
            gather(g0 + 2, 0).start()

        gather(g1, 1).wait()
        flush(g1, 1).start()
        return carry

    lax.fori_loop(0, _N_CHUNKS // 2, step, 0)
    flush(_N_CHUNKS - 1, 1).wait()


_gather = pl.kernel(
    _gather_body,
    out_type=jax.ShapeDtypeStruct((_B, _EMB_DIM), jnp.float32),
    mesh=_mesh,
    scratch_types=[
        pltpu.VMEM((_B_PER_W,), jnp.int32),
        pltpu.VMEM((_CHUNK, _EMB_DIM), jnp.float32),
        pltpu.VMEM((_CHUNK, _EMB_DIM), jnp.float32),
        pltpu.SemaphoreType.DMA,
        pltpu.SemaphoreType.DMA,
        pltpu.SemaphoreType.DMA,
        pltpu.SemaphoreType.DMA,
    ],
    compiler_params=pltpu.CompilerParams(use_tc_tiling_on_sc=False),
)



_P_CHUNK = 400
_P_NCH = _B_PER_W // _P_CHUNK


def _pad_out_body(emb_hbm, out_hbm, bufca, bufcb, bufd, rsa, rsb):
    wid = _wid()
    base = wid * _B_PER_W

    bufc = (bufca, bufcb)
    rs = (rsa, rsb)

    def read(g, i):
        p0 = pl.multiple_of(base // 2 + g * (_P_CHUNK // 2), 8)
        return pltpu.make_async_copy(
            emb_hbm.at[pl.ds(p0, _P_CHUNK // 2)], bufc[i], rs[i])

    def unpack(i):
        def body(u, carry):
            for b in range(2):
                for k in range(4):
                    bufd[b, 2 * u, pl.ds(16 * k, 16)] = (
                        bufc[i][100 * b + u, pl.ds(16 * k, 16)])
                    bufd[b, 2 * u + 1, pl.ds(16 * k, 16)] = (
                        bufc[i][100 * b + u, pl.ds(64 + 16 * k, 16)])
            return carry

        lax.fori_loop(0, 100, body, 0)

    read(0, 0).start()

    def step(t, carry):
        g0 = 2 * t
        g1 = g0 + 1

        read(g0, 0).wait()
        read(g1, 1).start()
        unpack(0)
        pltpu.sync_copy(bufd, out_hbm.at[pl.ds(wid * 128 + 2 * g0, 2)])

        read(g1, 1).wait()

        @pl.when(t < _P_NCH // 2 - 1)
        def _():
            read(g0 + 2, 0).start()

        unpack(1)
        pltpu.sync_copy(bufd, out_hbm.at[pl.ds(wid * 128 + 2 * g1, 2)])
        return carry

    lax.fori_loop(0, _P_NCH // 2, step, 0)


_pad_out = pl.kernel(
    _pad_out_body,
    out_type=jax.ShapeDtypeStruct((_BATCH, _HIST, _EMB_DIM), jnp.float32),
    mesh=_mesh,
    scratch_types=[
        pltpu.VMEM((_P_CHUNK // 2, 128), jnp.float32),
        pltpu.VMEM((_P_CHUNK // 2, 128), jnp.float32),
        pltpu.VMEM((2, _HIST, _EMB_DIM), jnp.float32),
        pltpu.SemaphoreType.DMA,
        pltpu.SemaphoreType.DMA,
    ],
)


@jax.jit
def kernel(x, table):
    xf = x.reshape(-1).astype(jnp.int32)
    tp = _depad(table)
    emb = _gather(xf, tp.reshape(_NPAIR * 2, _EMB_DIM))
    return _pad_out(emb.reshape(_B // 2, 128))

# --- scband reference (transcript-rebuilt; emitter-appended) ---
"""Pipeline reference for scband-word-embedding-44092134261096 (READ-ONLY COPY).

The authoritative reference and input builder live on the scoring server;
editing this copy changes nothing except your own understanding.
"""

import jax, jax.numpy as jnp
import numpy as np

NTOKEN = 1000000
EMB_DIM = 64
BATCH = 4096
HIST = 200

def setup_inputs(seed: int = 0):
    key = jax.random.key(seed)
    k1, k2 = jax.random.split(key)
    x = jax.random.randint(k1, (BATCH, HIST), 0, NTOKEN)
    # nn.Embedding(ntoken+1, emb_dim, padding_idx=ntoken): row ntoken is zeros
    table = jax.random.normal(k2, (NTOKEN + 1, EMB_DIM), dtype=jnp.float32) * 0.02
    table = table.at[NTOKEN].set(0.0)
    return {"x": x, "table": table}

def reference(x, table):
    # forward: emb = self.emb(x); dropout (inference mode -> identity)
    emb = jnp.take(table, x, axis=0)
    return emb

if __name__ == "__main__":
    import jax
    _d = setup_inputs()
    print(jax.jit(kernel)(*tuple(_d.values())))

</pallas_src>

<mosaic_0001>
#map = affine_map<(d0, d1) -> (0, 0)>
module attributes {stable_mosaic.version = 14 : i64} {
  func.func @_depad_body(%arg0: i32, %arg1: i32, %arg2: memref<1000001x64xf32, #tpu.memory_space<hbm>>, %arg3: memref<500004x128xf32, #tpu.memory_space<hbm>>, %arg4: memref<192x64xf32, #tpu.memory_space<vmem>>, %arg5: memref<192x64xf32, #tpu.memory_space<vmem>>, %arg6: memref<96x128xf32, #tpu.memory_space<vmem>>, %arg7: memref<96x128xf32, #tpu.memory_space<vmem>>, %arg8: memref<!tpu.dma_semaphore, #tpu.memory_space<semaphore_mem>>, %arg9: memref<!tpu.dma_semaphore, #tpu.memory_space<semaphore_mem>>, %arg10: memref<!tpu.dma_semaphore, #tpu.memory_space<semaphore_mem>>, %arg11: memref<!tpu.dma_semaphore, #tpu.memory_space<semaphore_mem>>) attributes {dimension_semantics = [#tpu.dimension_semantics<core_parallel>, #tpu.dimension_semantics<subcore_parallel>], iteration_bounds = array<i64: 2, 16>, scalar_prefetch = 0 : i64, scratch_operands = 8 : i64, tpu.core_type = #tpu.core_type<sc_vector_subcore>, window_params = [{transform_indices = #map}, {transform_indices = #map}]} {
    %mul3A = arith.constant 2 : i32
    %mul3A_0 = arith.muli %arg1, %mul3A : i32
    %add3A = arith.addi %mul3A_0, %arg0 : i32
    %mul3A_1 = arith.constant 162 : i32
    %mul3A_2 = arith.muli %add3A, %mul3A_1 : i32
    %min3A = arith.constant 24 : i32
    %min3A_3 = arith.minsi %add3A, %min3A : i32
    %add3A_4 = arith.addi %mul3A_2, %min3A_3 : i32
    %add3A_5 = arith.constant 0 : i32
    %add3A_6 = arith.addi %add3A_4, %add3A_5 : i32
    %mul3A_7 = arith.constant 192 : i32
    %mul3A_8 = arith.muli %add3A_6, %mul3A_7 : i32
    %multiple_of3A = tpu.assume_multiple %mul3A_8, 8 : i32
    %dma_start3A = arith.constant 0 : i32
    %dma_start3A_9 = tpu.memref_slice %arg2[%multiple_of3A, %dma_start3A] : memref<1000001x64xf32, #tpu.memory_space<hbm>> -> memref<192x64xf32, #tpu.memory_space<hbm>>
    %dma_start3A_10 = arith.constant 0 : i32
    %dma_start3A_11 = tpu.memref_slice %arg2[%multiple_of3A, %dma_start3A_10] : memref<1000001x64xf32, #tpu.memory_space<hbm>> -> memref<192x64xf32, #tpu.memory_space<hbm>>
    tpu.enqueue_dma source(%dma_start3A_11 : memref<192x64xf32, #tpu.memory_space<hbm>>) target(%arg4 : memref<192x64xf32, #tpu.memory_space<vmem>>) target_semaphore(%arg8 : memref<!tpu.dma_semaphore, #tpu.memory_space<semaphore_mem>>)
    %scan3A = arith.constant 0 : i32
    %scan3A_12 = arith.constant 0 : i32
    %scan3A_13 = arith.constant 81 : i32
    %scan3A_14 = arith.addi %scan3A_12, %scan3A_13 : i32
    %scan3A_15 = arith.constant 1 : i32
    scf.for %scan3A_40 = %scan3A_12 to %scan3A_14 step %scan3A_15  : i32 {
      %mul3A_41 = arith.constant 2 : i32
      %mul3A_42 = arith.muli %mul3A_41, %scan3A_40 : i32
      %add3A_43 = arith.constant 1 : i32
      %add3A_44 = arith.addi %mul3A_42, %add3A_43 : i32
      %add3A_45 = arith.addi %add3A_4, %mul3A_42 : i32
      %mul3A_46 = arith.constant 192 : i32
      %mul3A_47 = arith.muli %add3A_45, %mul3A_46 : i32
      %multiple_of3A_48 = tpu.assume_multiple %mul3A_47, 8 : i32
      %dma_wait3A_49 = arith.constant 0 : i32
      %dma_wait3A_50 = tpu.memref_slice %arg2[%multiple_of3A_48, %dma_wait3A_49] : memref<1000001x64xf32, #tpu.memory_space<hbm>> -> memref<192x64xf32, #tpu.memory_space<hbm>>
      %dma_wait3A_51 = arith.constant 0 : i32
      %dma_wait3A_52 = tpu.memref_slice %arg2[%multiple_of3A_48, %dma_wait3A_51] : memref<1000001x64xf32, #tpu.memory_space<hbm>> -> memref<192x64xf32, #tpu.memory_space<hbm>>
      tpu.wait_dma2 semaphore(%arg8 : memref<!tpu.dma_semaphore, #tpu.memory_space<semaphore_mem>>) src(%dma_wait3A_52 : memref<192x64xf32, #tpu.memory_space<hbm>>) dst(%arg4 : memref<192x64xf32, #tpu.memory_space<vmem>>)
      %add3A_53 = arith.addi %add3A_4, %add3A_44 : i32
      %mul3A_54 = arith.constant 192 : i32
      %mul3A_55 = arith.muli %add3A_53, %mul3A_54 : i32
      %multiple_of3A_56 = tpu.assume_multiple %mul3A_55, 8 : i32
      %dma_start3A_57 = arith.constant 0 : i32
      %dma_start3A_58 = tpu.memref_slice %arg2[%multiple_of3A_56, %dma_start3A_57] : memref<1000001x64xf32, #tpu.memory_space<hbm>> -> memref<192x64xf32, #tpu.memory_space<hbm>>
      %dma_start3A_59 = arith.constant 0 : i32
      %dma_start3A_60 = tpu.memref_slice %arg2[%multiple_of3A_56, %dma_start3A_59] : memref<1000001x64xf32, #tpu.memory_space<hbm>> -> memref<192x64xf32, #tpu.memory_space<hbm>>
      tpu.enqueue_dma source(%dma_start3A_60 : memref<192x64xf32, #tpu.memory_space<hbm>>) target(%arg5 : memref<192x64xf32, #tpu.memory_space<vmem>>) target_semaphore(%arg9 : memref<!tpu.dma_semaphore, #tpu.memory_space<semaphore_mem>>)
      %gt3A = arith.constant 0 : i32
      %gt3A_61 = arith.cmpi sgt, %scan3A_40, %gt3A : i32
      %convert_element_type3A_62 = arith.extui %gt3A_61 : i1 to i32
      %cond3A_63 = arith.constant 0 : i32
      %cond3A_64 = arith.cmpi ne, %convert_element_type3A_62, %cond3A_63 : i32
      scf.if %cond3A_64 {
        %sub3A = arith.constant 2 : i32
        %sub3A_111 = arith.subi %mul3A_42, %sub3A : i32
        %add3A_112 = arith.addi %add3A_4, %sub3A_111 : i32
        %mul3A_113 = arith.constant 96 : i32
        %mul3A_114 = arith.muli %add3A_112, %mul3A_113 : i32
        %multiple_of3A_115 = tpu.assume_multiple %mul3A_114, 8 : i32
        %dma_wait3A_116 = arith.constant 0 : i32
        %dma_wait3A_117 = tpu.memref_slice %arg3[%multiple_of3A_115, %dma_wait3A_116] : memref<500004x128xf32, #tpu.memory_space<hbm>> -> memref<96x128xf32, #tpu.memory_space<hbm>>
        %dma_wait3A_118 = arith.constant 0 : i32
        %dma_wait3A_119 = tpu.memref_slice %arg3[%multiple_of3A_115, %dma_wait3A_118] : memref<500004x128xf32, #tpu.memory_space<hbm>> -> memref<96x128xf32, #tpu.memory_space<hbm>>
        tpu.wait_dma2 semaphore(%arg10 : memref<!tpu.dma_semaphore, #tpu.memory_space<semaphore_mem>>) src(%arg6 : memref<96x128xf32, #tpu.memory_space<vmem>>) dst(%dma_wait3A_119 : memref<96x128xf32, #tpu.memory_space<hbm>>)
      } else {
      }
      %scan3A_65 = arith.constant 0 : i32
      %scan3A_66 = arith.constant 0 : i32
      %scan3A_67 = arith.constant 48 : i32
      %scan3A_68 = arith.addi %scan3A_66, %scan3A_67 : i32
      %scan3A_69 = arith.constant 1 : i32
      scf.for %scan3A_111 = %scan3A_66 to %scan3A_68 step %scan3A_69  : i32 {
        %mul3A_112 = arith.constant 2 : i32
        %mul3A_113 = arith.muli %mul3A_112, %scan3A_111 : i32
        %add3A_114 = arith.constant 0 : i32
        %add3A_115 = arith.addi %mul3A_113, %add3A_114 : i32
        %mul3A_116 = arith.constant 2 : i32
        %mul3A_117 = arith.muli %mul3A_116, %add3A_115 : i32
        %get3A = arith.index_cast %mul3A_117 : i32 to index
        %get3A_118 = arith.constant 0 : index
        %get3A_119 = tpu.vector_load %arg4[%get3A, %get3A_118] {strides = array<i32>} : memref<192x64xf32, #tpu.memory_space<vmem>>, vector<1x16xf32>,
        %get3A_120 = vector.shape_cast %get3A_119 : vector<1x16xf32> to vector<16xf32>
        %swap3A = arith.index_cast %add3A_115 : i32 to index
        %swap3A_121 = arith.constant 0 : index
        %swap3A_122 = tpu.vector_load %arg6[%swap3A, %swap3A_121] {strides = array<i32>} : memref<96x128xf32, #tpu.memory_space<vmem>>, vector<1x16xf32>,
        %swap3A_123 = vector.shape_cast %swap3A_122 : vector<1x16xf32> to vector<16xf32>
        %swap3A_124 = vector.shape_cast %get3A_120 : vector<16xf32> to vector<1x16xf32>
        tpu.vector_store %arg6[%swap3A, %swap3A_121], %swap3A_124 {strides = array<i32>} : memref<96x128xf32, #tpu.memory_space<vmem>>, vector<1x16xf32>,
        %mul3A_125 = arith.constant 2 : i32
        %mul3A_126 = arith.muli %mul3A_125, %add3A_115 : i32
        %add3A_127 = arith.constant 1 : i32
        %add3A_128 = arith.addi %mul3A_126, %add3A_127 : i32
        %get3A_129 = arith.index_cast %add3A_128 : i32 to index
        %get3A_130 = arith.constant 0 : index
        %get3A_131 = tpu.vector_load %arg4[%get3A_129, %get3A_130] {strides = array<i32>} : memref<192x64xf32, #tpu.memory_space<vmem>>, vector<1x16xf32>,
        %get3A_132 = vector.shape_cast %get3A_131 : vector<1x16xf32> to vector<16xf32>
        %swap3A_133 = arith.index_cast %add3A_115 : i32 to index
        %swap3A_134 = arith.constant 64 : index
        %swap3A_135 = tpu.vector_load %arg6[%swap3A_133, %swap3A_134] {strides = array<i32>} : memref<96x128xf32, #tpu.memory_space<vmem>>, vector<1x16xf32>,
        %swap3A_136 = vector.shape_cast %swap3A_135 : vector<1x16xf32> to vector<16xf32>
        %swap3A_137 = vector.shape_cast %get3A_132 : vector<16xf32> to vector<1x16xf32>
        tpu.vector_store %arg6[%swap3A_133, %swap3A_134], %swap3A_137 {strides = array<i32>} : memref<96x128xf32, #tpu.memory_space<vmem>>, vector<1x16xf32>,
        %mul3A_138 = arith.constant 2 : i32
        %mul3A_139 = arith.muli %mul3A_138, %add3A_115 : i32
        %get3A_140 = arith.index_cast %mul3A_139 : i32 to index
        %get3A_141 = arith.constant 16 : index
        %get3A_142 = tpu.vector_load %arg4[%get3A_140, %get3A_141] {strides = array<i32>} : memref<192x64xf32, #tpu.memory_space<vmem>>, vector<1x16xf32>,
        %get3A_143 = vector.shape_cast %get3A_142 : vector<1x16xf32> to vector<16xf32>
        %swap3A_144 = arith.index_cast %add3A_115 : i32 to index
        %swap3A_145 = arith.constant 16 : index
        %swap3A_146 = tpu.vector_load %arg6[%swap3A_144, %swap3A_145] {strides = array<i32>} : memref<96x128xf32, #tpu.memory_space<vmem>>, vector<1x16xf32>,
        %swap3A_147 = vector.shape_cast %swap3A_146 : vector<1x16xf32> to vector<16xf32>
        %swap3A_148 = vector.shape_cast %get3A_143 : vector<16xf32> to vector<1x16xf32>
        tpu.vector_store %arg6[%swap3A_144, %swap3A_145], %swap3A_148 {strides = array<i32>} : memref<96x128xf32, #tpu.memory_space<vmem>>, vector<1x16xf32>,
        %mul3A_149 = arith.constant 2 : i32
        %mul3A_150 = arith.muli %mul3A_149, %add3A_115 : i32
        %add3A_151 = arith.constant 1 : i32
        %add3A_152 = arith.addi %mul3A_150, %add3A_151 : i32
        %get3A_153 = arith.index_cast %add3A_152 : i32 to index
        %get3A_154 = arith.constant 16 : index
        %get3A_155 = tpu.vector_load %arg4[%get3A_153, %get3A_154] {strides = array<i32>} : memref<192x64xf32, #tpu.memory_space<vmem>>, vector<1x16xf32>,
        %get3A_156 = vector.shape_cast %get3A_155 : vector<1x16xf32> to vector<16xf32>
        %swap3A_157 = arith.index_cast %add3A_115 : i32 to index
        %swap3A_158 = arith.constant 80 : index
        %swap3A_159 = tpu.vector_load %arg6[%swap3A_157, %swap3A_158] {strides = array<i32>} : memref<96x128xf32, #tpu.memory_space<vmem>>, vector<1x16xf32>,
        %swap3A_160 = vector.shape_cast %swap3A_159 : vector<1x16xf32> to vector<16xf32>
        %swap3A_161 = vector.shape_cast %get3A_156 : vector<16xf32> to vector<1x16xf32>
        tpu.vector_store %arg6[%swap3A_157, %swap3A_158], %swap3A_161 {strides = array<i32>} : memref<96x128xf32, #tpu.memory_space<vmem>>, vector<1x16xf32>,
        %mul3A_162 = arith.constant 2 : i32
        %mul3A_163 = arith.muli %mul3A_162, %add3A_115 : i32
        %get3A_164 = arith.index_cast %mul3A_163 : i32 to index
        %get3A_165 = arith.constant 32 : index
        %get3A_166 = tpu.vector_load %arg4[%get3A_164, %get3A_165] {strides = array<i32>} : memref<192x64xf32, #tpu.memory_space<vmem>>, vector<1x16xf32>,
        %get3A_167 = vector.shape_cast %get3A_166 : vector<1x16xf32> to vector<16xf32>
        %swap3A_168 = arith.index_cast %add3A_115 : i32 to index
        %swap3A_169 = arith.constant 32 : index
        %swap3A_170 = tpu.vector_load %arg6[%swap3A_168, %swap3A_169] {strides = array<i32>} : memref<96x128xf32, #tpu.memory_space<vmem>>, vector<1x16xf32>,
        %swap3A_171 = vector.shape_cast %swap3A_170 : vector<1x16xf32> to vector<16xf32>
        %swap3A_172 = vector.shape_cast %get3A_167 : vector<16xf32> to vector<1x16xf32>
        tpu.vector_store %arg6[%swap3A_168, %swap3A_169], %swap3A_172 {strides = array<i32>} : memref<96x128xf32, #tpu.memory_space<vmem>>, vector<1x16xf32>,
        %mul3A_173 = arith.constant 2 : i32
        %mul3A_174 = arith.muli %mul3A_173, %add3A_115 : i32
        %add3A_175 = arith.constant 1 : i32
        %add3A_176 = arith.addi %mul3A_174, %add3A_175 : i32
        %get3A_177 = arith.index_cast %add3A_176 : i32 to index
        %get3A_178 = arith.constant 32 : index
        %get3A_179 = tpu.vector_load %arg4[%get3A_177, %get3A_178] {strides = array<i32>} : memref<192x64xf32, #tpu.memory_space<vmem>>, vector<1x16xf32>,
        %get3A_180 = vector.shape_cast %get3A_179 : vector<1x16xf32> to vector<16xf32>
        %swap3A_181 = arith.index_cast %add3A_115 : i32 to index
        %swap3A_182 = arith.constant 96 : index
        %swap3A_183 = tpu.vector_load %arg6[%swap3A_181, %swap3A_182] {strides = array<i32>} : memref<96x128xf32, #tpu.memory_space<vmem>>, vector<1x16xf32>,
        %swap3A_184 = vector.shape_cast %swap3A_183 : vector<1x16xf32> to vector<16xf32>
        %swap3A_185 = vector.shape_cast %get3A_180 : vector<16xf32> to vector<1x16xf32>
        tpu.vector_store %arg6[%swap3A_181, %swap3A_182], %swap3A_185 {strides = array<i32>} : memref<96x128xf32, #tpu.memory_space<vmem>>, vector<1x16xf32>,
        %mul3A_186 = arith.constant 2 : i32
        %mul3A_187 = arith.muli %mul3A_186, %add3A_115 : i32
        %get3A_188 = arith.index_cast %mul3A_187 : i32 to index
        %get3A_189 = arith.constant 48 : index
        %get3A_190 = tpu.vector_load %arg4[%get3A_188, %get3A_189] {strides = array<i32>} : memref<192x64xf32, #tpu.memory_space<vmem>>, vector<1x16xf32>,
        %get3A_191 = vector.shape_cast %get3A_190 : vector<1x16xf32> to vector<16xf32>
        %swap3A_192 = arith.index_cast %add3A_115 : i32 to index
        %swap3A_193 = arith.constant 48 : index
        %swap3A_194 = tpu.vector_load %arg6[%swap3A_192, %swap3A_193] {strides = array<i32>} : memref<96x128xf32, #tpu.memory_space<vmem>>, vector<1x16xf32>,
        %swap3A_195 = vector.shape_cast %swap3A_194 : vector<1x16xf32> to vector<16xf32>
        %swap3A_196 = vector.shape_cast %get3A_191 : vector<16xf32> to vector<1x16xf32>
        tpu.vector_store %arg6[%swap3A_192, %swap3A_193], %swap3A_196 {strides = array<i32>} : memref<96x128xf32, #tpu.memory_space<vmem>>, vector<1x16xf32>,
        %mul3A_197 = arith.constant 2 : i32
        %mul3A_198 = arith.muli %mul3A_197, %add3A_115 : i32
        %add3A_199 = arith.constant 1 : i32
        %add3A_200 = arith.addi %mul3A_198, %add3A_199 : i32
        %get3A_201 = arith.index_cast %add3A_200 : i32 to index
        %get3A_202 = arith.constant 48 : index
        %get3A_203 = tpu.vector_load %arg4[%get3A_201, %get3A_202] {strides = array<i32>} : memref<192x64xf32, #tpu.memory_space<vmem>>, vector<1x16xf32>,
        %get3A_204 = vector.shape_cast %get3A_203 : vector<1x16xf32> to vector<16xf32>
        %swap3A_205 = arith.index_cast %add3A_115 : i32 to index
        %swap3A_206 = arith.constant 112 : index
        %swap3A_207 = tpu.vector_load %arg6[%swap3A_205, %swap3A_206] {strides = array<i32>} : memref<96x128xf32, #tpu.memory_space<vmem>>, vector<1x16xf32>,
        %swap3A_208 = vector.shape_cast %swap3A_207 : vector<1x16xf32> to vector<16xf32>
        %swap3A_209 = vector.shape_cast %get3A_204 : vector<16xf32> to vector<1x16xf32>
        tpu.vector_store %arg6[%swap3A_205, %swap3A_206], %swap3A_209 {strides = array<i32>} : memref<96x128xf32, #tpu.memory_space<vmem>>, vector<1x16xf32>,
        %mul3A_210 = arith.constant 2 : i32
        %mul3A_211 = arith.muli %mul3A_210, %scan3A_111 : i32
        %add3A_212 = arith.constant 1 : i32
        %add3A_213 = arith.addi %mul3A_211, %add3A_212 : i32
        %mul3A_214 = arith.constant 2 : i32
        %mul3A_215 = arith.muli %mul3A_214, %add3A_213 : i32
        %get3A_216 = arith.index_cast %mul3A_215 : i32 to index
        %get3A_217 = arith.constant 0 : index
        %get3A_218 = tpu.vector_load %arg4[%get3A_216, %get3A_217] {strides = array<i32>} : memref<192x64xf32, #tpu.memory_space<vmem>>, vector<1x16xf32>,
        %get3A_219 = vector.shape_cast %get3A_218 : vector<1x16xf32> to vector<16xf32>
        %swap3A_220 = arith.index_cast %add3A_213 : i32 to index
        %swap3A_221 = arith.constant 0 : index
        %swap3A_222 = tpu.vector_load %arg6[%swap3A_220, %swap3A_221] {strides = array<i32>} : memref<96x128xf32, #tpu.memory_space<vmem>>, vector<1x16xf32>,
        %swap3A_223 = vector.shape_cast %swap3A_222 : vector<1x16xf32> to vector<16xf32>
        %swap3A_224 = vector.shape_cast %get3A_219 : vector<16xf32> to vector<1x16xf32>
        tpu.vector_store %arg6[%swap3A_220, %swap3A_221], %swap3A_224 {strides = array<i32>} : memref<96x128xf32, #tpu.memory_space<vmem>>, vector<1x16xf32>,
        %mul3A_225 = arith.constant 2 : i32
        %mul3A_226 = arith.muli %mul3A_225, %add3A_213 : i32
        %add3A_227 = arith.constant 1 : i32
        %add3A_228 = arith.addi %mul3A_226, %add3A_227 : i32
        %get3A_229 = arith.index_cast %add3A_228 : i32 to index
        %get3A_230 = arith.constant 0 : index
        %get3A_231 = tpu.vector_load %arg4[%get3A_229, %get3A_230] {strides = array<i32>} : memref<192x64xf32, #tpu.memory_space<vmem>>, vector<1x16xf32>,
        %get3A_232 = vector.shape_cast %get3A_231 : vector<1x16xf32> to vector<16xf32>
        %swap3A_233 = arith.index_cast %add3A_213 : i32 to index
        %swap3A_234 = arith.constant 64 : index
        %swap3A_235 = tpu.vector_load %arg6[%swap3A_233, %swap3A_234] {strides = array<i32>} : memref<96x128xf32, #tpu.memory_space<vmem>>, vector<1x16xf32>,
        %swap3A_236 = vector.shape_cast %swap3A_235 : vector<1x16xf32> to vector<16xf32>
        %swap3A_237 = vector.shape_cast %get3A_232 : vector<16xf32> to vector<1x16xf32>
        tpu.vector_store %arg6[%swap3A_233, %swap3A_234], %swap3A_237 {strides = array<i32>} : memref<96x128xf32, #tpu.memory_space<vmem>>, vector<1x16xf32>,
        %mul3A_238 = arith.constant 2 : i32
        %mul3A_239 = arith.muli %mul3A_238, %add3A_213 : i32
        %get3A_240 = arith.index_cast %mul3A_239 : i32 to index
        %get3A_241 = arith.constant 16 : index
        %get3A_242 = tpu.vector_load %arg4[%get3A_240, %get3A_241] {strides = array<i32>} : memref<192x64xf32, #tpu.memory_space<vmem>>, vector<1x16xf32>,
        %get3A_243 = vector.shape_cast %get3A_242 : vector<1x16xf32> to vector<16xf32>
        %swap3A_244 = arith.index_cast %add3A_213 : i32 to index
        %swap3A_245 = arith.constant 16 : index
        %swap3A_246 = tpu.vector_load %arg6[%swap3A_244, %swap3A_245] {strides = array<i32>} : memref<96x128xf32, #tpu.memory_space<vmem>>, vector<1x16xf32>,
        %swap3A_247 = vector.shape_cast %swap3A_246 : vector<1x16xf32> to vector<16xf32>
        %swap3A_248 = vector.shape_cast %get3A_243 : vector<16xf32> to vector<1x16xf32>
        tpu.vector_store %arg6[%swap3A_244, %swap3A_245], %swap3A_248 {strides = array<i32>} : memref<96x128xf32, #tpu.memory_space<vmem>>, vector<1x16xf32>,
        %mul3A_249 = arith.constant 2 : i32
        %mul3A_250 = arith.muli %mul3A_249, %add3A_213 : i32
        %add3A_251 = arith.constant 1 : i32
        %add3A_252 = arith.addi %mul3A_250, %add3A_251 : i32
        %get3A_253 = arith.index_cast %add3A_252 : i32 to index
        %get3A_254 = arith.constant 16 : index
        %get3A_255 = tpu.vector_load %arg4[%get3A_253, %get3A_254] {strides = array<i32>} : memref<192x64xf32, #tpu.memory_space<vmem>>, vector<1x16xf32>,
        %get3A_256 = vector.shape_cast %get3A_255 : vector<1x16xf32> to vector<16xf32>
        %swap3A_257 = arith.index_cast %add3A_213 : i32 to index
        %swap3A_258 = arith.constant 80 : index
        %swap3A_259 = tpu.vector_load %arg6[%swap3A_257, %swap3A_258] {strides = array<i32>} : memref<96x128xf32, #tpu.memory_space<vmem>>, vector<1x16xf32>,
        %swap3A_260 = vector.shape_cast %swap3A_259 : vector<1x16xf32> to vector<16xf32>
        %swap3A_261 = vector.shape_cast %get3A_256 : vector<16xf32> to vector<1x16xf32>
        tpu.vector_store %arg6[%swap3A_257, %swap3A_258], %swap3A_261 {strides = array<i32>} : memref<96x128xf32, #tpu.memory_space<vmem>>, vector<1x16xf32>,
        %mul3A_262 = arith.constant 2 : i32
        %mul3A_263 = arith.muli %mul3A_262, %add3A_213 : i32
        %get3A_264 = arith.index_cast %mul3A_263 : i32 to index
        %get3A_265 = arith.constant 32 : index
        %get3A_266 = tpu.vector_load %arg4[%get3A_264, %get3A_265] {strides = array<i32>} : memref<192x64xf32, #tpu.memory_space<vmem>>, vector<1x16xf32>,
        %get3A_267 = vector.shape_cast %get3A_266 : vector<1x16xf32> to vector<16xf32>
        %swap3A_268 = arith.index_cast %add3A_213 : i32 to index
        %swap3A_269 = arith.constant 32 : index
        %swap3A_270 = tpu.vector_load %arg6[%swap3A_268, %swap3A_269] {strides = array<i32>} : memref<96x128xf32, #tpu.memory_space<vmem>>, vector<1x16xf32>,
        %swap3A_271 = vector.shape_cast %swap3A_270 : vector<1x16xf32> to vector<16xf32>
        %swap3A_272 = vector.shape_cast %get3A_267 : vector<16xf32> to vector<1x16xf32>
        tpu.vector_store %arg6[%swap3A_268, %swap3A_269], %swap3A_272 {strides = array<i32>} : memref<96x128xf32, #tpu.memory_space<vmem>>, vector<1x16xf32>,
        %mul3A_273 = arith.constant 2 : i32
        %mul3A_274 = arith.muli %mul3A_273, %add3A_213 : i32
        %add3A_275 = arith.constant 1 : i32
        %add3A_276 = arith.addi %mul3A_274, %add3A_275 : i32
        %get3A_277 = arith.index_cast %add3A_276 : i32 to index
        %get3A_278 = arith.constant 32 : index
        %get3A_279 = tpu.vector_load %arg4[%get3A_277, %get3A_278] {strides = array<i32>} : memref<192x64xf32, #tpu.memory_space<vmem>>, vector<1x16xf32>,
        %get3A_280 = vector.shape_cast %get3A_279 : vector<1x16xf32> to vector<16xf32>
        %swap3A_281 = arith.index_cast %add3A_213 : i32 to index
        %swap3A_282 = arith.constant 96 : index
        %swap3A_283 = tpu.vector_load %arg6[%swap3A_281, %swap3A_282] {strides = array<i32>} : memref<96x128xf32, #tpu.memory_space<vmem>>, vector<1x16xf32>,
        %swap3A_284 = vector.shape_cast %swap3A_283 : vector<1x16xf32> to vector<16xf32>
        %swap3A_285 = vector.shape_cast %get3A_280 : vector<16xf32> to vector<1x16xf32>
        tpu.vector_store %arg6[%swap3A_281, %swap3A_282], %swap3A_285 {strides = array<i32>} : memref<96x128xf32, #tpu.memory_space<vmem>>, vector<1x16xf32>,
        %mul3A_286 = arith.constant 2 : i32
        %mul3A_287 = arith.muli %mul3A_286, %add3A_213 : i32
        %get3A_288 = arith.index_cast %mul3A_287 : i32 to index
        %get3A_289 = arith.constant 48 : index
        %get3A_290 = tpu.vector_load %arg4[%get3A_288, %get3A_289] {strides = array<i32>} : memref<192x64xf32, #tpu.memory_space<vmem>>, vector<1x16xf32>,
        %get3A_291 = vector.shape_cast %get3A_290 : vector<1x16xf32> to vector<16xf32>
        %swap3A_292 = arith.index_cast %add3A_213 : i32 to index
        %swap3A_293 = arith.constant 48 : index
        %swap3A_294 = tpu.vector_load %arg6[%swap3A_292, %swap3A_293] {strides = array<i32>} : memref<96x128xf32, #tpu.memory_space<vmem>>, vector<1x16xf32>,
        %swap3A_295 = vector.shape_cast %swap3A_294 : vector<1x16xf32> to vector<16xf32>
        %swap3A_296 = vector.shape_cast %get3A_291 : vector<16xf32> to vector<1x16xf32>
        tpu.vector_store %arg6[%swap3A_292, %swap3A_293], %swap3A_296 {strides = array<i32>} : memref<96x128xf32, #tpu.memory_space<vmem>>, vector<1x16xf32>,
        %mul3A_297 = arith.constant 2 : i32
        %mul3A_298 = arith.muli %mul3A_297, %add3A_213 : i32
        %add3A_299 = arith.constant 1 : i32
        %add3A_300 = arith.addi %mul3A_298, %add3A_299 : i32
        %get3A_301 = arith.index_cast %add3A_300 : i32 to index
        %get3A_302 = arith.constant 48 : index
        %get3A_303 = tpu.vector_load %arg4[%get3A_301, %get3A_302] {strides = array<i32>} : memref<192x64xf32, #tpu.memory_space<vmem>>, vector<1x16xf32>,
        %get3A_304 = vector.shape_cast %get3A_303 : vector<1x16xf32> to vector<16xf32>
        %swap3A_305 = arith.index_cast %add3A_213 : i32 to index
        %swap3A_306 = arith.constant 112 : index
        %swap3A_307 = tpu.vector_load %arg6[%swap3A_305, %swap3A_306] {strides = array<i32>} : memref<96x128xf32, #tpu.memory_space<vmem>>, vector<1x16xf32>,
        %swap3A_308 = vector.shape_cast %swap3A_307 : vector<1x16xf32> to vector<16xf32>
        %swap3A_309 = vector.shape_cast %get3A_304 : vector<16xf32> to vector<1x16xf32>
        tpu.vector_store %arg6[%swap3A_305, %swap3A_306], %swap3A_309 {strides = array<i32>} : memref<96x128xf32, #tpu.memory_space<vmem>>, vector<1x16xf32>,
      }
      %scan3A_70 = arith.constant 48 : i32
      %add3A_71 = arith.addi %add3A_4, %mul3A_42 : i32
      %mul3A_72 = arith.constant 96 : i32
      %mul3A_73 = arith.muli %add3A_71, %mul3A_72 : i32
      %multiple_of3A_74 = tpu.assume_multiple %mul3A_73, 8 : i32
      %dma_start3A_75 = arith.constant 0 : i32
      %dma_start3A_76 = tpu.memref_slice %arg3[%multiple_of3A_74, %dma_start3A_75] : memref<500004x128xf32, #tpu.memory_space<hbm>> -> memref<96x128xf32, #tpu.memory_space<hbm>>
      %dma_start3A_77 = arith.constant 0 : i32
      %dma_start3A_78 = tpu.memref_slice %arg3[%multiple_of3A_74, %dma_start3A_77] : memref<500004x128xf32, #tpu.memory_space<hbm>> -> memref<96x128xf32, #tpu.memory_space<hbm>>
      tpu.enqueue_dma source(%arg6 : memref<96x128xf32, #tpu.memory_space<vmem>>) target(%dma_start3A_78 : memref<96x128xf32, #tpu.memory_space<hbm>>) target_semaphore(%arg10 : memref<!tpu.dma_semaphore, #tpu.memory_space<semaphore_mem>>)
      %add3A_79 = arith.addi %add3A_4, %add3A_44 : i32
      %mul3A_80 = arith.constant 192 : i32
      %mul3A_81 = arith.muli %add3A_79, %mul3A_80 : i32
      %multiple_of3A_82 = tpu.assume_multiple %mul3A_81, 8 : i32
      %dma_wait3A_83 = arith.constant 0 : i32
      %dma_wait3A_84 = tpu.memref_slice %arg2[%multiple_of3A_82, %dma_wait3A_83] : memref<1000001x64xf32, #tpu.memory_space<hbm>> -> memref<192x64xf32, #tpu.memory_space<hbm>>
      %dma_wait3A_85 = arith.constant 0 : i32
      %dma_wait3A_86 = tpu.memref_slice %arg2[%multiple_of3A_82, %dma_wait3A_85] : memref<1000001x64xf32, #tpu.memory_space<hbm>> -> memref<192x64xf32, #tpu.memory_space<hbm>>
      tpu.wait_dma2 semaphore(%arg9 : memref<!tpu.dma_semaphore, #tpu.memory_space<semaphore_mem>>) src(%dma_wait3A_86 : memref<192x64xf32, #tpu.memory_space<hbm>>) dst(%arg5 : memref<192x64xf32, #tpu.memory_space<vmem>>)
      %lt3A_87 = arith.constant 80 : i32
      %lt3A_88 = arith.cmpi slt, %scan3A_40, %lt3A_87 : i32
      %convert_element_type3A_89 = arith.extui %lt3A_88 : i1 to i32
      %cond3A_90 = arith.constant 0 : i32
      %cond3A_91 = arith.cmpi ne, %convert_element_type3A_89, %cond3A_90 : i32
      scf.if %cond3A_91 {
        %add3A_111 = arith.constant 2 : i32
        %add3A_112 = arith.addi %mul3A_42, %add3A_111 : i32
        %add3A_113 = arith.addi %add3A_4, %add3A_112 : i32
        %mul3A_114 = arith.constant 192 : i32
        %mul3A_115 = arith.muli %add3A_113, %mul3A_114 : i32
        %multiple_of3A_116 = tpu.assume_multiple %mul3A_115, 8 : i32
        %dma_start3A_117 = arith.constant 0 : i32
        %dma_start3A_118 = tpu.memref_slice %arg2[%multiple_of3A_116, %dma_start3A_117] : memref<1000001x64xf32, #tpu.memory_space<hbm>> -> memref<192x64xf32, #tpu.memory_space<hbm>>
        %dma_start3A_119 = arith.constant 0 : i32
        %dma_start3A_120 = tpu.memref_slice %arg2[%multiple_of3A_116, %dma_start3A_119] : memref<1000001x64xf32, #tpu.memory_space<hbm>> -> memref<192x64xf32, #tpu.memory_space<hbm>>
        tpu.enqueue_dma source(%dma_start3A_120 : memref<192x64xf32, #tpu.memory_space<hbm>>) target(%arg4 : memref<192x64xf32, #tpu.memory_space<vmem>>) target_semaphore(%arg8 : memref<!tpu.dma_semaphore, #tpu.memory_space<semaphore_mem>>)
      } else {
      }
      %gt3A_92 = arith.constant 0 : i32
      %gt3A_93 = arith.cmpi sgt, %scan3A_40, %gt3A_92 : i32
      %convert_element_type3A_94 = arith.extui %gt3A_93 : i1 to i32
      %cond3A_95 = arith.constant 0 : i32
      %cond3A_96 = arith.cmpi ne, %convert_element_type3A_94, %cond3A_95 : i32
      scf.if %cond3A_96 {
        %sub3A = arith.constant 2 : i32
        %sub3A_111 = arith.subi %add3A_44, %sub3A : i32
        %add3A_112 = arith.addi %add3A_4, %sub3A_111 : i32
        %mul3A_113 = arith.constant 96 : i32
        %mul3A_114 = arith.muli %add3A_112, %mul3A_113 : i32
        %multiple_of3A_115 = tpu.assume_multiple %mul3A_114, 8 : i32
        %dma_wait3A_116 = arith.constant 0 : i32
        %dma_wait3A_117 = tpu.memref_slice %arg3[%multiple_of3A_115, %dma_wait3A_116] : memref<500004x128xf32, #tpu.memory_space<hbm>> -> memref<96x128xf32, #tpu.memory_space<hbm>>
        %dma_wait3A_118 = arith.constant 0 : i32
        %dma_wait3A_119 = tpu.memref_slice %arg3[%multiple_of3A_115, %dma_wait3A_118] : memref<500004x128xf32, #tpu.memory_space<hbm>> -> memref<96x128xf32, #tpu.memory_space<hbm>>
        tpu.wait_dma2 semaphore(%arg11 : memref<!tpu.dma_semaphore, #tpu.memory_space<semaphore_mem>>) src(%arg7 : memref<96x128xf32, #tpu.memory_space<vmem>>) dst(%dma_wait3A_119 : memref<96x128xf32, #tpu.memory_space<hbm>>)
      } else {
      }
      %scan3A_97 = arith.constant 0 : i32
      %scan3A_98 = arith.constant 0 : i32
      %scan3A_99 = arith.constant 48 : i32
      %scan3A_100 = arith.addi %scan3A_98, %scan3A_99 : i32
      %scan3A_101 = arith.constant 1 : i32
      scf.for %scan3A_111 = %scan3A_98 to %scan3A_100 step %scan3A_101  : i32 {
        %mul3A_112 = arith.constant 2 : i32
        %mul3A_113 = arith.muli %mul3A_112, %scan3A_111 : i32
        %add3A_114 = arith.constant 0 : i32
        %add3A_115 = arith.addi %mul3A_113, %add3A_114 : i32
        %mul3A_116 = arith.constant 2 : i32
        %mul3A_117 = arith.muli %mul3A_116, %add3A_115 : i32
        %get3A = arith.index_cast %mul3A_117 : i32 to index
        %get3A_118 = arith.constant 0 : index
        %get3A_119 = tpu.vector_load %arg5[%get3A, %get3A_118] {strides = array<i32>} : memref<192x64xf32, #tpu.memory_space<vmem>>, vector<1x16xf32>,
        %get3A_120 = vector.shape_cast %get3A_119 : vector<1x16xf32> to vector<16xf32>
        %swap3A = arith.index_cast %add3A_115 : i32 to index
        %swap3A_121 = arith.constant 0 : index
        %swap3A_122 = tpu.vector_load %arg7[%swap3A, %swap3A_121] {strides = array<i32>} : memref<96x128xf32, #tpu.memory_space<vmem>>, vector<1x16xf32>,
        %swap3A_123 = vector.shape_cast %swap3A_122 : vector<1x16xf32> to vector<16xf32>
        %swap3A_124 = vector.shape_cast %get3A_120 : vector<16xf32> to vector<1x16xf32>
        tpu.vector_store %arg7[%swap3A, %swap3A_121], %swap3A_124 {strides = array<i32>} : memref<96x128xf32, #tpu.memory_space<vmem>>, vector<1x16xf32>,
        %mul3A_125 = arith.constant 2 : i32
        %mul3A_126 = arith.muli %mul3A_125, %add3A_115 : i32
        %add3A_127 = arith.constant 1 : i32
        %add3A_128 = arith.addi %mul3A_126, %add3A_127 : i32
        %get3A_129 = arith.index_cast %add3A_128 : i32 to index
        %get3A_130 = arith.constant 0 : index
        %get3A_131 = tpu.vector_load %arg5[%get3A_129, %get3A_130] {strides = array<i32>} : memref<192x64xf32, #tpu.memory_space<vmem>>, vector<1x16xf32>,
        %get3A_132 = vector.shape_cast %get3A_131 : vector<1x16xf32> to vector<16xf32>
        %swap3A_133 = arith.index_cast %add3A_115 : i32 to index
        %swap3A_134 = arith.constant 64 : index
        %swap3A_135 = tpu.vector_load %arg7[%swap3A_133, %swap3A_134] {strides = array<i32>} : memref<96x128xf32, #tpu.memory_space<vmem>>, vector<1x16xf32>,
        %swap3A_136 = vector.shape_cast %swap3A_135 : vector<1x16xf32> to vector<16xf32>
        %swap3A_137 = vector.shape_cast %get3A_132 : vector<16xf32> to vector<1x16xf32>
        tpu.vector_store %arg7[%swap3A_133, %swap3A_134], %swap3A_137 {strides = array<i32>} : memref<96x128xf32, #tpu.memory_space<vmem>>, vector<1x16xf32>,
        %mul3A_138 = arith.constant 2 : i32
        %mul3A_139 = arith.muli %mul3A_138, %add3A_115 : i32
        %get3A_140 = arith.index_cast %mul3A_139 : i32 to index
        %get3A_141 = arith.constant 16 : index
        %get3A_142 = tpu.vector_load %arg5[%get3A_140, %get3A_141] {strides = array<i32>} : memref<192x64xf32, #tpu.memory_space<vmem>>, vector<1x16xf32>,
        %get3A_143 = vector.shape_cast %get3A_142 : vector<1x16xf32> to vector<16xf32>
        %swap3A_144 = arith.index_cast %add3A_115 : i32 to index
        %swap3A_145 = arith.constant 16 : index
        %swap3A_146 = tpu.vector_load %arg7[%swap3A_144, %swap3A_145] {strides = array<i32>} : memref<96x128xf32, #tpu.memory_space<vmem>>, vector<1x16xf32>,
        %swap3A_147 = vector.shape_cast %swap3A_146 : vector<1x16xf32> to vector<16xf32>
        %swap3A_148 = vector.shape_cast %get3A_143 : vector<16xf32> to vector<1x16xf32>
        tpu.vector_store %arg7[%swap3A_144, %swap3A_145], %swap3A_148 {strides = array<i32>} : memref<96x128xf32, #tpu.memory_space<vmem>>, vector<1x16xf32>,
        %mul3A_149 = arith.constant 2 : i32
        %mul3A_150 = arith.muli %mul3A_149, %add3A_115 : i32
        %add3A_151 = arith.constant 1 : i32
        %add3A_152 = arith.addi %mul3A_150, %add3A_151 : i32
        %get3A_153 = arith.index_cast %add3A_152 : i32 to index
        %get3A_154 = arith.constant 16 : index
        %get3A_155 = tpu.vector_load %arg5[%get3A_153, %get3A_154] {strides = array<i32>} : memref<192x64xf32, #tpu.memory_space<vmem>>, vector<1x16xf32>,
        %get3A_156 = vector.shape_cast %get3A_155 : vector<1x16xf32> to vector<16xf32>
        %swap3A_157 = arith.index_cast %add3A_115 : i32 to index
        %swap3A_158 = arith.constant 80 : index
        %swap3A_159 = tpu.vector_load %arg7[%swap3A_157, %swap3A_158] {strides = array<i32>} : memref<96x128xf32, #tpu.memory_space<vmem>>, vector<1x16xf32>,
        %swap3A_160 = vector.shape_cast %swap3A_159 : vector<1x16xf32> to vector<16xf32>
        %swap3A_161 = vector.shape_cast %get3A_156 : vector<16xf32> to vector<1x16xf32>
        tpu.vector_store %arg7[%swap3A_157, %swap3A_158], %swap3A_161 {strides = array<i32>} : memref<96x128xf32, #tpu.memory_space<vmem>>, vector<1x16xf32>,
        %mul3A_162 = arith.constant 2 : i32
        %mul3A_163 = arith.muli %mul3A_162, %add3A_115 : i32
        %get3A_164 = arith.index_cast %mul3A_163 : i32 to index
        %get3A_165 = arith.constant 32 : index
        %get3A_166 = tpu.vector_load %arg5[%get3A_164, %get3A_165] {strides = array<i32>} : memref<192x64xf32, #tpu.memory_space<vmem>>, vector<1x16xf32>,
        %get3A_167 = vector.shape_cast %get3A_166 : vector<1x16xf32> to vector<16xf32>
        %swap3A_168 = arith.index_cast %add3A_115 : i32 to index
        %swap3A_169 = arith.constant 32 : index
        %swap3A_170 = tpu.vector_load %arg7[%swap3A_168, %swap3A_169] {strides = array<i32>} : memref<96x128xf32, #tpu.memory_space<vmem>>, vector<1x16xf32>,
        %swap3A_171 = vector.shape_cast %swap3A_170 : vector<1x16xf32> to vector<16xf32>
        %swap3A_172 = vector.shape_cast %get3A_167 : vector<16xf32> to vector<1x16xf32>
        tpu.vector_store %arg7[%swap3A_168, %swap3A_169], %swap3A_172 {strides = array<i32>} : memref<96x128xf32, #tpu.memory_space<vmem>>, vector<1x16xf32>,
        %mul3A_173 = arith.constant 2 : i32
        %mul3A_174 = arith.muli %mul3A_173, %add3A_115 : i32
        %add3A_175 = arith.constant 1 : i32
        %add3A_176 = arith.addi %mul3A_174, %add3A_175 : i32
        %get3A_177 = arith.index_cast %add3A_176 : i32 to index
        %get3A_178 = arith.constant 32 : index
        %get3A_179 = tpu.vector_load %arg5[%get3A_177, %get3A_178] {strides = array<i32>} : memref<192x64xf32, #tpu.memory_space<vmem>>, vector<1x16xf32>,
        %get3A_180 = vector.shape_cast %get3A_179 : vector<1x16xf32> to vector<16xf32>
        %swap3A_181 = arith.index_cast %add3A_115 : i32 to index
        %swap3A_182 = arith.constant 96 : index
        %swap3A_183 = tpu.vector_load %arg7[%swap3A_181, %swap3A_182] {strides = array<i32>} : memref<96x128xf32, #tpu.memory_space<vmem>>, vector<1x16xf32>,
        %swap3A_184 = vector.shape_cast %swap3A_183 : vector<1x16xf32> to vector<16xf32>
        %swap3A_185 = vector.shape_cast %get3A_180 : vector<16xf32> to vector<1x16xf32>
        tpu.vector_store %arg7[%swap3A_181, %swap3A_182], %swap3A_185 {strides = array<i32>} : memref<96x128xf32, #tpu.memory_space<vmem>>, vector<1x16xf32>,
        %mul3A_186 = arith.constant 2 : i32
        %mul3A_187 = arith.muli %mul3A_186, %add3A_115 : i32
        %get3A_188 = arith.index_cast %mul3A_187 : i32 to index
        %get3A_189 = arith.constant 48 : index
        %get3A_190 = tpu.vector_load %arg5[%get3A_188, %get3A_189] {strides = array<i32>} : memref<192x64xf32, #tpu.memory_space<vmem>>, vector<1x16xf32>,
        %get3A_191 = vector.shape_cast %get3A_190 : vector<1x16xf32> to vector<16xf32>
        %swap3A_192 = arith.index_cast %add3A_115 : i32 to index
        %swap3A_193 = arith.constant 48 : index
        %swap3A_194 = tpu.vector_load %arg7[%swap3A_192, %swap3A_193] {strides = array<i32>} : memref<96x128xf32, #tpu.memory_space<vmem>>, vector<1x16xf32>,
        %swap3A_195 = vector.shape_cast %swap3A_194 : vector<1x16xf32> to vector<16xf32>
        %swap3A_196 = vector.shape_cast %get3A_191 : vector<16xf32> to vector<1x16xf32>
        tpu.vector_store %arg7[%swap3A_192, %swap3A_193], %swap3A_196 {strides = array<i32>} : memref<96x128xf32, #tpu.memory_space<vmem>>, vector<1x16xf32>,
        %mul3A_197 = arith.constant 2 : i32
        %mul3A_198 = arith.muli %mul3A_197, %add3A_115 : i32
        %add3A_199 = arith.constant 1 : i32
        %add3A_200 = arith.addi %mul3A_198, %add3A_199 : i32
        %get3A_201 = arith.index_cast %add3A_200 : i32 to index
        %get3A_202 = arith.constant 48 : index
        %get3A_203 = tpu.vector_load %arg5[%get3A_201, %get3A_202] {strides = array<i32>} : memref<192x64xf32, #tpu.memory_space<vmem>>, vector<1x16xf32>,
        %get3A_204 = vector.shape_cast %get3A_203 : vector<1x16xf32> to vector<16xf32>
        %swap3A_205 = arith.index_cast %add3A_115 : i32 to index
        %swap3A_206 = arith.constant 112 : index
        %swap3A_207 = tpu.vector_load %arg7[%swap3A_205, %swap3A_206] {strides = array<i32>} : memref<96x128xf32, #tpu.memory_space<vmem>>, vector<1x16xf32>,
        %swap3A_208 = vector.shape_cast %swap3A_207 : vector<1x16xf32> to vector<16xf32>
        %swap3A_209 = vector.shape_cast %get3A_204 : vector<16xf32> to vector<1x16xf32>
        tpu.vector_store %arg7[%swap3A_205, %swap3A_206], %swap3A_209 {strides = array<i32>} : memref<96x128xf32, #tpu.memory_space<vmem>>, vector<1x16xf32>,
        %mul3A_210 = arith.constant 2 : i32
        %mul3A_211 = arith.muli %mul3A_210, %scan3A_111 : i32
        %add3A_212 = arith.constant 1 : i32
        %add3A_213 = arith.addi %mul3A_211, %add3A_212 : i32
        %mul3A_214 = arith.constant 2 : i32
        %mul3A_215 = arith.muli %mul3A_214, %add3A_213 : i32
        %get3A_216 = arith.index_cast %mul3A_215 : i32 to index
        %get3A_217 = arith.constant 0 : index
        %get3A_218 = tpu.vector_load %arg5[%get3A_216, %get3A_217] {strides = array<i32>} : memref<192x64xf32, #tpu.memory_space<vmem>>, vector<1x16xf32>,
        %get3A_219 = vector.shape_cast %get3A_218 : vector<1x16xf32> to vector<16xf32>
        %swap3A_220 = arith.index_cast %add3A_213 : i32 to index
        %swap3A_221 = arith.constant 0 : index
        %swap3A_222 = tpu.vector_load %arg7[%swap3A_220, %swap3A_221] {strides = array<i32>} : memref<96x128xf32, #tpu.memory_space<vmem>>, vector<1x16xf32>,
        %swap3A_223 = vector.shape_cast %swap3A_222 : vector<1x16xf32> to vector<16xf32>
        %swap3A_224 = vector.shape_cast %get3A_219 : vector<16xf32> to vector<1x16xf32>
        tpu.vector_store %arg7[%swap3A_220, %swap3A_221], %swap3A_224 {strides = array<i32>} : memref<96x128xf32, #tpu.memory_space<vmem>>, vector<1x16xf32>,
        %mul3A_225 = arith.constant 2 : i32
        %mul3A_226 = arith.muli %mul3A_225, %add3A_213 : i32
        %add3A_227 = arith.constant 1 : i32
        %add3A_228 = arith.addi %mul3A_226, %add3A_227 : i32
        %get3A_229 = arith.index_cast %add3A_228 : i32 to index
        %get3A_230 = arith.constant 0 : index
        %get3A_231 = tpu.vector_load %arg5[%get3A_229, %get3A_230] {strides = array<i32>} : memref<192x64xf32, #tpu.memory_space<vmem>>, vector<1x16xf32>,
        %get3A_232 = vector.shape_cast %get3A_231 : vector<1x16xf32> to vector<16xf32>
        %swap3A_233 = arith.index_cast %add3A_213 : i32 to index
        %swap3A_234 = arith.constant 64 : index
        %swap3A_235 = tpu.vector_load %arg7[%swap3A_233, %swap3A_234] {strides = array<i32>} : memref<96x128xf32, #tpu.memory_space<vmem>>, vector<1x16xf32>,
        %swap3A_236 = vector.shape_cast %swap3A_235 : vector<1x16xf32> to vector<16xf32>
        %swap3A_237 = vector.shape_cast %get3A_232 : vector<16xf32> to vector<1x16xf32>
        tpu.vector_store %arg7[%swap3A_233, %swap3A_234], %swap3A_237 {strides = array<i32>} : memref<96x128xf32, #tpu.memory_space<vmem>>, vector<1x16xf32>,
        %mul3A_238 = arith.constant 2 : i32
        %mul3A_239 = arith.muli %mul3A_238, %add3A_213 : i32
        %get3A_240 = arith.index_cast %mul3A_239 : i32 to index
        %get3A_241 = arith.constant 16 : index
        %get3A_242 = tpu.vector_load %arg5[%get3A_240, %get3A_241] {strides = array<i32>} : memref<192x64xf32, #tpu.memory_space<vmem>>, vector<1x16xf32>,
        %get3A_243 = vector.shape_cast %get3A_242 : vector<1x16xf32> to vector<16xf32>
        %swap3A_244 = arith.index_cast %add3A_213 : i32 to index
        %swap3A_245 = arith.constant 16 : index
        %swap3A_246 = tpu.vector_load %arg7[%swap3A_244, %swap3A_245] {strides = array<i32>} : memref<96x128xf32, #tpu.memory_space<vmem>>, vector<1x16xf32>,
        %swap3A_247 = vector.shape_cast %swap3A_246 : vector<1x16xf32> to vector<16xf32>
        %swap3A_248 = vector.shape_cast %get3A_243 : vector<16xf32> to vector<1x16xf32>
        tpu.vector_store %arg7[%swap3A_244, %swap3A_245], %swap3A_248 {strides = array<i32>} : memref<96x128xf32, #tpu.memory_space<vmem>>, vector<1x16xf32>,
        %mul3A_249 = arith.constant 2 : i32
        %mul3A_250 = arith.muli %mul3A_249, %add3A_213 : i32
        %add3A_251 = arith.constant 1 : i32
        %add3A_252 = arith.addi %mul3A_250, %add3A_251 : i32
        %get3A_253 = arith.index_cast %add3A_252 : i32 to index
        %get3A_254 = arith.constant 16 : index
        %get3A_255 = tpu.vector_load %arg5[%get3A_253, %get3A_254] {strides = array<i32>} : memref<192x64xf32, #tpu.memory_space<vmem>>, vector<1x16xf32>,
        %get3A_256 = vector.shape_cast %get3A_255 : vector<1x16xf32> to vector<16xf32>
        %swap3A_257 = arith.index_cast %add3A_213 : i32 to index
        %swap3A_258 = arith.constant 80 : index
        %swap3A_259 = tpu.vector_load %arg7[%swap3A_257, %swap3A_258] {strides = array<i32>} : memref<96x128xf32, #tpu.memory_space<vmem>>, vector<1x16xf32>,
        %swap3A_260 = vector.shape_cast %swap3A_259 : vector<1x16xf32> to vector<16xf32>
        %swap3A_261 = vector.shape_cast %get3A_256 : vector<16xf32> to vector<1x16xf32>
        tpu.vector_store %arg7[%swap3A_257, %swap3A_258], %swap3A_261 {strides = array<i32>} : memref<96x128xf32, #tpu.memory_space<vmem>>, vector<1x16xf32>,
        %mul3A_262 = arith.constant 2 : i32
        %mul3A_263 = arith.muli %mul3A_262, %add3A_213 : i32
        %get3A_264 = arith.index_cast %mul3A_263 : i32 to index
        %get3A_265 = arith.constant 32 : index
        %get3A_266 = tpu.vector_load %arg5[%get3A_264, %get3A_265] {strides = array<i32>} : memref<192x64xf32, #tpu.memory_space<vmem>>, vector<1x16xf32>,
        %get3A_267 = vector.shape_cast %get3A_266 : vector<1x16xf32> to vector<16xf32>
        %swap3A_268 = arith.index_cast %add3A_213 : i32 to index
        %swap3A_269 = arith.constant 32 : index
        %swap3A_270 = tpu.vector_load %arg7[%swap3A_268, %swap3A_269] {strides = array<i32>} : memref<96x128xf32, #tpu.memory_space<vmem>>, vector<1x16xf32>,
        %swap3A_271 = vector.shape_cast %swap3A_270 : vector<1x16xf32> to vector<16xf32>
        %swap3A_272 = vector.shape_cast %get3A_267 : vector<16xf32> to vector<1x16xf32>
        tpu.vector_store %arg7[%swap3A_268, %swap3A_269], %swap3A_272 {strides = array<i32>} : memref<96x128xf32, #tpu.memory_space<vmem>>, vector<1x16xf32>,
        %mul3A_273 = arith.constant 2 : i32
        %mul3A_274 = arith.muli %mul3A_273, %add3A_213 : i32
        %add3A_275 = arith.constant 1 : i32
        %add3A_276 = arith.addi %mul3A_274, %add3A_275 : i32
        %get3A_277 = arith.index_cast %add3A_276 : i32 to index
        %get3A_278 = arith.constant 32 : index
        %get3A_279 = tpu.vector_load %arg5[%get3A_277, %get3A_278] {strides = array<i32>} : memref<192x64xf32, #tpu.memory_space<vmem>>, vector<1x16xf32>,
        %get3A_280 = vector.shape_cast %get3A_279 : vector<1x16xf32> to vector<16xf32>
        %swap3A_281 = arith.index_cast %add3A_213 : i32 to index
        %swap3A_282 = arith.constant 96 : index
        %swap3A_283 = tpu.vector_load %arg7[%swap3A_281, %swap3A_282] {strides = array<i32>} : memref<96x128xf32, #tpu.memory_space<vmem>>, vector<1x16xf32>,
        %swap3A_284 = vector.shape_cast %swap3A_283 : vector<1x16xf32> to vector<16xf32>
        %swap3A_285 = vector.shape_cast %get3A_280 : vector<16xf32> to vector<1x16xf32>
        tpu.vector_store %arg7[%swap3A_281, %swap3A_282], %swap3A_285 {strides = array<i32>} : memref<96x128xf32, #tpu.memory_space<vmem>>, vector<1x16xf32>,
        %mul3A_286 = arith.constant 2 : i32
        %mul3A_287 = arith.muli %mul3A_286, %add3A_213 : i32
        %get3A_288 = arith.index_cast %mul3A_287 : i32 to index
        %get3A_289 = arith.constant 48 : index
        %get3A_290 = tpu.vector_load %arg5[%get3A_288, %get3A_289] {strides = array<i32>} : memref<192x64xf32, #tpu.memory_space<vmem>>, vector<1x16xf32>,
        %get3A_291 = vector.shape_cast %get3A_290 : vector<1x16xf32> to vector<16xf32>
        %swap3A_292 = arith.index_cast %add3A_213 : i32 to index
        %swap3A_293 = arith.constant 48 : index
        %swap3A_294 = tpu.vector_load %arg7[%swap3A_292, %swap3A_293] {strides = array<i32>} : memref<96x128xf32, #tpu.memory_space<vmem>>, vector<1x16xf32>,
        %swap3A_295 = vector.shape_cast %swap3A_294 : vector<1x16xf32> to vector<16xf32>
        %swap3A_296 = vector.shape_cast %get3A_291 : vector<16xf32> to vector<1x16xf32>
        tpu.vector_store %arg7[%swap3A_292, %swap3A_293], %swap3A_296 {strides = array<i32>} : memref<96x128xf32, #tpu.memory_space<vmem>>, vector<1x16xf32>,
        %mul3A_297 = arith.constant 2 : i32
        %mul3A_298 = arith.muli %mul3A_297, %add3A_213 : i32
        %add3A_299 = arith.constant 1 : i32
        %add3A_300 = arith.addi %mul3A_298, %add3A_299 : i32
        %get3A_301 = arith.index_cast %add3A_300 : i32 to index
        %get3A_302 = arith.constant 48 : index
        %get3A_303 = tpu.vector_load %arg5[%get3A_301, %get3A_302] {strides = array<i32>} : memref<192x64xf32, #tpu.memory_space<vmem>>, vector<1x16xf32>,
        %get3A_304 = vector.shape_cast %get3A_303 : vector<1x16xf32> to vector<16xf32>
        %swap3A_305 = arith.index_cast %add3A_213 : i32 to index
        %swap3A_306 = arith.constant 112 : index
        %swap3A_307 = tpu.vector_load %arg7[%swap3A_305, %swap3A_306] {strides = array<i32>} : memref<96x128xf32, #tpu.memory_space<vmem>>, vector<1x16xf32>,
        %swap3A_308 = vector.shape_cast %swap3A_307 : vector<1x16xf32> to vector<16xf32>
        %swap3A_309 = vector.shape_cast %get3A_304 : vector<16xf32> to vector<1x16xf32>
        tpu.vector_store %arg7[%swap3A_305, %swap3A_306], %swap3A_309 {strides = array<i32>} : memref<96x128xf32, #tpu.memory_space<vmem>>, vector<1x16xf32>,
      }
      %scan3A_102 = arith.constant 48 : i32
      %add3A_103 = arith.addi %add3A_4, %add3A_44 : i32
      %mul3A_104 = arith.constant 96 : i32
      %mul3A_105 = arith.muli %add3A_103, %mul3A_104 : i32
      %multiple_of3A_106 = tpu.assume_multiple %mul3A_105, 8 : i32
      %dma_start3A_107 = arith.constant 0 : i32
      %dma_start3A_108 = tpu.memref_slice %arg3[%multiple_of3A_106, %dma_start3A_107] : memref<500004x128xf32, #tpu.memory_space<hbm>> -> memref<96x128xf32, #tpu.memory_space<hbm>>
      %dma_start3A_109 = arith.constant 0 : i32
      %dma_start3A_110 = tpu.memref_slice %arg3[%multiple_of3A_106, %dma_start3A_109] : memref<500004x128xf32, #tpu.memory_space<hbm>> -> memref<96x128xf32, #tpu.memory_space<hbm>>
      tpu.enqueue_dma source(%arg7 : memref<96x128xf32, #tpu.memory_space<vmem>>) target(%dma_start3A_110 : memref<96x128xf32, #tpu.memory_space<hbm>>) target_semaphore(%arg11 : memref<!tpu.dma_semaphore, #tpu.memory_space<semaphore_mem>>)
    }
    %scan3A_16 = arith.constant 81 : i32
    %add3A_17 = arith.constant 160 : i32
    %add3A_18 = arith.addi %add3A_4, %add3A_17 : i32
    %mul3A_19 = arith.constant 96 : i32
    %mul3A_20 = arith.muli %add3A_18, %mul3A_19 : i32
    %multiple_of3A_21 = tpu.assume_multiple %mul3A_20, 8 : i32
    %dma_wait3A = arith.constant 0 : i32
    %dma_wait3A_22 = tpu.memref_slice %arg3[%multiple_of3A_21, %dma_wait3A] : memref<500004x128xf32, #tpu.memory_space<hbm>> -> memref<96x128xf32, #tpu.memory_space<hbm>>
    %dma_wait3A_23 = arith.constant 0 : i32
    %dma_wait3A_24 = tpu.memref_slice %arg3[%multiple_of3A_21, %dma_wait3A_23] : memref<500004x128xf32, #tpu.memory_space<hbm>> -> memref<96x128xf32, #tpu.memory_space<hbm>>
    tpu.wait_dma2 semaphore(%arg10 : memref<!tpu.dma_semaphore, #tpu.memory_space<semaphore_mem>>) src(%arg6 : memref<96x128xf32, #tpu.memory_space<vmem>>) dst(%dma_wait3A_24 : memref<96x128xf32, #tpu.memory_space<hbm>>)
    %add3A_25 = arith.constant 161 : i32
    %add3A_26 = arith.addi %add3A_4, %add3A_25 : i32
    %mul3A_27 = arith.constant 96 : i32
    %mul3A_28 = arith.muli %add3A_26, %mul3A_27 : i32
    %multiple_of3A_29 = tpu.assume_multiple %mul3A_28, 8 : i32
    %dma_wait3A_30 = arith.constant 0 : i32
    %dma_wait3A_31 = tpu.memref_slice %arg3[%multiple_of3A_29, %dma_wait3A_30] : memref<500004x128xf32, #tpu.memory_space<hbm>> -> memref<96x128xf32, #tpu.memory_space<hbm>>
    %dma_wait3A_32 = arith.constant 0 : i32
    %dma_wait3A_33 = tpu.memref_slice %arg3[%multiple_of3A_29, %dma_wait3A_32] : memref<500004x128xf32, #tpu.memory_space<hbm>> -> memref<96x128xf32, #tpu.memory_space<hbm>>
    tpu.wait_dma2 semaphore(%arg11 : memref<!tpu.dma_semaphore, #tpu.memory_space<semaphore_mem>>) src(%arg7 : memref<96x128xf32, #tpu.memory_space<vmem>>) dst(%dma_wait3A_33 : memref<96x128xf32, #tpu.memory_space<hbm>>)
    %lt3A = arith.constant 24 : i32
    %lt3A_34 = arith.cmpi slt, %add3A, %lt3A : i32
    %convert_element_type3A = arith.extui %lt3A_34 : i1 to i32
    %cond3A = arith.constant 0 : i32
    %cond3A_35 = arith.cmpi ne, %convert_element_type3A, %cond3A : i32
    scf.if %cond3A_35 {
      %add3A_40 = arith.constant 162 : i32
      %add3A_41 = arith.addi %add3A_4, %add3A_40 : i32
      %mul3A_42 = arith.constant 192 : i32
      %mul3A_43 = arith.muli %add3A_41, %mul3A_42 : i32
      %multiple_of3A_44 = tpu.assume_multiple %mul3A_43, 8 : i32
      "tpu.region"() ({
        %run_scoped3A = tpu.sem_alloc : memref<!tpu.dma_semaphore, #tpu.memory_space<semaphore_mem>>
        %dma_start3A_56 = arith.constant 0 : i32
        %dma_start3A_57 = tpu.memref_slice %arg2[%multiple_of3A_44, %dma_start3A_56] : memref<1000001x64xf32, #tpu.memory_space<hbm>> -> memref<192x64xf32, #tpu.memory_space<hbm>>
        %dma_start3A_58 = arith.constant 0 : i32
        %dma_start3A_59 = tpu.memref_slice %arg2[%multiple_of3A_44, %dma_start3A_58] : memref<1000001x64xf32, #tpu.memory_space<hbm>> -> memref<192x64xf32, #tpu.memory_space<hbm>>
        tpu.enqueue_dma source(%dma_start3A_59 : memref<192x64xf32, #tpu.memory_space<hbm>>) target(%arg4 : memref<192x64xf32, #tpu.memory_space<vmem>>) target_semaphore(%run_scoped3A : memref<!tpu.dma_semaphore, #tpu.memory_space<semaphore_mem>>)
        %dma_wait3A_60 = arith.constant 0 : i32
        %dma_wait3A_61 = tpu.memref_slice %arg2[%multiple_of3A_44, %dma_wait3A_60] : memref<1000001x64xf32, #tpu.memory_space<hbm>> -> memref<192x64xf32, #tpu.memory_space<hbm>>
        %dma_wait3A_62 = arith.constant 0 : i32
        %dma_wait3A_63 = tpu.memref_slice %arg2[%multiple_of3A_44, %dma_wait3A_62] : memref<1000001x64xf32, #tpu.memory_space<hbm>> -> memref<192x64xf32, #tpu.memory_space<hbm>>
        tpu.wait_dma2 semaphore(%run_scoped3A : memref<!tpu.dma_semaphore, #tpu.memory_space<semaphore_mem>>) src(%dma_wait3A_63 : memref<192x64xf32, #tpu.memory_space<hbm>>) dst(%arg4 : memref<192x64xf32, #tpu.memory_space<vmem>>)
        tpu.yield
      }) : () -> ()
      %scan3A_45 = arith.constant 0 : i32
      %scan3A_46 = arith.constant 0 : i32
      %scan3A_47 = arith.constant 48 : i32
      %scan3A_48 = arith.addi %scan3A_46, %scan3A_47 : i32
      %scan3A_49 = arith.constant 1 : i32
      scf.for %scan3A_56 = %scan3A_46 to %scan3A_48 step %scan3A_49  : i32 {
        %mul3A_57 = arith.constant 2 : i32
        %mul3A_58 = arith.muli %mul3A_57, %scan3A_56 : i32
        %add3A_59 = arith.constant 0 : i32
        %add3A_60 = arith.addi %mul3A_58, %add3A_59 : i32
        %mul3A_61 = arith.constant 2 : i32
        %mul3A_62 = arith.muli %mul3A_61, %add3A_60 : i32
        %get3A = arith.index_cast %mul3A_62 : i32 to index
        %get3A_63 = arith.constant 0 : index
        %get3A_64 = tpu.vector_load %arg4[%get3A, %get3A_63] {strides = array<i32>} : memref<192x64xf32, #tpu.memory_space<vmem>>, vector<1x16xf32>,
        %get3A_65 = vector.shape_cast %get3A_64 : vector<1x16xf32> to vector<16xf32>
        %swap3A = arith.index_cast %add3A_60 : i32 to index
        %swap3A_66 = arith.constant 0 : index
        %swap3A_67 = tpu.vector_load %arg6[%swap3A, %swap3A_66] {strides = array<i32>} : memref<96x128xf32, #tpu.memory_space<vmem>>, vector<1x16xf32>,
        %swap3A_68 = vector.shape_cast %swap3A_67 : vector<1x16xf32> to vector<16xf32>
        %swap3A_69 = vector.shape_cast %get3A_65 : vector<16xf32> to vector<1x16xf32>
        tpu.vector_store %arg6[%swap3A, %swap3A_66], %swap3A_69 {strides = array<i32>} : memref<96x128xf32, #tpu.memory_space<vmem>>, vector<1x16xf32>,
        %mul3A_70 = arith.constant 2 : i32
        %mul3A_71 = arith.muli %mul3A_70, %add3A_60 : i32
        %add3A_72 = arith.constant 1 : i32
        %add3A_73 = arith.addi %mul3A_71, %add3A_72 : i32
        %get3A_74 = arith.index_cast %add3A_73 : i32 to index
        %get3A_75 = arith.constant 0 : index
        %get3A_76 = tpu.vector_load %arg4[%get3A_74, %get3A_75] {strides = array<i32>} : memref<192x64xf32, #tpu.memory_space<vmem>>, vector<1x16xf32>,
        %get3A_77 = vector.shape_cast %get3A_76 : vector<1x16xf32> to vector<16xf32>
        %swap3A_78 = arith.index_cast %add3A_60 : i32 to index
        %swap3A_79 = arith.constant 64 : index
        %swap3A_80 = tpu.vector_load %arg6[%swap3A_78, %swap3A_79] {strides = array<i32>} : memref<96x128xf32, #tpu.memory_space<vmem>>, vector<1x16xf32>,
        %swap3A_81 = vector.shape_cast %swap3A_80 : vector<1x16xf32> to vector<16xf32>
        %swap3A_82 = vector.shape_cast %get3A_77 : vector<16xf32> to vector<1x16xf32>
        tpu.vector_store %arg6[%swap3A_78, %swap3A_79], %swap3A_82 {strides = array<i32>} : memref<96x128xf32, #tpu.memory_space<vmem>>, vector<1x16xf32>,
        %mul3A_83 = arith.constant 2 : i32
        %mul3A_84 = arith.muli %mul3A_83, %add3A_60 : i32
        %get3A_85 = arith.index_cast %mul3A_84 : i32 to index
        %get3A_86 = arith.constant 16 : index
        %get3A_87 = tpu.vector_load %arg4[%get3A_85, %get3A_86] {strides = array<i32>} : memref<192x64xf32, #tpu.memory_space<vmem>>, vector<1x16xf32>,
        %get3A_88 = vector.shape_cast %get3A_87 : vector<1x16xf32> to vector<16xf32>
        %swap3A_89 = arith.index_cast %add3A_60 : i32 to index
        %swap3A_90 = arith.constant 16 : index
        %swap3A_91 = tpu.vector_load %arg6[%swap3A_89, %swap3A_90] {strides = array<i32>} : memref<96x128xf32, #tpu.memory_space<vmem>>, vector<1x16xf32>,
        %swap3A_92 = vector.shape_cast %swap3A_91 : vector<1x16xf32> to vector<16xf32>
        %swap3A_93 = vector.shape_cast %get3A_88 : vector<16xf32> to vector<1x16xf32>
        tpu.vector_store %arg6[%swap3A_89, %swap3A_90], %swap3A_93 {strides = array<i32>} : memref<96x128xf32, #tpu.memory_space<vmem>>, vector<1x16xf32>,
        %mul3A_94 = arith.constant 2 : i32
        %mul3A_95 = arith.muli %mul3A_94, %add3A_60 : i32
        %add3A_96 = arith.constant 1 : i32
        %add3A_97 = arith.addi %mul3A_95, %add3A_96 : i32
        %get3A_98 = arith.index_cast %add3A_97 : i32 to index
        %get3A_99 = arith.constant 16 : index
        %get3A_100 = tpu.vector_load %arg4[%get3A_98, %get3A_99] {strides = array<i32>} : memref<192x64xf32, #tpu.memory_space<vmem>>, vector<1x16xf32>,
        %get3A_101 = vector.shape_cast %get3A_100 : vector<1x16xf32> to vector<16xf32>
        %swap3A_102 = arith.index_cast %add3A_60 : i32 to index
        %swap3A_103 = arith.constant 80 : index
        %swap3A_104 = tpu.vector_load %arg6[%swap3A_102, %swap3A_103] {strides = array<i32>} : memref<96x128xf32, #tpu.memory_space<vmem>>, vector<1x16xf32>,
        %swap3A_105 = vector.shape_cast %swap3A_104 : vector<1x16xf32> to vector<16xf32>
        %swap3A_106 = vector.shape_cast %get3A_101 : vector<16xf32> to vector<1x16xf32>
        tpu.vector_store %arg6[%swap3A_102, %swap3A_103], %swap3A_106 {strides = array<i32>} : memref<96x128xf32, #tpu.memory_space<vmem>>, vector<1x16xf32>,
        %mul3A_107 = arith.constant 2 : i32
        %mul3A_108 = arith.muli %mul3A_107, %add3A_60 : i32
        %get3A_109 = arith.index_cast %mul3A_108 : i32 to index
        %get3A_110 = arith.constant 32 : index
        %get3A_111 = tpu.vector_load %arg4[%get3A_109, %get3A_110] {strides = array<i32>} : memref<192x64xf32, #tpu.memory_space<vmem>>, vector<1x16xf32>,
        %get3A_112 = vector.shape_cast %get3A_111 : vector<1x16xf32> to vector<16xf32>
        %swap3A_113 = arith.index_cast %add3A_60 : i32 to index
        %swap3A_114 = arith.constant 32 : index
        %swap3A_115 = tpu.vector_load %arg6[%swap3A_113, %swap3A_114] {strides = array<i32>} : memref<96x128xf32, #tpu.memory_space<vmem>>, vector<1x16xf32>,
        %swap3A_116 = vector.shape_cast %swap3A_115 : vector<1x16xf32> to vector<16xf32>
        %swap3A_117 = vector.shape_cast %get3A_112 : vector<16xf32> to vector<1x16xf32>
        tpu.vector_store %arg6[%swap3A_113, %swap3A_114], %swap3A_117 {strides = array<i32>} : memref<96x128xf32, #tpu.memory_space<vmem>>, vector<1x16xf32>,
        %mul3A_118 = arith.constant 2 : i32
        %mul3A_119 = arith.muli %mul3A_118, %add3A_60 : i32
        %add3A_120 = arith.constant 1 : i32
        %add3A_121 = arith.addi %mul3A_119, %add3A_120 : i32
        %get3A_122 = arith.index_cast %add3A_121 : i32 to index
        %get3A_123 = arith.constant 32 : index
        %get3A_124 = tpu.vector_load %arg4[%get3A_122, %get3A_123] {strides = array<i32>} : memref<192x64xf32, #tpu.memory_space<vmem>>, vector<1x16xf32>,
        %get3A_125 = vector.shape_cast %get3A_124 : vector<1x16xf32> to vector<16xf32>
        %swap3A_126 = arith.index_cast %add3A_60 : i32 to index
        %swap3A_127 = arith.constant 96 : index
        %swap3A_128 = tpu.vector_load %arg6[%swap3A_126, %swap3A_127] {strides = array<i32>} : memref<96x128xf32, #tpu.memory_space<vmem>>, vector<1x16xf32>,
        %swap3A_129 = vector.shape_cast %swap3A_128 : vector<1x16xf32> to vector<16xf32>
        %swap3A_130 = vector.shape_cast %get3A_125 : vector<16xf32> to vector<1x16xf32>
        tpu.vector_store %arg6[%swap3A_126, %swap3A_127], %swap3A_130 {strides = array<i32>} : memref<96x128xf32, #tpu.memory_space<vmem>>, vector<1x16xf32>,
        %mul3A_131 = arith.constant 2 : i32
        %mul3A_132 = arith.muli %mul3A_131, %add3A_60 : i32
        %get3A_133 = arith.index_cast %mul3A_132 : i32 to index
        %get3A_134 = arith.constant 48 : index
        %get3A_135 = tpu.vector_load %arg4[%get3A_133, %get3A_134] {strides = array<i32>} : memref<192x64xf32, #tpu.memory_space<vmem>>, vector<1x16xf32>,
        %get3A_136 = vector.shape_cast %get3A_135 : vector<1x16xf32> to vector<16xf32>
        %swap3A_137 = arith.index_cast %add3A_60 : i32 to index
        %swap3A_138 = arith.constant 48 : index
        %swap3A_139 = tpu.vector_load %arg6[%swap3A_137, %swap3A_138] {strides = array<i32>} : memref<96x128xf32, #tpu.memory_space<vmem>>, vector<1x16xf32>,
        %swap3A_140 = vector.shape_cast %swap3A_139 : vector<1x16xf32> to vector<16xf32>
        %swap3A_141 = vector.shape_cast %get3A_136 : vector<16xf32> to vector<1x16xf32>
        tpu.vector_store %arg6[%swap3A_137, %swap3A_138], %swap3A_141 {strides = array<i32>} : memref<96x128xf32, #tpu.memory_space<vmem>>, vector<1x16xf32>,
        %mul3A_142 = arith.constant 2 : i32
        %mul3A_143 = arith.muli %mul3A_142, %add3A_60 : i32
        %add3A_144 = arith.constant 1 : i32
        %add3A_145 = arith.addi %mul3A_143, %add3A_144 : i32
        %get3A_146 = arith.index_cast %add3A_145 : i32 to index
        %get3A_147 = arith.constant 48 : index
        %get3A_148 = tpu.vector_load %arg4[%get3A_146, %get3A_147] {strides = array<i32>} : memref<192x64xf32, #tpu.memory_space<vmem>>, vector<1x16xf32>,
        %get3A_149 = vector.shape_cast %get3A_148 : vector<1x16xf32> to vector<16xf32>
        %swap3A_150 = arith.index_cast %add3A_60 : i32 to index
        %swap3A_151 = arith.constant 112 : index
        %swap3A_152 = tpu.vector_load %arg6[%swap3A_150, %swap3A_151] {strides = array<i32>} : memref<96x128xf32, #tpu.memory_space<vmem>>, vector<1x16xf32>,
        %swap3A_153 = vector.shape_cast %swap3A_152 : vector<1x16xf32> to vector<16xf32>
        %swap3A_154 = vector.shape_cast %get3A_149 : vector<16xf32> to vector<1x16xf32>
        tpu.vector_store %arg6[%swap3A_150, %swap3A_151], %swap3A_154 {strides = array<i32>} : memref<96x128xf32, #tpu.memory_space<vmem>>, vector<1x16xf32>,
        %mul3A_155 = arith.constant 2 : i32
        %mul3A_156 = arith.muli %mul3A_155, %scan3A_56 : i32
        %add3A_157 = arith.constant 1 : i32
        %add3A_158 = arith.addi %mul3A_156, %add3A_157 : i32
        %mul3A_159 = arith.constant 2 : i32
        %mul3A_160 = arith.muli %mul3A_159, %add3A_158 : i32
        %get3A_161 = arith.index_cast %mul3A_160 : i32 to index
        %get3A_162 = arith.constant 0 : index
        %get3A_163 = tpu.vector_load %arg4[%get3A_161, %get3A_162] {strides = array<i32>} : memref<192x64xf32, #tpu.memory_space<vmem>>, vector<1x16xf32>,
        %get3A_164 = vector.shape_cast %get3A_163 : vector<1x16xf32> to vector<16xf32>
        %swap3A_165 = arith.index_cast %add3A_158 : i32 to index
        %swap3A_166 = arith.constant 0 : index
        %swap3A_167 = tpu.vector_load %arg6[%swap3A_165, %swap3A_166] {strides = array<i32>} : memref<96x128xf32, #tpu.memory_space<vmem>>, vector<1x16xf32>,
        %swap3A_168 = vector.shape_cast %swap3A_167 : vector<1x16xf32> to vector<16xf32>
        %swap3A_169 = vector.shape_cast %get3A_164 : vector<16xf32> to vector<1x16xf32>
        tpu.vector_store %arg6[%swap3A_165, %swap3A_166], %swap3A_169 {strides = array<i32>} : memref<96x128xf32, #tpu.memory_space<vmem>>, vector<1x16xf32>,
        %mul3A_170 = arith.constant 2 : i32
        %mul3A_171 = arith.muli %mul3A_170, %add3A_158 : i32
        %add3A_172 = arith.constant 1 : i32
        %add3A_173 = arith.addi %mul3A_171, %add3A_172 : i32
        %get3A_174 = arith.index_cast %add3A_173 : i32 to index
        %get3A_175 = arith.constant 0 : index
        %get3A_176 = tpu.vector_load %arg4[%get3A_174, %get3A_175] {strides = array<i32>} : memref<192x64xf32, #tpu.memory_space<vmem>>, vector<1x16xf32>,
        %get3A_177 = vector.shape_cast %get3A_176 : vector<1x16xf32> to vector<16xf32>
        %swap3A_178 = arith.index_cast %add3A_158 : i32 to index
        %swap3A_179 = arith.constant 64 : index
        %swap3A_180 = tpu.vector_load %arg6[%swap3A_178, %swap3A_179] {strides = array<i32>} : memref<96x128xf32, #tpu.memory_space<vmem>>, vector<1x16xf32>,
        %swap3A_181 = vector.shape_cast %swap3A_180 : vector<1x16xf32> to vector<16xf32>
        %swap3A_182 = vector.shape_cast %get3A_177 : vector<16xf32> to vector<1x16xf32>
        tpu.vector_store %arg6[%swap3A_178, %swap3A_179], %swap3A_182 {strides = array<i32>} : memref<96x128xf32, #tpu.memory_space<vmem>>, vector<1x16xf32>,
        %mul3A_183 = arith.constant 2 : i32
        %mul3A_184 = arith.muli %mul3A_183, %add3A_158 : i32
        %get3A_185 = arith.index_cast %mul3A_184 : i32 to index
        %get3A_186 = arith.constant 16 : index
        %get3A_187 = tpu.vector_load %arg4[%get3A_185, %get3A_186] {strides = array<i32>} : memref<192x64xf32, #tpu.memory_space<vmem>>, vector<1x16xf32>,
        %get3A_188 = vector.shape_cast %get3A_187 : vector<1x16xf32> to vector<16xf32>
        %swap3A_189 = arith.index_cast %add3A_158 : i32 to index
        %swap3A_190 = arith.constant 16 : index
        %swap3A_191 = tpu.vector_load %arg6[%swap3A_189, %swap3A_190] {strides = array<i32>} : memref<96x128xf32, #tpu.memory_space<vmem>>, vector<1x16xf32>,
        %swap3A_192 = vector.shape_cast %swap3A_191 : vector<1x16xf32> to vector<16xf32>
        %swap3A_193 = vector.shape_cast %get3A_188 : vector<16xf32> to vector<1x16xf32>
        tpu.vector_store %arg6[%swap3A_189, %swap3A_190], %swap3A_193 {strides = array<i32>} : memref<96x128xf32, #tpu.memory_space<vmem>>, vector<1x16xf32>,
        %mul3A_194 = arith.constant 2 : i32
        %mul3A_195 = arith.muli %mul3A_194, %add3A_158 : i32
        %add3A_196 = arith.constant 1 : i32
        %add3A_197 = arith.addi %mul3A_195, %add3A_196 : i32
        %get3A_198 = arith.index_cast %add3A_197 : i32 to index
        %get3A_199 = arith.constant 16 : index
        %get3A_200 = tpu.vector_load %arg4[%get3A_198, %get3A_199] {strides = array<i32>} : memref<192x64xf32, #tpu.memory_space<vmem>>, vector<1x16xf32>,
        %get3A_201 = vector.shape_cast %get3A_200 : vector<1x16xf32> to vector<16xf32>
        %swap3A_202 = arith.index_cast %add3A_158 : i32 to index
        %swap3A_203 = arith.constant 80 : index
        %swap3A_204 = tpu.vector_load %arg6[%swap3A_202, %swap3A_203] {strides = array<i32>} : memref<96x128xf32, #tpu.memory_space<vmem>>, vector<1x16xf32>,
        %swap3A_205 = vector.shape_cast %swap3A_204 : vector<1x16xf32> to vector<16xf32>
        %swap3A_206 = vector.shape_cast %get3A_201 : vector<16xf32> to vector<1x16xf32>
        tpu.vector_store %arg6[%swap3A_202, %swap3A_203], %swap3A_206 {strides = array<i32>} : memref<96x128xf32, #tpu.memory_space<vmem>>, vector<1x16xf32>,
        %mul3A_207 = arith.constant 2 : i32
        %mul3A_208 = arith.muli %mul3A_207, %add3A_158 : i32
        %get3A_209 = arith.index_cast %mul3A_208 : i32 to index
        %get3A_210 = arith.constant 32 : index
        %get3A_211 = tpu.vector_load %arg4[%get3A_209, %get3A_210] {strides = array<i32>} : memref<192x64xf32, #tpu.memory_space<vmem>>, vector<1x16xf32>,
        %get3A_212 = vector.shape_cast %get3A_211 : vector<1x16xf32> to vector<16xf32>
        %swap3A_213 = arith.index_cast %add3A_158 : i32 to index
        %swap3A_214 = arith.constant 32 : index
        %swap3A_215 = tpu.vector_load %arg6[%swap3A_213, %swap3A_214] {strides = array<i32>} : memref<96x128xf32, #tpu.memory_space<vmem>>, vector<1x16xf32>,
        %swap3A_216 = vector.shape_cast %swap3A_215 : vector<1x16xf32> to vector<16xf32>
        %swap3A_217 = vector.shape_cast %get3A_212 : vector<16xf32> to vector<1x16xf32>
        tpu.vector_store %arg6[%swap3A_213, %swap3A_214], %swap3A_217 {strides = array<i32>} : memref<96x128xf32, #tpu.memory_space<vmem>>, vector<1x16xf32>,
        %mul3A_218 = arith.constant 2 : i32
        %mul3A_219 = arith.muli %mul3A_218, %add3A_158 : i32
        %add3A_220 = arith.constant 1 : i32
        %add3A_221 = arith.addi %mul3A_219, %add3A_220 : i32
        %get3A_222 = arith.index_cast %add3A_221 : i32 to index
        %get3A_223 = arith.constant 32 : index
        %get3A_224 = tpu.vector_load %arg4[%get3A_222, %get3A_223] {strides = array<i32>} : memref<192x64xf32, #tpu.memory_space<vmem>>, vector<1x16xf32>,
        %get3A_225 = vector.shape_cast %get3A_224 : vector<1x16xf32> to vector<16xf32>
        %swap3A_226 = arith.index_cast %add3A_158 : i32 to index
        %swap3A_227 = arith.constant 96 : index
        %swap3A_228 = tpu.vector_load %arg6[%swap3A_226, %swap3A_227] {strides = array<i32>} : memref<96x128xf32, #tpu.memory_space<vmem>>, vector<1x16xf32>,
        %swap3A_229 = vector.shape_cast %swap3A_228 : vector<1x16xf32> to vector<16xf32>
        %swap3A_230 = vector.shape_cast %get3A_225 : vector<16xf32> to vector<1x16xf32>
        tpu.vector_store %arg6[%swap3A_226, %swap3A_227], %swap3A_230 {strides = array<i32>} : memref<96x128xf32, #tpu.memory_space<vmem>>, vector<1x16xf32>,
        %mul3A_231 = arith.constant 2 : i32
        %mul3A_232 = arith.muli %mul3A_231, %add3A_158 : i32
        %get3A_233 = arith.index_cast %mul3A_232 : i32 to index
        %get3A_234 = arith.constant 48 : index
        %get3A_235 = tpu.vector_load %arg4[%get3A_233, %get3A_234] {strides = array<i32>} : memref<192x64xf32, #tpu.memory_space<vmem>>, vector<1x16xf32>,
        %get3A_236 = vector.shape_cast %get3A_235 : vector<1x16xf32> to vector<16xf32>
        %swap3A_237 = arith.index_cast %add3A_158 : i32 to index
        %swap3A_238 = arith.constant 48 : index
        %swap3A_239 = tpu.vector_load %arg6[%swap3A_237, %swap3A_238] {strides = array<i32>} : memref<96x128xf32, #tpu.memory_space<vmem>>, vector<1x16xf32>,
        %swap3A_240 = vector.shape_cast %swap3A_239 : vector<1x16xf32> to vector<16xf32>
        %swap3A_241 = vector.shape_cast %get3A_236 : vector<16xf32> to vector<1x16xf32>
        tpu.vector_store %arg6[%swap3A_237, %swap3A_238], %swap3A_241 {strides = array<i32>} : memref<96x128xf32, #tpu.memory_space<vmem>>, vector<1x16xf32>,
        %mul3A_242 = arith.constant 2 : i32
        %mul3A_243 = arith.muli %mul3A_242, %add3A_158 : i32
        %add3A_244 = arith.constant 1 : i32
        %add3A_245 = arith.addi %mul3A_243, %add3A_244 : i32
        %get3A_246 = arith.index_cast %add3A_245 : i32 to index
        %get3A_247 = arith.constant 48 : index
        %get3A_248 = tpu.vector_load %arg4[%get3A_246, %get3A_247] {strides = array<i32>} : memref<192x64xf32, #tpu.memory_space<vmem>>, vector<1x16xf32>,
        %get3A_249 = vector.shape_cast %get3A_248 : vector<1x16xf32> to vector<16xf32>
        %swap3A_250 = arith.index_cast %add3A_158 : i32 to index
        %swap3A_251 = arith.constant 112 : index
        %swap3A_252 = tpu.vector_load %arg6[%swap3A_250, %swap3A_251] {strides = array<i32>} : memref<96x128xf32, #tpu.memory_space<vmem>>, vector<1x16xf32>,
        %swap3A_253 = vector.shape_cast %swap3A_252 : vector<1x16xf32> to vector<16xf32>
        %swap3A_254 = vector.shape_cast %get3A_249 : vector<16xf32> to vector<1x16xf32>
        tpu.vector_store %arg6[%swap3A_250, %swap3A_251], %swap3A_254 {strides = array<i32>} : memref<96x128xf32, #tpu.memory_space<vmem>>, vector<1x16xf32>,
      }
      %scan3A_50 = arith.constant 48 : i32
      %add3A_51 = arith.constant 162 : i32
      %add3A_52 = arith.addi %add3A_4, %add3A_51 : i32
      %mul3A_53 = arith.constant 96 : i32
      %mul3A_54 = arith.muli %add3A_52, %mul3A_53 : i32
      %multiple_of3A_55 = tpu.assume_multiple %mul3A_54, 8 : i32
      "tpu.region"() ({
        %run_scoped3A = tpu.sem_alloc : memref<!tpu.dma_semaphore, #tpu.memory_space<semaphore_mem>>
        %dma_start3A_56 = arith.constant 0 : i32
        %dma_start3A_57 = tpu.memref_slice %arg3[%multiple_of3A_55, %dma_start3A_56] : memref<500004x128xf32, #tpu.memory_space<hbm>> -> memref<96x128xf32, #tpu.memory_space<hbm>>
        %dma_start3A_58 = arith.constant 0 : i32
        %dma_start3A_59 = tpu.memref_slice %arg3[%multiple_of3A_55, %dma_start3A_58] : memref<500004x128xf32, #tpu.memory_space<hbm>> -> memref<96x128xf32, #tpu.memory_space<hbm>>
        tpu.enqueue_dma source(%arg6 : memref<96x128xf32, #tpu.memory_space<vmem>>) target(%dma_start3A_59 : memref<96x128xf32, #tpu.memory_space<hbm>>) target_semaphore(%run_scoped3A : memref<!tpu.dma_semaphore, #tpu.memory_space<semaphore_mem>>)
        %dma_wait3A_60 = arith.constant 0 : i32
        %dma_wait3A_61 = tpu.memref_slice %arg3[%multiple_of3A_55, %dma_wait3A_60] : memref<500004x128xf32, #tpu.memory_space<hbm>> -> memref<96x128xf32, #tpu.memory_space<hbm>>
        %dma_wait3A_62 = arith.constant 0 : i32
        %dma_wait3A_63 = tpu.memref_slice %arg3[%multiple_of3A_55, %dma_wait3A_62] : memref<500004x128xf32, #tpu.memory_space<hbm>> -> memref<96x128xf32, #tpu.memory_space<hbm>>
        tpu.wait_dma2 semaphore(%run_scoped3A : memref<!tpu.dma_semaphore, #tpu.memory_space<semaphore_mem>>) src(%arg6 : memref<96x128xf32, #tpu.memory_space<vmem>>) dst(%dma_wait3A_63 : memref<96x128xf32, #tpu.memory_space<hbm>>)
        tpu.yield
      }) : () -> ()
    } else {
    }
    %eq3A = arith.constant 31 : i32
    %eq3A_36 = arith.cmpi eq, %add3A, %eq3A : i32
    %convert_element_type3A_37 = arith.extui %eq3A_36 : i1 to i32
    %cond3A_38 = arith.constant 0 : i32
    %cond3A_39 = arith.cmpi ne, %convert_element_type3A_37, %cond3A_38 : i32
    scf.if %cond3A_39 {
      "tpu.region"() ({
        %run_scoped3A = tpu.sem_alloc : memref<!tpu.dma_semaphore, #tpu.memory_space<semaphore_mem>>
        %dma_start3A_52 = arith.constant 0 : i32
        %dma_start3A_53 = arith.constant 0 : i32
        %dma_start3A_54 = tpu.memref_slice %arg4[%dma_start3A_52, %dma_start3A_53] : memref<192x64xf32, #tpu.memory_space<vmem>> -> memref<64x64xf32, #tpu.memory_space<vmem>>
        %dma_start3A_55 = arith.constant 999936 : i32
        %dma_start3A_56 = arith.constant 0 : i32
        %dma_start3A_57 = tpu.memref_slice %arg2[%dma_start3A_55, %dma_start3A_56] : memref<1000001x64xf32, #tpu.memory_space<hbm>> -> memref<64x64xf32, #tpu.memory_space<hbm>>
        %dma_start3A_58 = arith.constant 0 : i32
        %dma_start3A_59 = arith.constant 0 : i32
        %dma_start3A_60 = tpu.memref_slice %arg4[%dma_start3A_58, %dma_start3A_59] : memref<192x64xf32, #tpu.memory_space<vmem>> -> memref<64x64xf32, #tpu.memory_space<vmem>>
        %dma_start3A_61 = arith.constant 999936 : i32
        %dma_start3A_62 = arith.constant 0 : i32
        %dma_start3A_63 = tpu.memref_slice %arg2[%dma_start3A_61, %dma_start3A_62] : memref<1000001x64xf32, #tpu.memory_space<hbm>> -> memref<64x64xf32, #tpu.memory_space<hbm>>
        tpu.enqueue_dma source(%dma_start3A_63 : memref<64x64xf32, #tpu.memory_space<hbm>>) target(%dma_start3A_60 : memref<64x64xf32, #tpu.memory_space<vmem>>) target_semaphore(%run_scoped3A : memref<!tpu.dma_semaphore, #tpu.memory_space<semaphore_mem>>)
        %dma_wait3A_64 = arith.constant 0 : i32
        %dma_wait3A_65 = arith.constant 0 : i32
        %dma_wait3A_66 = tpu.memref_slice %arg4[%dma_wait3A_64, %dma_wait3A_65] : memref<192x64xf32, #tpu.memory_space<vmem>> -> memref<64x64xf32, #tpu.memory_space<vmem>>
        %dma_wait3A_67 = arith.constant 999936 : i32
        %dma_wait3A_68 = arith.constant 0 : i32
        %dma_wait3A_69 = tpu.memref_slice %arg2[%dma_wait3A_67, %dma_wait3A_68] : memref<1000001x64xf32, #tpu.memory_space<hbm>> -> memref<64x64xf32, #tpu.memory_space<hbm>>
        %dma_wait3A_70 = arith.constant 0 : i32
        %dma_wait3A_71 = arith.constant 0 : i32
        %dma_wait3A_72 = tpu.memref_slice %arg4[%dma_wait3A_70, %dma_wait3A_71] : memref<192x64xf32, #tpu.memory_space<vmem>> -> memref<64x64xf32, #tpu.memory_space<vmem>>
        %dma_wait3A_73 = arith.constant 999936 : i32
        %dma_wait3A_74 = arith.constant 0 : i32
        %dma_wait3A_75 = tpu.memref_slice %arg2[%dma_wait3A_73, %dma_wait3A_74] : memref<1000001x64xf32, #tpu.memory_space<hbm>> -> memref<64x64xf32, #tpu.memory_space<hbm>>
        tpu.wait_dma2 semaphore(%run_scoped3A : memref<!tpu.dma_semaphore, #tpu.memory_space<semaphore_mem>>) src(%dma_wait3A_75 : memref<64x64xf32, #tpu.memory_space<hbm>>) dst(%dma_wait3A_72 : memref<64x64xf32, #tpu.memory_space<vmem>>)
        tpu.yield
      }) : () -> ()
      %scan3A_40 = arith.constant 0 : i32
      %scan3A_41 = arith.constant 0 : i32
      %scan3A_42 = arith.constant 16 : i32
      %scan3A_43 = arith.addi %scan3A_41, %scan3A_42 : i32
      %scan3A_44 = arith.constant 1 : i32
      scf.for %scan3A_52 = %scan3A_41 to %scan3A_43 step %scan3A_44  : i32 {
        %mul3A_53 = arith.constant 2 : i32
        %mul3A_54 = arith.muli %mul3A_53, %scan3A_52 : i32
        %add3A_55 = arith.constant 0 : i32
        %add3A_56 = arith.addi %mul3A_54, %add3A_55 : i32
        %mul3A_57 = arith.constant 2 : i32
        %mul3A_58 = arith.muli %mul3A_57, %add3A_56 : i32
        %get3A = arith.index_cast %mul3A_58 : i32 to index
        %get3A_59 = arith.constant 0 : index
        %get3A_60 = tpu.vector_load %arg4[%get3A, %get3A_59] {strides = array<i32>} : memref<192x64xf32, #tpu.memory_space<vmem>>, vector<1x16xf32>,
        %get3A_61 = vector.shape_cast %get3A_60 : vector<1x16xf32> to vector<16xf32>
        %swap3A = arith.index_cast %add3A_56 : i32 to index
        %swap3A_62 = arith.constant 0 : index
        %swap3A_63 = tpu.vector_load %arg6[%swap3A, %swap3A_62] {strides = array<i32>} : memref<96x128xf32, #tpu.memory_space<vmem>>, vector<1x16xf32>,
        %swap3A_64 = vector.shape_cast %swap3A_63 : vector<1x16xf32> to vector<16xf32>
        %swap3A_65 = vector.shape_cast %get3A_61 : vector<16xf32> to vector<1x16xf32>
        tpu.vector_store %arg6[%swap3A, %swap3A_62], %swap3A_65 {strides = array<i32>} : memref<96x128xf32, #tpu.memory_space<vmem>>, vector<1x16xf32>,
        %mul3A_66 = arith.constant 2 : i32
        %mul3A_67 = arith.muli %mul3A_66, %add3A_56 : i32
        %add3A_68 = arith.constant 1 : i32
        %add3A_69 = arith.addi %mul3A_67, %add3A_68 : i32
        %get3A_70 = arith.index_cast %add3A_69 : i32 to index
        %get3A_71 = arith.constant 0 : index
        %get3A_72 = tpu.vector_load %arg4[%get3A_70, %get3A_71] {strides = array<i32>} : memref<192x64xf32, #tpu.memory_space<vmem>>, vector<1x16xf32>,
        %get3A_73 = vector.shape_cast %get3A_72 : vector<1x16xf32> to vector<16xf32>
        %swap3A_74 = arith.index_cast %add3A_56 : i32 to index
        %swap3A_75 = arith.constant 64 : index
        %swap3A_76 = tpu.vector_load %arg6[%swap3A_74, %swap3A_75] {strides = array<i32>} : memref<96x128xf32, #tpu.memory_space<vmem>>, vector<1x16xf32>,
        %swap3A_77 = vector.shape_cast %swap3A_76 : vector<1x16xf32> to vector<16xf32>
        %swap3A_78 = vector.shape_cast %get3A_73 : vector<16xf32> to vector<1x16xf32>
        tpu.vector_store %arg6[%swap3A_74, %swap3A_75], %swap3A_78 {strides = array<i32>} : memref<96x128xf32, #tpu.memory_space<vmem>>, vector<1x16xf32>,
        %mul3A_79 = arith.constant 2 : i32
        %mul3A_80 = arith.muli %mul3A_79, %add3A_56 : i32
        %get3A_81 = arith.index_cast %mul3A_80 : i32 to index
        %get3A_82 = arith.constant 16 : index
        %get3A_83 = tpu.vector_load %arg4[%get3A_81, %get3A_82] {strides = array<i32>} : memref<192x64xf32, #tpu.memory_space<vmem>>, vector<1x16xf32>,
        %get3A_84 = vector.shape_cast %get3A_83 : vector<1x16xf32> to vector<16xf32>
        %swap3A_85 = arith.index_cast %add3A_56 : i32 to index
        %swap3A_86 = arith.constant 16 : index
        %swap3A_87 = tpu.vector_load %arg6[%swap3A_85, %swap3A_86] {strides = array<i32>} : memref<96x128xf32, #tpu.memory_space<vmem>>, vector<1x16xf32>,
        %swap3A_88 = vector.shape_cast %swap3A_87 : vector<1x16xf32> to vector<16xf32>
        %swap3A_89 = vector.shape_cast %get3A_84 : vector<16xf32> to vector<1x16xf32>
        tpu.vector_store %arg6[%swap3A_85, %swap3A_86], %swap3A_89 {strides = array<i32>} : memref<96x128xf32, #tpu.memory_space<vmem>>, vector<1x16xf32>,
        %mul3A_90 = arith.constant 2 : i32
        %mul3A_91 = arith.muli %mul3A_90, %add3A_56 : i32
        %add3A_92 = arith.constant 1 : i32
        %add3A_93 = arith.addi %mul3A_91, %add3A_92 : i32
        %get3A_94 = arith.index_cast %add3A_93 : i32 to index
        %get3A_95 = arith.constant 16 : index
        %get3A_96 = tpu.vector_load %arg4[%get3A_94, %get3A_95] {strides = array<i32>} : memref<192x64xf32, #tpu.memory_space<vmem>>, vector<1x16xf32>,
        %get3A_97 = vector.shape_cast %get3A_96 : vector<1x16xf32> to vector<16xf32>
        %swap3A_98 = arith.index_cast %add3A_56 : i32 to index
        %swap3A_99 = arith.constant 80 : index
        %swap3A_100 = tpu.vector_load %arg6[%swap3A_98, %swap3A_99] {strides = array<i32>} : memref<96x128xf32, #tpu.memory_space<vmem>>, vector<1x16xf32>,
        %swap3A_101 = vector.shape_cast %swap3A_100 : vector<1x16xf32> to vector<16xf32>
        %swap3A_102 = vector.shape_cast %get3A_97 : vector<16xf32> to vector<1x16xf32>
        tpu.vector_store %arg6[%swap3A_98, %swap3A_99], %swap3A_102 {strides = array<i32>} : memref<96x128xf32, #tpu.memory_space<vmem>>, vector<1x16xf32>,
        %mul3A_103 = arith.constant 2 : i32
        %mul3A_104 = arith.muli %mul3A_103, %add3A_56 : i32
        %get3A_105 = arith.index_cast %mul3A_104 : i32 to index
        %get3A_106 = arith.constant 32 : index
        %get3A_107 = tpu.vector_load %arg4[%get3A_105, %get3A_106] {strides = array<i32>} : memref<192x64xf32, #tpu.memory_space<vmem>>, vector<1x16xf32>,
        %get3A_108 = vector.shape_cast %get3A_107 : vector<1x16xf32> to vector<16xf32>
        %swap3A_109 = arith.index_cast %add3A_56 : i32 to index
        %swap3A_110 = arith.constant 32 : index
        %swap3A_111 = tpu.vector_load %arg6[%swap3A_109, %swap3A_110] {strides = array<i32>} : memref<96x128xf32, #tpu.memory_space<vmem>>, vector<1x16xf32>,
        %swap3A_112 = vector.shape_cast %swap3A_111 : vector<1x16xf32> to vector<16xf32>
        %swap3A_113 = vector.shape_cast %get3A_108 : vector<16xf32> to vector<1x16xf32>
        tpu.vector_store %arg6[%swap3A_109, %swap3A_110], %swap3A_113 {strides = array<i32>} : memref<96x128xf32, #tpu.memory_space<vmem>>, vector<1x16xf32>,
        %mul3A_114 = arith.constant 2 : i32
        %mul3A_115 = arith.muli %mul3A_114, %add3A_56 : i32
        %add3A_116 = arith.constant 1 : i32
        %add3A_117 = arith.addi %mul3A_115, %add3A_116 : i32
        %get3A_118 = arith.index_cast %add3A_117 : i32 to index
        %get3A_119 = arith.constant 32 : index
        %get3A_120 = tpu.vector_load %arg4[%get3A_118, %get3A_119] {strides = array<i32>} : memref<192x64xf32, #tpu.memory_space<vmem>>, vector<1x16xf32>,
        %get3A_121 = vector.shape_cast %get3A_120 : vector<1x16xf32> to vector<16xf32>
        %swap3A_122 = arith.index_cast %add3A_56 : i32 to index
        %swap3A_123 = arith.constant 96 : index
        %swap3A_124 = tpu.vector_load %arg6[%swap3A_122, %swap3A_123] {strides = array<i32>} : memref<96x128xf32, #tpu.memory_space<vmem>>, vector<1x16xf32>,
        %swap3A_125 = vector.shape_cast %swap3A_124 : vector<1x16xf32> to vector<16xf32>
        %swap3A_126 = vector.shape_cast %get3A_121 : vector<16xf32> to vector<1x16xf32>
        tpu.vector_store %arg6[%swap3A_122, %swap3A_123], %swap3A_126 {strides = array<i32>} : memref<96x128xf32, #tpu.memory_space<vmem>>, vector<1x16xf32>,
        %mul3A_127 = arith.constant 2 : i32
        %mul3A_128 = arith.muli %mul3A_127, %add3A_56 : i32
        %get3A_129 = arith.index_cast %mul3A_128 : i32 to index
        %get3A_130 = arith.constant 48 : index
        %get3A_131 = tpu.vector_load %arg4[%get3A_129, %get3A_130] {strides = array<i32>} : memref<192x64xf32, #tpu.memory_space<vmem>>, vector<1x16xf32>,
        %get3A_132 = vector.shape_cast %get3A_131 : vector<1x16xf32> to vector<16xf32>
        %swap3A_133 = arith.index_cast %add3A_56 : i32 to index
        %swap3A_134 = arith.constant 48 : index
        %swap3A_135 = tpu.vector_load %arg6[%swap3A_133, %swap3A_134] {strides = array<i32>} : memref<96x128xf32, #tpu.memory_space<vmem>>, vector<1x16xf32>,
        %swap3A_136 = vector.shape_cast %swap3A_135 : vector<1x16xf32> to vector<16xf32>
        %swap3A_137 = vector.shape_cast %get3A_132 : vector<16xf32> to vector<1x16xf32>
        tpu.vector_store %arg6[%swap3A_133, %swap3A_134], %swap3A_137 {strides = array<i32>} : memref<96x128xf32, #tpu.memory_space<vmem>>, vector<1x16xf32>,
        %mul3A_138 = arith.constant 2 : i32
        %mul3A_139 = arith.muli %mul3A_138, %add3A_56 : i32
        %add3A_140 = arith.constant 1 : i32
        %add3A_141 = arith.addi %mul3A_139, %add3A_140 : i32
        %get3A_142 = arith.index_cast %add3A_141 : i32 to index
        %get3A_143 = arith.constant 48 : index
        %get3A_144 = tpu.vector_load %arg4[%get3A_142, %get3A_143] {strides = array<i32>} : memref<192x64xf32, #tpu.memory_space<vmem>>, vector<1x16xf32>,
        %get3A_145 = vector.shape_cast %get3A_144 : vector<1x16xf32> to vector<16xf32>
        %swap3A_146 = arith.index_cast %add3A_56 : i32 to index
        %swap3A_147 = arith.constant 112 : index
        %swap3A_148 = tpu.vector_load %arg6[%swap3A_146, %swap3A_147] {strides = array<i32>} : memref<96x128xf32, #tpu.memory_space<vmem>>, vector<1x16xf32>,
        %swap3A_149 = vector.shape_cast %swap3A_148 : vector<1x16xf32> to vector<16xf32>
        %swap3A_150 = vector.shape_cast %get3A_145 : vector<16xf32> to vector<1x16xf32>
        tpu.vector_store %arg6[%swap3A_146, %swap3A_147], %swap3A_150 {strides = array<i32>} : memref<96x128xf32, #tpu.memory_space<vmem>>, vector<1x16xf32>,
        %mul3A_151 = arith.constant 2 : i32
        %mul3A_152 = arith.muli %mul3A_151, %scan3A_52 : i32
        %add3A_153 = arith.constant 1 : i32
        %add3A_154 = arith.addi %mul3A_152, %add3A_153 : i32
        %mul3A_155 = arith.constant 2 : i32
        %mul3A_156 = arith.muli %mul3A_155, %add3A_154 : i32
        %get3A_157 = arith.index_cast %mul3A_156 : i32 to index
        %get3A_158 = arith.constant 0 : index
        %get3A_159 = tpu.vector_load %arg4[%get3A_157, %get3A_158] {strides = array<i32>} : memref<192x64xf32, #tpu.memory_space<vmem>>, vector<1x16xf32>,
        %get3A_160 = vector.shape_cast %get3A_159 : vector<1x16xf32> to vector<16xf32>
        %swap3A_161 = arith.index_cast %add3A_154 : i32 to index
        %swap3A_162 = arith.constant 0 : index
        %swap3A_163 = tpu.vector_load %arg6[%swap3A_161, %swap3A_162] {strides = array<i32>} : memref<96x128xf32, #tpu.memory_space<vmem>>, vector<1x16xf32>,
        %swap3A_164 = vector.shape_cast %swap3A_163 : vector<1x16xf32> to vector<16xf32>
        %swap3A_165 = vector.shape_cast %get3A_160 : vector<16xf32> to vector<1x16xf32>
        tpu.vector_store %arg6[%swap3A_161, %swap3A_162], %swap3A_165 {strides = array<i32>} : memref<96x128xf32, #tpu.memory_space<vmem>>, vector<1x16xf32>,
        %mul3A_166 = arith.constant 2 : i32
        %mul3A_167 = arith.muli %mul3A_166, %add3A_154 : i32
        %add3A_168 = arith.constant 1 : i32
        %add3A_169 = arith.addi %mul3A_167, %add3A_168 : i32
        %get3A_170 = arith.index_cast %add3A_169 : i32 to index
        %get3A_171 = arith.constant 0 : index
        %get3A_172 = tpu.vector_load %arg4[%get3A_170, %get3A_171] {strides = array<i32>} : memref<192x64xf32, #tpu.memory_space<vmem>>, vector<1x16xf32>,
        %get3A_173 = vector.shape_cast %get3A_172 : vector<1x16xf32> to vector<16xf32>
        %swap3A_174 = arith.index_cast %add3A_154 : i32 to index
        %swap3A_175 = arith.constant 64 : index
        %swap3A_176 = tpu.vector_load %arg6[%swap3A_174, %swap3A_175] {strides = array<i32>} : memref<96x128xf32, #tpu.memory_space<vmem>>, vector<1x16xf32>,
        %swap3A_177 = vector.shape_cast %swap3A_176 : vector<1x16xf32> to vector<16xf32>
        %swap3A_178 = vector.shape_cast %get3A_173 : vector<16xf32> to vector<1x16xf32>
        tpu.vector_store %arg6[%swap3A_174, %swap3A_175], %swap3A_178 {strides = array<i32>} : memref<96x128xf32, #tpu.memory_space<vmem>>, vector<1x16xf32>,
        %mul3A_179 = arith.constant 2 : i32
        %mul3A_180 = arith.muli %mul3A_179, %add3A_154 : i32
        %get3A_181 = arith.index_cast %mul3A_180 : i32 to index
        %get3A_182 = arith.constant 16 : index
        %get3A_183 = tpu.vector_load %arg4[%get3A_181, %get3A_182] {strides = array<i32>} : memref<192x64xf32, #tpu.memory_space<vmem>>, vector<1x16xf32>,
        %get3A_184 = vector.shape_cast %get3A_183 : vector<1x16xf32> to vector<16xf32>
        %swap3A_185 = arith.index_cast %add3A_154 : i32 to index
        %swap3A_186 = arith.constant 16 : index
        %swap3A_187 = tpu.vector_load %arg6[%swap3A_185, %swap3A_186] {strides = array<i32>} : memref<96x128xf32, #tpu.memory_space<vmem>>, vector<1x16xf32>,
        %swap3A_188 = vector.shape_cast %swap3A_187 : vector<1x16xf32> to vector<16xf32>
        %swap3A_189 = vector.shape_cast %get3A_184 : vector<16xf32> to vector<1x16xf32>
        tpu.vector_store %arg6[%swap3A_185, %swap3A_186], %swap3A_189 {strides = array<i32>} : memref<96x128xf32, #tpu.memory_space<vmem>>, vector<1x16xf32>,
        %mul3A_190 = arith.constant 2 : i32
        %mul3A_191 = arith.muli %mul3A_190, %add3A_154 : i32
        %add3A_192 = arith.constant 1 : i32
        %add3A_193 = arith.addi %mul3A_191, %add3A_192 : i32
        %get3A_194 = arith.index_cast %add3A_193 : i32 to index
        %get3A_195 = arith.constant 16 : index
        %get3A_196 = tpu.vector_load %arg4[%get3A_194, %get3A_195] {strides = array<i32>} : memref<192x64xf32, #tpu.memory_space<vmem>>, vector<1x16xf32>,
        %get3A_197 = vector.shape_cast %get3A_196 : vector<1x16xf32> to vector<16xf32>
        %swap3A_198 = arith.index_cast %add3A_154 : i32 to index
        %swap3A_199 = arith.constant 80 : index
        %swap3A_200 = tpu.vector_load %arg6[%swap3A_198, %swap3A_199] {strides = array<i32>} : memref<96x128xf32, #tpu.memory_space<vmem>>, vector<1x16xf32>,
        %swap3A_201 = vector.shape_cast %swap3A_200 : vector<1x16xf32> to vector<16xf32>
        %swap3A_202 = vector.shape_cast %get3A_197 : vector<16xf32> to vector<1x16xf32>
        tpu.vector_store %arg6[%swap3A_198, %swap3A_199], %swap3A_202 {strides = array<i32>} : memref<96x128xf32, #tpu.memory_space<vmem>>, vector<1x16xf32>,
        %mul3A_203 = arith.constant 2 : i32
        %mul3A_204 = arith.muli %mul3A_203, %add3A_154 : i32
        %get3A_205 = arith.index_cast %mul3A_204 : i32 to index
        %get3A_206 = arith.constant 32 : index
        %get3A_207 = tpu.vector_load %arg4[%get3A_205, %get3A_206] {strides = array<i32>} : memref<192x64xf32, #tpu.memory_space<vmem>>, vector<1x16xf32>,
        %get3A_208 = vector.shape_cast %get3A_207 : vector<1x16xf32> to vector<16xf32>
        %swap3A_209 = arith.index_cast %add3A_154 : i32 to index
        %swap3A_210 = arith.constant 32 : index
        %swap3A_211 = tpu.vector_load %arg6[%swap3A_209, %swap3A_210] {strides = array<i32>} : memref<96x128xf32, #tpu.memory_space<vmem>>, vector<1x16xf32>,
        %swap3A_212 = vector.shape_cast %swap3A_211 : vector<1x16xf32> to vector<16xf32>
        %swap3A_213 = vector.shape_cast %get3A_208 : vector<16xf32> to vector<1x16xf32>
        tpu.vector_store %arg6[%swap3A_209, %swap3A_210], %swap3A_213 {strides = array<i32>} : memref<96x128xf32, #tpu.memory_space<vmem>>, vector<1x16xf32>,
        %mul3A_214 = arith.constant 2 : i32
        %mul3A_215 = arith.muli %mul3A_214, %add3A_154 : i32
        %add3A_216 = arith.constant 1 : i32
        %add3A_217 = arith.addi %mul3A_215, %add3A_216 : i32
        %get3A_218 = arith.index_cast %add3A_217 : i32 to index
        %get3A_219 = arith.constant 32 : index
        %get3A_220 = tpu.vector_load %arg4[%get3A_218, %get3A_219] {strides = array<i32>} : memref<192x64xf32, #tpu.memory_space<vmem>>, vector<1x16xf32>,
        %get3A_221 = vector.shape_cast %get3A_220 : vector<1x16xf32> to vector<16xf32>
        %swap3A_222 = arith.index_cast %add3A_154 : i32 to index
        %swap3A_223 = arith.constant 96 : index
        %swap3A_224 = tpu.vector_load %arg6[%swap3A_222, %swap3A_223] {strides = array<i32>} : memref<96x128xf32, #tpu.memory_space<vmem>>, vector<1x16xf32>,
        %swap3A_225 = vector.shape_cast %swap3A_224 : vector<1x16xf32> to vector<16xf32>
        %swap3A_226 = vector.shape_cast %get3A_221 : vector<16xf32> to vector<1x16xf32>
        tpu.vector_store %arg6[%swap3A_222, %swap3A_223], %swap3A_226 {strides = array<i32>} : memref<96x128xf32, #tpu.memory_space<vmem>>, vector<1x16xf32>,
        %mul3A_227 = arith.constant 2 : i32
        %mul3A_228 = arith.muli %mul3A_227, %add3A_154 : i32
        %get3A_229 = arith.index_cast %mul3A_228 : i32 to index
        %get3A_230 = arith.constant 48 : index
        %get3A_231 = tpu.vector_load %arg4[%get3A_229, %get3A_230] {strides = array<i32>} : memref<192x64xf32, #tpu.memory_space<vmem>>, vector<1x16xf32>,
        %get3A_232 = vector.shape_cast %get3A_231 : vector<1x16xf32> to vector<16xf32>
        %swap3A_233 = arith.index_cast %add3A_154 : i32 to index
        %swap3A_234 = arith.constant 48 : index
        %swap3A_235 = tpu.vector_load %arg6[%swap3A_233, %swap3A_234] {strides = array<i32>} : memref<96x128xf32, #tpu.memory_space<vmem>>, vector<1x16xf32>,
        %swap3A_236 = vector.shape_cast %swap3A_235 : vector<1x16xf32> to vector<16xf32>
        %swap3A_237 = vector.shape_cast %get3A_232 : vector<16xf32> to vector<1x16xf32>
        tpu.vector_store %arg6[%swap3A_233, %swap3A_234], %swap3A_237 {strides = array<i32>} : memref<96x128xf32, #tpu.memory_space<vmem>>, vector<1x16xf32>,
        %mul3A_238 = arith.constant 2 : i32
        %mul3A_239 = arith.muli %mul3A_238, %add3A_154 : i32
        %add3A_240 = arith.constant 1 : i32
        %add3A_241 = arith.addi %mul3A_239, %add3A_240 : i32
        %get3A_242 = arith.index_cast %add3A_241 : i32 to index
        %get3A_243 = arith.constant 48 : index
        %get3A_244 = tpu.vector_load %arg4[%get3A_242, %get3A_243] {strides = array<i32>} : memref<192x64xf32, #tpu.memory_space<vmem>>, vector<1x16xf32>,
        %get3A_245 = vector.shape_cast %get3A_244 : vector<1x16xf32> to vector<16xf32>
        %swap3A_246 = arith.index_cast %add3A_154 : i32 to index
        %swap3A_247 = arith.constant 112 : index
        %swap3A_248 = tpu.vector_load %arg6[%swap3A_246, %swap3A_247] {strides = array<i32>} : memref<96x128xf32, #tpu.memory_space<vmem>>, vector<1x16xf32>,
        %swap3A_249 = vector.shape_cast %swap3A_248 : vector<1x16xf32> to vector<16xf32>
        %swap3A_250 = vector.shape_cast %get3A_245 : vector<16xf32> to vector<1x16xf32>
        tpu.vector_store %arg6[%swap3A_246, %swap3A_247], %swap3A_250 {strides = array<i32>} : memref<96x128xf32, #tpu.memory_space<vmem>>, vector<1x16xf32>,
      }
      %scan3A_45 = arith.constant 16 : i32
      "tpu.region"() ({
        %run_scoped3A = tpu.sem_alloc : memref<!tpu.dma_semaphore, #tpu.memory_space<semaphore_mem>>
        %dma_start3A_52 = arith.constant 0 : i32
        %dma_start3A_53 = arith.constant 0 : i32
        %dma_start3A_54 = tpu.memref_slice %arg6[%dma_start3A_52, %dma_start3A_53] : memref<96x128xf32, #tpu.memory_space<vmem>> -> memref<32x128xf32, #tpu.memory_space<vmem>>
        %dma_start3A_55 = arith.constant 499968 : i32
        %dma_start3A_56 = arith.constant 0 : i32
        %dma_start3A_57 = tpu.memref_slice %arg3[%dma_start3A_55, %dma_start3A_56] : memref<500004x128xf32, #tpu.memory_space<hbm>> -> memref<32x128xf32, #tpu.memory_space<hbm>>
        %dma_start3A_58 = arith.constant 499968 : i32
        %dma_start3A_59 = arith.constant 0 : i32
        %dma_start3A_60 = tpu.memref_slice %arg3[%dma_start3A_58, %dma_start3A_59] : memref<500004x128xf32, #tpu.memory_space<hbm>> -> memref<32x128xf32, #tpu.memory_space<hbm>>
        %dma_start3A_61 = arith.constant 0 : i32
        %dma_start3A_62 = arith.constant 0 : i32
        %dma_start3A_63 = tpu.memref_slice %arg6[%dma_start3A_61, %dma_start3A_62] : memref<96x128xf32, #tpu.memory_space<vmem>> -> memref<32x128xf32, #tpu.memory_space<vmem>>
        tpu.enqueue_dma source(%dma_start3A_63 : memref<32x128xf32, #tpu.memory_space<vmem>>) target(%dma_start3A_60 : memref<32x128xf32, #tpu.memory_space<hbm>>) target_semaphore(%run_scoped3A : memref<!tpu.dma_semaphore, #tpu.memory_space<semaphore_mem>>)
        %dma_wait3A_64 = arith.constant 0 : i32
        %dma_wait3A_65 = arith.constant 0 : i32
        %dma_wait3A_66 = tpu.memref_slice %arg6[%dma_wait3A_64, %dma_wait3A_65] : memref<96x128xf32, #tpu.memory_space<vmem>> -> memref<32x128xf32, #tpu.memory_space<vmem>>
        %dma_wait3A_67 = arith.constant 499968 : i32
        %dma_wait3A_68 = arith.constant 0 : i32
        %dma_wait3A_69 = tpu.memref_slice %arg3[%dma_wait3A_67, %dma_wait3A_68] : memref<500004x128xf32, #tpu.memory_space<hbm>> -> memref<32x128xf32, #tpu.memory_space<hbm>>
        %dma_wait3A_70 = arith.constant 499968 : i32
        %dma_wait3A_71 = arith.constant 0 : i32
        %dma_wait3A_72 = tpu.memref_slice %arg3[%dma_wait3A_70, %dma_wait3A_71] : memref<500004x128xf32, #tpu.memory_space<hbm>> -> memref<32x128xf32, #tpu.memory_space<hbm>>
        %dma_wait3A_73 = arith.constant 0 : i32
        %dma_wait3A_74 = arith.constant 0 : i32
        %dma_wait3A_75 = tpu.memref_slice %arg6[%dma_wait3A_73, %dma_wait3A_74] : memref<96x128xf32, #tpu.memory_space<vmem>> -> memref<32x128xf32, #tpu.memory_space<vmem>>
        tpu.wait_dma2 semaphore(%run_scoped3A : memref<!tpu.dma_semaphore, #tpu.memory_space<semaphore_mem>>) src(%dma_wait3A_75 : memref<32x128xf32, #tpu.memory_space<vmem>>) dst(%dma_wait3A_72 : memref<32x128xf32, #tpu.memory_space<hbm>>)
        tpu.yield
      }) : () -> ()
      "tpu.region"() ({
        %run_scoped3A = tpu.sem_alloc : memref<!tpu.dma_semaphore, #tpu.memory_space<semaphore_mem>>
        %dma_start3A_52 = arith.constant 0 : i32
        %dma_start3A_53 = arith.constant 0 : i32
        %dma_start3A_54 = tpu.memref_slice %arg4[%dma_start3A_52, %dma_start3A_53] : memref<192x64xf32, #tpu.memory_space<vmem>> -> memref<1x64xf32, #tpu.memory_space<vmem>>
        %dma_start3A_55 = arith.constant 1000000 : i32
        %dma_start3A_56 = arith.constant 0 : i32
        %dma_start3A_57 = tpu.memref_slice %arg2[%dma_start3A_55, %dma_start3A_56] : memref<1000001x64xf32, #tpu.memory_space<hbm>> -> memref<1x64xf32, #tpu.memory_space<hbm>>
        %dma_start3A_58 = arith.constant 0 : i32
        %dma_start3A_59 = arith.constant 0 : i32
        %dma_start3A_60 = tpu.memref_slice %arg4[%dma_start3A_58, %dma_start3A_59] : memref<192x64xf32, #tpu.memory_space<vmem>> -> memref<1x64xf32, #tpu.memory_space<vmem>>
        %dma_start3A_61 = arith.constant 1000000 : i32
        %dma_start3A_62 = arith.constant 0 : i32
        %dma_start3A_63 = tpu.memref_slice %arg2[%dma_start3A_61, %dma_start3A_62] : memref<1000001x64xf32, #tpu.memory_space<hbm>> -> memref<1x64xf32, #tpu.memory_space<hbm>>
        tpu.enqueue_dma source(%dma_start3A_63 : memref<1x64xf32, #tpu.memory_space<hbm>>) target(%dma_start3A_60 : memref<1x64xf32, #tpu.memory_space<vmem>>) target_semaphore(%run_scoped3A : memref<!tpu.dma_semaphore, #tpu.memory_space<semaphore_mem>>)
        %dma_wait3A_64 = arith.constant 0 : i32
        %dma_wait3A_65 = arith.constant 0 : i32
        %dma_wait3A_66 = tpu.memref_slice %arg4[%dma_wait3A_64, %dma_wait3A_65] : memref<192x64xf32, #tpu.memory_space<vmem>> -> memref<1x64xf32, #tpu.memory_space<vmem>>
        %dma_wait3A_67 = arith.constant 1000000 : i32
        %dma_wait3A_68 = arith.constant 0 : i32
        %dma_wait3A_69 = tpu.memref_slice %arg2[%dma_wait3A_67, %dma_wait3A_68] : memref<1000001x64xf32, #tpu.memory_space<hbm>> -> memref<1x64xf32, #tpu.memory_space<hbm>>
        %dma_wait3A_70 = arith.constant 0 : i32
        %dma_wait3A_71 = arith.constant 0 : i32
        %dma_wait3A_72 = tpu.memref_slice %arg4[%dma_wait3A_70, %dma_wait3A_71] : memref<192x64xf32, #tpu.memory_space<vmem>> -> memref<1x64xf32, #tpu.memory_space<vmem>>
        %dma_wait3A_73 = arith.constant 1000000 : i32
        %dma_wait3A_74 = arith.constant 0 : i32
        %dma_wait3A_75 = tpu.memref_slice %arg2[%dma_wait3A_73, %dma_wait3A_74] : memref<1000001x64xf32, #tpu.memory_space<hbm>> -> memref<1x64xf32, #tpu.memory_space<hbm>>
        tpu.wait_dma2 semaphore(%run_scoped3A : memref<!tpu.dma_semaphore, #tpu.memory_space<semaphore_mem>>) src(%dma_wait3A_75 : memref<1x64xf32, #tpu.memory_space<hbm>>) dst(%dma_wait3A_72 : memref<1x64xf32, #tpu.memory_space<vmem>>)
        tpu.yield
      }) : () -> ()
      %scan3A_46 = arith.constant 0 : i32
      %scan3A_47 = arith.constant 0 : i32
      %scan3A_48 = arith.constant 4 : i32
      %scan3A_49 = arith.addi %scan3A_47, %scan3A_48 : i32
      %scan3A_50 = arith.constant 1 : i32
      scf.for %scan3A_52 = %scan3A_47 to %scan3A_49 step %scan3A_50  : i32 {
        %mul3A_53 = arith.constant 16 : i32
        %mul3A_54 = arith.muli %mul3A_53, %scan3A_52 : i32
        %get3A = arith.constant 0 : i32
        %get3A_55 = arith.index_cast %get3A : i32 to index
        %get3A_56 = arith.index_cast %mul3A_54 : i32 to index
        %get3A_57 = tpu.vector_load %arg4[%get3A_55, %get3A_56] {strides = array<i32>} : memref<192x64xf32, #tpu.memory_space<vmem>>, vector<1x16xf32>,
        %get3A_58 = vector.shape_cast %get3A_57 : vector<1x16xf32> to vector<16xf32>
        %mul3A_59 = arith.constant 16 : i32
        %mul3A_60 = arith.muli %mul3A_59, %scan3A_52 : i32
        %swap3A = arith.constant 0 : i32
        %swap3A_61 = arith.index_cast %swap3A : i32 to index
        %swap3A_62 = arith.index_cast %mul3A_60 : i32 to index
        %swap3A_63 = tpu.vector_load %arg6[%swap3A_61, %swap3A_62] {strides = array<i32>} : memref<96x128xf32, #tpu.memory_space<vmem>>, vector<1x16xf32>,
        %swap3A_64 = vector.shape_cast %swap3A_63 : vector<1x16xf32> to vector<16xf32>
        %swap3A_65 = vector.shape_cast %get3A_58 : vector<16xf32> to vector<1x16xf32>
        tpu.vector_store %arg6[%swap3A_61, %swap3A_62], %swap3A_65 {strides = array<i32>} : memref<96x128xf32, #tpu.memory_space<vmem>>, vector<1x16xf32>,
      }
      %scan3A_51 = arith.constant 4 : i32
      "tpu.region"() ({
        %run_scoped3A = tpu.sem_alloc : memref<!tpu.dma_semaphore, #tpu.memory_space<semaphore_mem>>
        %dma_start3A_52 = arith.constant 0 : i32
        %dma_start3A_53 = arith.constant 0 : i32
        %dma_start3A_54 = tpu.memref_slice %arg6[%dma_start3A_52, %dma_start3A_53] : memref<96x128xf32, #tpu.memory_space<vmem>> -> memref<1x128xf32, #tpu.memory_space<vmem>>
        %dma_start3A_55 = arith.constant 500000 : i32
        %dma_start3A_56 = arith.constant 0 : i32
        %dma_start3A_57 = tpu.memref_slice %arg3[%dma_start3A_55, %dma_start3A_56] : memref<500004x128xf32, #tpu.memory_space<hbm>> -> memref<1x128xf32, #tpu.memory_space<hbm>>
        %dma_start3A_58 = arith.constant 500000 : i32
        %dma_start3A_59 = arith.constant 0 : i32
        %dma_start3A_60 = tpu.memref_slice %arg3[%dma_start3A_58, %dma_start3A_59] : memref<500004x128xf32, #tpu.memory_space<hbm>> -> memref<1x128xf32, #tpu.memory_space<hbm>>
        %dma_start3A_61 = arith.constant 0 : i32
        %dma_start3A_62 = arith.constant 0 : i32
        %dma_start3A_63 = tpu.memref_slice %arg6[%dma_start3A_61, %dma_start3A_62] : memref<96x128xf32, #tpu.memory_space<vmem>> -> memref<1x128xf32, #tpu.memory_space<vmem>>
        tpu.enqueue_dma source(%dma_start3A_63 : memref<1x128xf32, #tpu.memory_space<vmem>>) target(%dma_start3A_60 : memref<1x128xf32, #tpu.memory_space<hbm>>) target_semaphore(%run_scoped3A : memref<!tpu.dma_semaphore, #tpu.memory_space<semaphore_mem>>)
        %dma_wait3A_64 = arith.constant 0 : i32
        %dma_wait3A_65 = arith.constant 0 : i32
        %dma_wait3A_66 = tpu.memref_slice %arg6[%dma_wait3A_64, %dma_wait3A_65] : memref<96x128xf32, #tpu.memory_space<vmem>> -> memref<1x128xf32, #tpu.memory_space<vmem>>
        %dma_wait3A_67 = arith.constant 500000 : i32
        %dma_wait3A_68 = arith.constant 0 : i32
        %dma_wait3A_69 = tpu.memref_slice %arg3[%dma_wait3A_67, %dma_wait3A_68] : memref<500004x128xf32, #tpu.memory_space<hbm>> -> memref<1x128xf32, #tpu.memory_space<hbm>>
        %dma_wait3A_70 = arith.constant 500000 : i32
        %dma_wait3A_71 = arith.constant 0 : i32
        %dma_wait3A_72 = tpu.memref_slice %arg3[%dma_wait3A_70, %dma_wait3A_71] : memref<500004x128xf32, #tpu.memory_space<hbm>> -> memref<1x128xf32, #tpu.memory_space<hbm>>
        %dma_wait3A_73 = arith.constant 0 : i32
        %dma_wait3A_74 = arith.constant 0 : i32
        %dma_wait3A_75 = tpu.memref_slice %arg6[%dma_wait3A_73, %dma_wait3A_74] : memref<96x128xf32, #tpu.memory_space<vmem>> -> memref<1x128xf32, #tpu.memory_space<vmem>>
        tpu.wait_dma2 semaphore(%run_scoped3A : memref<!tpu.dma_semaphore, #tpu.memory_space<semaphore_mem>>) src(%dma_wait3A_75 : memref<1x128xf32, #tpu.memory_space<vmem>>) dst(%dma_wait3A_72 : memref<1x128xf32, #tpu.memory_space<hbm>>)
        tpu.yield
      }) : () -> ()
    } else {
    }
    return
  }
}

#map = affine_map<(d0, d1) -> (0)>
#map1 = affine_map<(d0, d1) -> (0, 0)>
module attributes {stable_mosaic.version = 14 : i64} {
  func.func @_gather_body(%arg0: i32, %arg1: i32, %arg2: memref<819200xi32, #tpu.memory_space<hbm>>, %arg3: memref<1000008x64xf32, #tpu.memory_space<hbm>>, %arg4: memref<819200x64xf32, #tpu.memory_space<hbm>>, %arg5: memref<25600xi32, #tpu.memory_space<vmem>>, %arg6: memref<800x64xf32, #tpu.memory_space<vmem>>, %arg7: memref<800x64xf32, #tpu.memory_space<vmem>>, %arg8: memref<!tpu.dma_semaphore, #tpu.memory_space<semaphore_mem>>, %arg9: memref<!tpu.dma_semaphore, #tpu.memory_space<semaphore_mem>>, %arg10: memref<!tpu.dma_semaphore, #tpu.memory_space<semaphore_mem>>, %arg11: memref<!tpu.dma_semaphore, #tpu.memory_space<semaphore_mem>>) attributes {dimension_semantics = [#tpu.dimension_semantics<core_parallel>, #tpu.dimension_semantics<subcore_parallel>], iteration_bounds = array<i64: 2, 16>, scalar_prefetch = 0 : i64, scratch_operands = 7 : i64, tpu.core_type = #tpu.core_type<sc_vector_subcore>, window_params = [{transform_indices = #map}, {transform_indices = #map1}, {transform_indices = #map1}]} {
    %mul3A = arith.constant 2 : i32
    %mul3A_0 = arith.muli %arg1, %mul3A : i32
    %add3A = arith.addi %mul3A_0, %arg0 : i32
    %mul3A_1 = arith.constant 25600 : i32
    %mul3A_2 = arith.muli %add3A, %mul3A_1 : i32
    "tpu.region"() ({
      %run_scoped3A = tpu.sem_alloc : memref<!tpu.dma_semaphore, #tpu.memory_space<semaphore_mem>>
      %dma_start3A_17 = tpu.memref_slice %arg2[%mul3A_2] : memref<819200xi32, #tpu.memory_space<hbm>> -> memref<25600xi32, #tpu.memory_space<hbm>>
      %dma_start3A_18 = tpu.memref_slice %arg2[%mul3A_2] : memref<819200xi32, #tpu.memory_space<hbm>> -> memref<25600xi32, #tpu.memory_space<hbm>>
      tpu.enqueue_dma source(%dma_start3A_18 : memref<25600xi32, #tpu.memory_space<hbm>>) target(%arg5 : memref<25600xi32, #tpu.memory_space<vmem>>) target_semaphore(%run_scoped3A : memref<!tpu.dma_semaphore, #tpu.memory_space<semaphore_mem>>)
      %dma_wait3A_19 = tpu.memref_slice %arg2[%mul3A_2] : memref<819200xi32, #tpu.memory_space<hbm>> -> memref<25600xi32, #tpu.memory_space<hbm>>
      %dma_wait3A_20 = tpu.memref_slice %arg2[%mul3A_2] : memref<819200xi32, #tpu.memory_space<hbm>> -> memref<25600xi32, #tpu.memory_space<hbm>>
      tpu.wait_dma2 semaphore(%run_scoped3A : memref<!tpu.dma_semaphore, #tpu.memory_space<semaphore_mem>>) src(%dma_wait3A_20 : memref<25600xi32, #tpu.memory_space<hbm>>) dst(%arg5 : memref<25600xi32, #tpu.memory_space<vmem>>)
      tpu.yield
    }) : () -> ()
    %dma_start3A = arith.constant 0 : i32
    %dma_start3A_3 = tpu.memref_slice %arg5[%dma_start3A] : memref<25600xi32, #tpu.memory_space<vmem>> -> memref<800xi32, #tpu.memory_space<vmem>>
    %dma_start3A_4 = arith.constant 0 : i32
    %dma_start3A_5 = arith.constant 0 : i32
    %dma_start3A_6 = tpu.memref_slice %arg3[%dma_start3A_4, %dma_start3A_5] : memref<1000008x64xf32, #tpu.memory_space<hbm>> -> memref<1000008x64xf32, #tpu.memory_space<hbm>>
    tpu.enqueue_indirect_dma source(%dma_start3A_6 : memref<1000008x64xf32, #tpu.memory_space<hbm>>) target(%arg6 : memref<800x64xf32, #tpu.memory_space<vmem>>) offsets(%dma_start3A_3 : memref<800xi32, #tpu.memory_space<vmem>>) semaphore(%arg8 : memref<!tpu.dma_semaphore, #tpu.memory_space<semaphore_mem>>)
    %scan3A = arith.constant 0 : i32
    %scan3A_7 = arith.constant 0 : i32
    %scan3A_8 = arith.constant 16 : i32
    %scan3A_9 = arith.addi %scan3A_7, %scan3A_8 : i32
    %scan3A_10 = arith.constant 1 : i32
    scf.for %scan3A_17 = %scan3A_7 to %scan3A_9 step %scan3A_10  : i32 {
      %mul3A_18 = arith.constant 2 : i32
      %mul3A_19 = arith.muli %mul3A_18, %scan3A_17 : i32
      %add3A_20 = arith.constant 1 : i32
      %add3A_21 = arith.addi %mul3A_19, %add3A_20 : i32
      %gt3A = arith.constant 0 : i32
      %gt3A_22 = arith.cmpi sgt, %scan3A_17, %gt3A : i32
      %convert_element_type3A = arith.extui %gt3A_22 : i1 to i32
      %cond3A = arith.constant 0 : i32
      %cond3A_23 = arith.cmpi ne, %convert_element_type3A, %cond3A : i32
      scf.if %cond3A_23 {
        %sub3A = arith.constant 1 : i32
        %sub3A_67 = arith.subi %mul3A_19, %sub3A : i32
        %mul3A_68 = arith.constant 800 : i32
        %mul3A_69 = arith.muli %sub3A_67, %mul3A_68 : i32
        %add3A_70 = arith.addi %mul3A_2, %mul3A_69 : i32
        %dma_wait3A_71 = arith.constant 0 : i32
        %dma_wait3A_72 = tpu.memref_slice %arg4[%add3A_70, %dma_wait3A_71] : memref<819200x64xf32, #tpu.memory_space<hbm>> -> memref<800x64xf32, #tpu.memory_space<hbm>>
        %dma_wait3A_73 = arith.constant 0 : i32
        %dma_wait3A_74 = tpu.memref_slice %arg4[%add3A_70, %dma_wait3A_73] : memref<819200x64xf32, #tpu.memory_space<hbm>> -> memref<800x64xf32, #tpu.memory_space<hbm>>
        tpu.wait_dma2 semaphore(%arg11 : memref<!tpu.dma_semaphore, #tpu.memory_space<semaphore_mem>>) src(%arg7 : memref<800x64xf32, #tpu.memory_space<vmem>>) dst(%dma_wait3A_74 : memref<800x64xf32, #tpu.memory_space<hbm>>)
      } else {
      }
      %mul3A_24 = arith.constant 800 : i32
      %mul3A_25 = arith.muli %add3A_21, %mul3A_24 : i32
      %dma_start3A_26 = tpu.memref_slice %arg5[%mul3A_25] : memref<25600xi32, #tpu.memory_space<vmem>> -> memref<800xi32, #tpu.memory_space<vmem>>
      %dma_start3A_27 = arith.constant 0 : i32
      %dma_start3A_28 = arith.constant 0 : i32
      %dma_start3A_29 = tpu.memref_slice %arg3[%dma_start3A_27, %dma_start3A_28] : memref<1000008x64xf32, #tpu.memory_space<hbm>> -> memref<1000008x64xf32, #tpu.memory_space<hbm>>
      tpu.enqueue_indirect_dma source(%dma_start3A_29 : memref<1000008x64xf32, #tpu.memory_space<hbm>>) target(%arg7 : memref<800x64xf32, #tpu.memory_space<vmem>>) offsets(%dma_start3A_26 : memref<800xi32, #tpu.memory_space<vmem>>) semaphore(%arg9 : memref<!tpu.dma_semaphore, #tpu.memory_space<semaphore_mem>>)
      %mul3A_30 = arith.constant 800 : i32
      %mul3A_31 = arith.muli %mul3A_19, %mul3A_30 : i32
      %dma_wait3A_32 = tpu.memref_slice %arg5[%mul3A_31] : memref<25600xi32, #tpu.memory_space<vmem>> -> memref<800xi32, #tpu.memory_space<vmem>>
      %dma_wait3A_33 = arith.constant 0 : i32
      %dma_wait3A_34 = arith.constant 0 : i32
      %dma_wait3A_35 = tpu.memref_slice %arg3[%dma_wait3A_33, %dma_wait3A_34] : memref<1000008x64xf32, #tpu.memory_space<hbm>> -> memref<1000008x64xf32, #tpu.memory_space<hbm>>
      tpu.wait_indirect_dma semaphore(%arg8 : memref<!tpu.dma_semaphore, #tpu.memory_space<semaphore_mem>>) src(%dma_wait3A_35 : memref<1000008x64xf32, #tpu.memory_space<hbm>>) dst(%arg6 : memref<800x64xf32, #tpu.memory_space<vmem>>)
      %mul3A_36 = arith.constant 800 : i32
      %mul3A_37 = arith.muli %mul3A_19, %mul3A_36 : i32
      %add3A_38 = arith.addi %mul3A_2, %mul3A_37 : i32
      %dma_start3A_39 = arith.constant 0 : i32
      %dma_start3A_40 = tpu.memref_slice %arg4[%add3A_38, %dma_start3A_39] : memref<819200x64xf32, #tpu.memory_space<hbm>> -> memref<800x64xf32, #tpu.memory_space<hbm>>
      %dma_start3A_41 = arith.constant 0 : i32
      %dma_start3A_42 = tpu.memref_slice %arg4[%add3A_38, %dma_start3A_41] : memref<819200x64xf32, #tpu.memory_space<hbm>> -> memref<800x64xf32, #tpu.memory_space<hbm>>
      tpu.enqueue_dma source(%arg6 : memref<800x64xf32, #tpu.memory_space<vmem>>) target(%dma_start3A_42 : memref<800x64xf32, #tpu.memory_space<hbm>>) target_semaphore(%arg10 : memref<!tpu.dma_semaphore, #tpu.memory_space<semaphore_mem>>)
      %mul3A_43 = arith.constant 800 : i32
      %mul3A_44 = arith.muli %mul3A_19, %mul3A_43 : i32
      %add3A_45 = arith.addi %mul3A_2, %mul3A_44 : i32
      %dma_wait3A_46 = arith.constant 0 : i32
      %dma_wait3A_47 = tpu.memref_slice %arg4[%add3A_45, %dma_wait3A_46] : memref<819200x64xf32, #tpu.memory_space<hbm>> -> memref<800x64xf32, #tpu.memory_space<hbm>>
      %dma_wait3A_48 = arith.constant 0 : i32
      %dma_wait3A_49 = tpu.memref_slice %arg4[%add3A_45, %dma_wait3A_48] : memref<819200x64xf32, #tpu.memory_space<hbm>> -> memref<800x64xf32, #tpu.memory_space<hbm>>
      tpu.wait_dma2 semaphore(%arg10 : memref<!tpu.dma_semaphore, #tpu.memory_space<semaphore_mem>>) src(%arg6 : memref<800x64xf32, #tpu.memory_space<vmem>>) dst(%dma_wait3A_49 : memref<800x64xf32, #tpu.memory_space<hbm>>)
      %lt3A = arith.constant 15 : i32
      %lt3A_50 = arith.cmpi slt, %scan3A_17, %lt3A : i32
      %convert_element_type3A_51 = arith.extui %lt3A_50 : i1 to i32
      %cond3A_52 = arith.constant 0 : i32
      %cond3A_53 = arith.cmpi ne, %convert_element_type3A_51, %cond3A_52 : i32
      scf.if %cond3A_53 {
        %add3A_67 = arith.constant 2 : i32
        %add3A_68 = arith.addi %mul3A_19, %add3A_67 : i32
        %mul3A_69 = arith.constant 800 : i32
        %mul3A_70 = arith.muli %add3A_68, %mul3A_69 : i32
        %dma_start3A_71 = tpu.memref_slice %arg5[%mul3A_70] : memref<25600xi32, #tpu.memory_space<vmem>> -> memref<800xi32, #tpu.memory_space<vmem>>
        %dma_start3A_72 = arith.constant 0 : i32
        %dma_start3A_73 = arith.constant 0 : i32
        %dma_start3A_74 = tpu.memref_slice %arg3[%dma_start3A_72, %dma_start3A_73] : memref<1000008x64xf32, #tpu.memory_space<hbm>> -> memref<1000008x64xf32, #tpu.memory_space<hbm>>
        tpu.enqueue_indirect_dma source(%dma_start3A_74 : memref<1000008x64xf32, #tpu.memory_space<hbm>>) target(%arg6 : memref<800x64xf32, #tpu.memory_space<vmem>>) offsets(%dma_start3A_71 : memref<800xi32, #tpu.memory_space<vmem>>) semaphore(%arg8 : memref<!tpu.dma_semaphore, #tpu.memory_space<semaphore_mem>>)
      } else {
      }
      %mul3A_54 = arith.constant 800 : i32
      %mul3A_55 = arith.muli %add3A_21, %mul3A_54 : i32
      %dma_wait3A_56 = tpu.memref_slice %arg5[%mul3A_55] : memref<25600xi32, #tpu.memory_space<vmem>> -> memref<800xi32, #tpu.memory_space<vmem>>
      %dma_wait3A_57 = arith.constant 0 : i32
      %dma_wait3A_58 = arith.constant 0 : i32
      %dma_wait3A_59 = tpu.memref_slice %arg3[%dma_wait3A_57, %dma_wait3A_58] : memref<1000008x64xf32, #tpu.memory_space<hbm>> -> memref<1000008x64xf32, #tpu.memory_space<hbm>>
      tpu.wait_indirect_dma semaphore(%arg9 : memref<!tpu.dma_semaphore, #tpu.memory_space<semaphore_mem>>) src(%dma_wait3A_59 : memref<1000008x64xf32, #tpu.memory_space<hbm>>) dst(%arg7 : memref<800x64xf32, #tpu.memory_space<vmem>>)
      %mul3A_60 = arith.constant 800 : i32
      %mul3A_61 = arith.muli %add3A_21, %mul3A_60 : i32
      %add3A_62 = arith.addi %mul3A_2, %mul3A_61 : i32
      %dma_start3A_63 = arith.constant 0 : i32
      %dma_start3A_64 = tpu.memref_slice %arg4[%add3A_62, %dma_start3A_63] : memref<819200x64xf32, #tpu.memory_space<hbm>> -> memref<800x64xf32, #tpu.memory_space<hbm>>
      %dma_start3A_65 = arith.constant 0 : i32
      %dma_start3A_66 = tpu.memref_slice %arg4[%add3A_62, %dma_start3A_65] : memref<819200x64xf32, #tpu.memory_space<hbm>> -> memref<800x64xf32, #tpu.memory_space<hbm>>
      tpu.enqueue_dma source(%arg7 : memref<800x64xf32, #tpu.memory_space<vmem>>) target(%dma_start3A_66 : memref<800x64xf32, #tpu.memory_space<hbm>>) target_semaphore(%arg11 : memref<!tpu.dma_semaphore, #tpu.memory_space<semaphore_mem>>)
    }
    %scan3A_11 = arith.constant 16 : i32
    %add3A_12 = arith.constant 24800 : i32
    %add3A_13 = arith.addi %mul3A_2, %add3A_12 : i32
    %dma_wait3A = arith.constant 0 : i32
    %dma_wait3A_14 = tpu.memref_slice %arg4[%add3A_13, %dma_wait3A] : memref<819200x64xf32, #tpu.memory_space<hbm>> -> memref<800x64xf32, #tpu.memory_space<hbm>>
    %dma_wait3A_15 = arith.constant 0 : i32
    %dma_wait3A_16 = tpu.memref_slice %arg4[%add3A_13, %dma_wait3A_15] : memref<819200x64xf32, #tpu.memory_space<hbm>> -> memref<800x64xf32, #tpu.memory_space<hbm>>
    tpu.wait_dma2 semaphore(%arg11 : memref<!tpu.dma_semaphore, #tpu.memory_space<semaphore_mem>>) src(%arg7 : memref<800x64xf32, #tpu.memory_space<vmem>>) dst(%dma_wait3A_16 : memref<800x64xf32, #tpu.memory_space<hbm>>)
    return
  }
}

#map = affine_map<(d0, d1) -> (0, 0)>
#map1 = affine_map<(d0, d1) -> (0, 0, 0)>
module attributes {stable_mosaic.version = 14 : i64} {
  func.func @_pad_out_body(%arg0: i32, %arg1: i32, %arg2: memref<409600x128xf32, #tpu.memory_space<hbm>>, %arg3: memref<4096x200x64xf32, #tpu.memory_space<hbm>>, %arg4: memref<200x128xf32, #tpu.memory_space<vmem>>, %arg5: memref<200x128xf32, #tpu.memory_space<vmem>>, %arg6: memref<2x200x64xf32, #tpu.memory_space<vmem>>, %arg7: memref<!tpu.dma_semaphore, #tpu.memory_space<semaphore_mem>>, %arg8: memref<!tpu.dma_semaphore, #tpu.memory_space<semaphore_mem>>) attributes {dimension_semantics = [#tpu.dimension_semantics<core_parallel>, #tpu.dimension_semantics<subcore_parallel>], iteration_bounds = array<i64: 2, 16>, scalar_prefetch = 0 : i64, scratch_operands = 5 : i64, tpu.core_type = #tpu.core_type<sc_vector_subcore>, window_params = [{transform_indices = #map}, {transform_indices = #map1}]} {
    %mul3A = arith.constant 2 : i32
    %mul3A_0 = arith.muli %arg1, %mul3A : i32
    %add3A = arith.addi %mul3A_0, %arg0 : i32
    %mul3A_1 = arith.constant 25600 : i32
    %mul3A_2 = arith.muli %add3A, %mul3A_1 : i32
    %jit3A = arith.constant 2 : i32
    %div3A = arith.divsi %mul3A_2, %jit3A : i32
    %sign3A = arith.constant 0 : i32
    %sign3A_3 = arith.cmpi sgt, %mul3A_2, %sign3A : i32
    %sign3A_4 = arith.extui %sign3A_3 : i1 to i32
    %sign3A_5 = arith.constant 0 : i32
    %sign3A_6 = arith.cmpi slt, %mul3A_2, %sign3A_5 : i32
    %sign3A_7 = arith.extui %sign3A_6 : i1 to i32
    %sign3A_8 = arith.subi %sign3A_4, %sign3A_7 : i32
    %sign3A_9 = arith.constant 0 : i32
    %sign3A_10 = arith.cmpi sgt, %jit3A, %sign3A_9 : i32
    %sign3A_11 = arith.extui %sign3A_10 : i1 to i32
    %sign3A_12 = arith.constant 0 : i32
    %sign3A_13 = arith.cmpi slt, %jit3A, %sign3A_12 : i32
    %sign3A_14 = arith.extui %sign3A_13 : i1 to i32
    %sign3A_15 = arith.subi %sign3A_11, %sign3A_14 : i32
    %ne3A = arith.cmpi ne, %sign3A_8, %sign3A_15 : i32
    %rem3A = arith.remsi %mul3A_2, %jit3A : i32
    %ne3A_16 = arith.constant 0 : i32
    %ne3A_17 = arith.cmpi ne, %rem3A, %ne3A_16 : i32
    %and3A = arith.andi %ne3A, %ne3A_17 : i1
    %sub3A = arith.constant 1 : i32
    %sub3A_18 = arith.subi %div3A, %sub3A : i32
    %select_n3A = arith.select %and3A, %sub3A_18, %div3A : i32
    %add3A_19 = arith.constant 0 : i32
    %add3A_20 = arith.addi %select_n3A, %add3A_19 : i32
    %multiple_of3A = tpu.assume_multiple %add3A_20, 8 : i32
    %dma_start3A = arith.constant 0 : i32
    %dma_start3A_21 = tpu.memref_slice %arg2[%multiple_of3A, %dma_start3A] : memref<409600x128xf32, #tpu.memory_space<hbm>> -> memref<200x128xf32, #tpu.memory_space<hbm>>
    %dma_start3A_22 = arith.constant 0 : i32
    %dma_start3A_23 = tpu.memref_slice %arg2[%multiple_of3A, %dma_start3A_22] : memref<409600x128xf32, #tpu.memory_space<hbm>> -> memref<200x128xf32, #tpu.memory_space<hbm>>
    tpu.enqueue_dma source(%dma_start3A_23 : memref<200x128xf32, #tpu.memory_space<hbm>>) target(%arg4 : memref<200x128xf32, #tpu.memory_space<vmem>>) target_semaphore(%arg7 : memref<!tpu.dma_semaphore, #tpu.memory_space<semaphore_mem>>)
    %scan3A = arith.constant 0 : i32
    %scan3A_24 = arith.constant 0 : i32
    %scan3A_25 = arith.constant 32 : i32
    %scan3A_26 = arith.addi %scan3A_24, %scan3A_25 : i32
    %scan3A_27 = arith.constant 1 : i32
    scf.for %scan3A_29 = %scan3A_24 to %scan3A_26 step %scan3A_27  : i32 {
      %mul3A_30 = arith.constant 2 : i32
      %mul3A_31 = arith.muli %mul3A_30, %scan3A_29 : i32
      %add3A_32 = arith.constant 1 : i32
      %add3A_33 = arith.addi %mul3A_31, %add3A_32 : i32
      %jit3A_34 = arith.constant 2 : i32
      %div3A_35 = arith.divsi %mul3A_2, %jit3A_34 : i32
      %sign3A_36 = arith.constant 0 : i32
      %sign3A_37 = arith.cmpi sgt, %mul3A_2, %sign3A_36 : i32
      %sign3A_38 = arith.extui %sign3A_37 : i1 to i32
      %sign3A_39 = arith.constant 0 : i32
      %sign3A_40 = arith.cmpi slt, %mul3A_2, %sign3A_39 : i32
      %sign3A_41 = arith.extui %sign3A_40 : i1 to i32
      %sign3A_42 = arith.subi %sign3A_38, %sign3A_41 : i32
      %sign3A_43 = arith.constant 0 : i32
      %sign3A_44 = arith.cmpi sgt, %jit3A_34, %sign3A_43 : i32
      %sign3A_45 = arith.extui %sign3A_44 : i1 to i32
      %sign3A_46 = arith.constant 0 : i32
      %sign3A_47 = arith.cmpi slt, %jit3A_34, %sign3A_46 : i32
      %sign3A_48 = arith.extui %sign3A_47 : i1 to i32
      %sign3A_49 = arith.subi %sign3A_45, %sign3A_48 : i32
      %ne3A_50 = arith.cmpi ne, %sign3A_42, %sign3A_49 : i32
      %rem3A_51 = arith.remsi %mul3A_2, %jit3A_34 : i32
      %ne3A_52 = arith.constant 0 : i32
      %ne3A_53 = arith.cmpi ne, %rem3A_51, %ne3A_52 : i32
      %and3A_54 = arith.andi %ne3A_50, %ne3A_53 : i1
      %sub3A_55 = arith.constant 1 : i32
      %sub3A_56 = arith.subi %div3A_35, %sub3A_55 : i32
      %select_n3A_57 = arith.select %and3A_54, %sub3A_56, %div3A_35 : i32
      %mul3A_58 = arith.constant 200 : i32
      %mul3A_59 = arith.muli %mul3A_31, %mul3A_58 : i32
      %add3A_60 = arith.addi %select_n3A_57, %mul3A_59 : i32
      %multiple_of3A_61 = tpu.assume_multiple %add3A_60, 8 : i32
      %dma_wait3A = arith.constant 0 : i32
      %dma_wait3A_62 = tpu.memref_slice %arg2[%multiple_of3A_61, %dma_wait3A] : memref<409600x128xf32, #tpu.memory_space<hbm>> -> memref<200x128xf32, #tpu.memory_space<hbm>>
      %dma_wait3A_63 = arith.constant 0 : i32
      %dma_wait3A_64 = tpu.memref_slice %arg2[%multiple_of3A_61, %dma_wait3A_63] : memref<409600x128xf32, #tpu.memory_space<hbm>> -> memref<200x128xf32, #tpu.memory_space<hbm>>
      tpu.wait_dma2 semaphore(%arg7 : memref<!tpu.dma_semaphore, #tpu.memory_space<semaphore_mem>>) src(%dma_wait3A_64 : memref<200x128xf32, #tpu.memory_space<hbm>>) dst(%arg4 : memref<200x128xf32, #tpu.memory_space<vmem>>)
      %jit3A_65 = arith.constant 2 : i32
      %div3A_66 = arith.divsi %mul3A_2, %jit3A_65 : i32
      %sign3A_67 = arith.constant 0 : i32
      %sign3A_68 = arith.cmpi sgt, %mul3A_2, %sign3A_67 : i32
      %sign3A_69 = arith.extui %sign3A_68 : i1 to i32
      %sign3A_70 = arith.constant 0 : i32
      %sign3A_71 = arith.cmpi slt, %mul3A_2, %sign3A_70 : i32
      %sign3A_72 = arith.extui %sign3A_71 : i1 to i32
      %sign3A_73 = arith.subi %sign3A_69, %sign3A_72 : i32
      %sign3A_74 = arith.constant 0 : i32
      %sign3A_75 = arith.cmpi sgt, %jit3A_65, %sign3A_74 : i32
      %sign3A_76 = arith.extui %sign3A_75 : i1 to i32
      %sign3A_77 = arith.constant 0 : i32
      %sign3A_78 = arith.cmpi slt, %jit3A_65, %sign3A_77 : i32
      %sign3A_79 = arith.extui %sign3A_78 : i1 to i32
      %sign3A_80 = arith.subi %sign3A_76, %sign3A_79 : i32
      %ne3A_81 = arith.cmpi ne, %sign3A_73, %sign3A_80 : i32
      %rem3A_82 = arith.remsi %mul3A_2, %jit3A_65 : i32
      %ne3A_83 = arith.constant 0 : i32
      %ne3A_84 = arith.cmpi ne, %rem3A_82, %ne3A_83 : i32
      %and3A_85 = arith.andi %ne3A_81, %ne3A_84 : i1
      %sub3A_86 = arith.constant 1 : i32
      %sub3A_87 = arith.subi %div3A_66, %sub3A_86 : i32
      %select_n3A_88 = arith.select %and3A_85, %sub3A_87, %div3A_66 : i32
      %mul3A_89 = arith.constant 200 : i32
      %mul3A_90 = arith.muli %add3A_33, %mul3A_89 : i32
      %add3A_91 = arith.addi %select_n3A_88, %mul3A_90 : i32
      %multiple_of3A_92 = tpu.assume_multiple %add3A_91, 8 : i32
      %dma_start3A_93 = arith.constant 0 : i32
      %dma_start3A_94 = tpu.memref_slice %arg2[%multiple_of3A_92, %dma_start3A_93] : memref<409600x128xf32, #tpu.memory_space<hbm>> -> memref<200x128xf32, #tpu.memory_space<hbm>>
      %dma_start3A_95 = arith.constant 0 : i32
      %dma_start3A_96 = tpu.memref_slice %arg2[%multiple_of3A_92, %dma_start3A_95] : memref<409600x128xf32, #tpu.memory_space<hbm>> -> memref<200x128xf32, #tpu.memory_space<hbm>>
      tpu.enqueue_dma source(%dma_start3A_96 : memref<200x128xf32, #tpu.memory_space<hbm>>) target(%arg5 : memref<200x128xf32, #tpu.memory_space<vmem>>) target_semaphore(%arg8 : memref<!tpu.dma_semaphore, #tpu.memory_space<semaphore_mem>>)
      %scan3A_97 = arith.constant 0 : i32
      %scan3A_98 = arith.constant 0 : i32
      %scan3A_99 = arith.constant 100 : i32
      %scan3A_100 = arith.addi %scan3A_98, %scan3A_99 : i32
      %scan3A_101 = arith.constant 1 : i32
      scf.for %scan3A_153 = %scan3A_98 to %scan3A_100 step %scan3A_101  : i32 {
        %add3A_154 = arith.constant 0 : i32
        %add3A_155 = arith.addi %add3A_154, %scan3A_153 : i32
        %get3A = arith.index_cast %add3A_155 : i32 to index
        %get3A_156 = arith.constant 0 : index
        %get3A_157 = tpu.vector_load %arg4[%get3A, %get3A_156] {strides = array<i32>} : memref<200x128xf32, #tpu.memory_space<vmem>>, vector<1x16xf32>,
        %get3A_158 = vector.shape_cast %get3A_157 : vector<1x16xf32> to vector<16xf32>
        %mul3A_159 = arith.constant 2 : i32
        %mul3A_160 = arith.muli %mul3A_159, %scan3A_153 : i32
        %swap3A = arith.constant 0 : i32
        %swap3A_161 = arith.index_cast %swap3A : i32 to index
        %swap3A_162 = arith.index_cast %mul3A_160 : i32 to index
        %swap3A_163 = arith.constant 0 : index
        %swap3A_164 = tpu.vector_load %arg6[%swap3A_161, %swap3A_162, %swap3A_163] {strides = array<i32>} : memref<2x200x64xf32, #tpu.memory_space<vmem>>, vector<1x1x16xf32>,
        %swap3A_165 = vector.shape_cast %swap3A_164 : vector<1x1x16xf32> to vector<16xf32>
        %swap3A_166 = vector.shape_cast %get3A_158 : vector<16xf32> to vector<1x1x16xf32>
        tpu.vector_store %arg6[%swap3A_161, %swap3A_162, %swap3A_163], %swap3A_166 {strides = array<i32>} : memref<2x200x64xf32, #tpu.memory_space<vmem>>, vector<1x1x16xf32>,
        %add3A_167 = arith.constant 0 : i32
        %add3A_168 = arith.addi %add3A_167, %scan3A_153 : i32
        %get3A_169 = arith.index_cast %add3A_168 : i32 to index
        %get3A_170 = arith.constant 64 : index
        %get3A_171 = tpu.vector_load %arg4[%get3A_169, %get3A_170] {strides = array<i32>} : memref<200x128xf32, #tpu.memory_space<vmem>>, vector<1x16xf32>,
        %get3A_172 = vector.shape_cast %get3A_171 : vector<1x16xf32> to vector<16xf32>
        %mul3A_173 = arith.constant 2 : i32
        %mul3A_174 = arith.muli %mul3A_173, %scan3A_153 : i32
        %add3A_175 = arith.constant 1 : i32
        %add3A_176 = arith.addi %mul3A_174, %add3A_175 : i32
        %swap3A_177 = arith.constant 0 : i32
        %swap3A_178 = arith.index_cast %swap3A_177 : i32 to index
        %swap3A_179 = arith.index_cast %add3A_176 : i32 to index
        %swap3A_180 = arith.constant 0 : index
        %swap3A_181 = tpu.vector_load %arg6[%swap3A_178, %swap3A_179, %swap3A_180] {strides = array<i32>} : memref<2x200x64xf32, #tpu.memory_space<vmem>>, vector<1x1x16xf32>,
        %swap3A_182 = vector.shape_cast %swap3A_181 : vector<1x1x16xf32> to vector<16xf32>
        %swap3A_183 = vector.shape_cast %get3A_172 : vector<16xf32> to vector<1x1x16xf32>
        tpu.vector_store %arg6[%swap3A_178, %swap3A_179, %swap3A_180], %swap3A_183 {strides = array<i32>} : memref<2x200x64xf32, #tpu.memory_space<vmem>>, vector<1x1x16xf32>,
        %add3A_184 = arith.constant 0 : i32
        %add3A_185 = arith.addi %add3A_184, %scan3A_153 : i32
        %get3A_186 = arith.index_cast %add3A_185 : i32 to index
        %get3A_187 = arith.constant 16 : index
        %get3A_188 = tpu.vector_load %arg4[%get3A_186, %get3A_187] {strides = array<i32>} : memref<200x128xf32, #tpu.memory_space<vmem>>, vector<1x16xf32>,
        %get3A_189 = vector.shape_cast %get3A_188 : vector<1x16xf32> to vector<16xf32>
        %mul3A_190 = arith.constant 2 : i32
        %mul3A_191 = arith.muli %mul3A_190, %scan3A_153 : i32
        %swap3A_192 = arith.constant 0 : i32
        %swap3A_193 = arith.index_cast %swap3A_192 : i32 to index
        %swap3A_194 = arith.index_cast %mul3A_191 : i32 to index
        %swap3A_195 = arith.constant 16 : index
        %swap3A_196 = tpu.vector_load %arg6[%swap3A_193, %swap3A_194, %swap3A_195] {strides = array<i32>} : memref<2x200x64xf32, #tpu.memory_space<vmem>>, vector<1x1x16xf32>,
        %swap3A_197 = vector.shape_cast %swap3A_196 : vector<1x1x16xf32> to vector<16xf32>
        %swap3A_198 = vector.shape_cast %get3A_189 : vector<16xf32> to vector<1x1x16xf32>
        tpu.vector_store %arg6[%swap3A_193, %swap3A_194, %swap3A_195], %swap3A_198 {strides = array<i32>} : memref<2x200x64xf32, #tpu.memory_space<vmem>>, vector<1x1x16xf32>,
        %add3A_199 = arith.constant 0 : i32
        %add3A_200 = arith.addi %add3A_199, %scan3A_153 : i32
        %get3A_201 = arith.index_cast %add3A_200 : i32 to index
        %get3A_202 = arith.constant 80 : index
        %get3A_203 = tpu.vector_load %arg4[%get3A_201, %get3A_202] {strides = array<i32>} : memref<200x128xf32, #tpu.memory_space<vmem>>, vector<1x16xf32>,
        %get3A_204 = vector.shape_cast %get3A_203 : vector<1x16xf32> to vector<16xf32>
        %mul3A_205 = arith.constant 2 : i32
        %mul3A_206 = arith.muli %mul3A_205, %scan3A_153 : i32
        %add3A_207 = arith.constant 1 : i32
        %add3A_208 = arith.addi %mul3A_206, %add3A_207 : i32
        %swap3A_209 = arith.constant 0 : i32
        %swap3A_210 = arith.index_cast %swap3A_209 : i32 to index
        %swap3A_211 = arith.index_cast %add3A_208 : i32 to index
        %swap3A_212 = arith.constant 16 : index
        %swap3A_213 = tpu.vector_load %arg6[%swap3A_210, %swap3A_211, %swap3A_212] {strides = array<i32>} : memref<2x200x64xf32, #tpu.memory_space<vmem>>, vector<1x1x16xf32>,
        %swap3A_214 = vector.shape_cast %swap3A_213 : vector<1x1x16xf32> to vector<16xf32>
        %swap3A_215 = vector.shape_cast %get3A_204 : vector<16xf32> to vector<1x1x16xf32>
        tpu.vector_store %arg6[%swap3A_210, %swap3A_211, %swap3A_212], %swap3A_215 {strides = array<i32>} : memref<2x200x64xf32, #tpu.memory_space<vmem>>, vector<1x1x16xf32>,
        %add3A_216 = arith.constant 0 : i32
        %add3A_217 = arith.addi %add3A_216, %scan3A_153 : i32
        %get3A_218 = arith.index_cast %add3A_217 : i32 to index
        %get3A_219 = arith.constant 32 : index
        %get3A_220 = tpu.vector_load %arg4[%get3A_218, %get3A_219] {strides = array<i32>} : memref<200x128xf32, #tpu.memory_space<vmem>>, vector<1x16xf32>,
        %get3A_221 = vector.shape_cast %get3A_220 : vector<1x16xf32> to vector<16xf32>
        %mul3A_222 = arith.constant 2 : i32
        %mul3A_223 = arith.muli %mul3A_222, %scan3A_153 : i32
        %swap3A_224 = arith.constant 0 : i32
        %swap3A_225 = arith.index_cast %swap3A_224 : i32 to index
        %swap3A_226 = arith.index_cast %mul3A_223 : i32 to index
        %swap3A_227 = arith.constant 32 : index
        %swap3A_228 = tpu.vector_load %arg6[%swap3A_225, %swap3A_226, %swap3A_227] {strides = array<i32>} : memref<2x200x64xf32, #tpu.memory_space<vmem>>, vector<1x1x16xf32>,
        %swap3A_229 = vector.shape_cast %swap3A_228 : vector<1x1x16xf32> to vector<16xf32>
        %swap3A_230 = vector.shape_cast %get3A_221 : vector<16xf32> to vector<1x1x16xf32>
        tpu.vector_store %arg6[%swap3A_225, %swap3A_226, %swap3A_227], %swap3A_230 {strides = array<i32>} : memref<2x200x64xf32, #tpu.memory_space<vmem>>, vector<1x1x16xf32>,
        %add3A_231 = arith.constant 0 : i32
        %add3A_232 = arith.addi %add3A_231, %scan3A_153 : i32
        %get3A_233 = arith.index_cast %add3A_232 : i32 to index
        %get3A_234 = arith.constant 96 : index
        %get3A_235 = tpu.vector_load %arg4[%get3A_233, %get3A_234] {strides = array<i32>} : memref<200x128xf32, #tpu.memory_space<vmem>>, vector<1x16xf32>,
        %get3A_236 = vector.shape_cast %get3A_235 : vector<1x16xf32> to vector<16xf32>
        %mul3A_237 = arith.constant 2 : i32
        %mul3A_238 = arith.muli %mul3A_237, %scan3A_153 : i32
        %add3A_239 = arith.constant 1 : i32
        %add3A_240 = arith.addi %mul3A_238, %add3A_239 : i32
        %swap3A_241 = arith.constant 0 : i32
        %swap3A_242 = arith.index_cast %swap3A_241 : i32 to index
        %swap3A_243 = arith.index_cast %add3A_240 : i32 to index
        %swap3A_244 = arith.constant 32 : index
        %swap3A_245 = tpu.vector_load %arg6[%swap3A_242, %swap3A_243, %swap3A_244] {strides = array<i32>} : memref<2x200x64xf32, #tpu.memory_space<vmem>>, vector<1x1x16xf32>,
        %swap3A_246 = vector.shape_cast %swap3A_245 : vector<1x1x16xf32> to vector<16xf32>
        %swap3A_247 = vector.shape_cast %get3A_236 : vector<16xf32> to vector<1x1x16xf32>
        tpu.vector_store %arg6[%swap3A_242, %swap3A_243, %swap3A_244], %swap3A_247 {strides = array<i32>} : memref<2x200x64xf32, #tpu.memory_space<vmem>>, vector<1x1x16xf32>,
        %add3A_248 = arith.constant 0 : i32
        %add3A_249 = arith.addi %add3A_248, %scan3A_153 : i32
        %get3A_250 = arith.index_cast %add3A_249 : i32 to index
        %get3A_251 = arith.constant 48 : index
        %get3A_252 = tpu.vector_load %arg4[%get3A_250, %get3A_251] {strides = array<i32>} : memref<200x128xf32, #tpu.memory_space<vmem>>, vector<1x16xf32>,
        %get3A_253 = vector.shape_cast %get3A_252 : vector<1x16xf32> to vector<16xf32>
        %mul3A_254 = arith.constant 2 : i32
        %mul3A_255 = arith.muli %mul3A_254, %scan3A_153 : i32
        %swap3A_256 = arith.constant 0 : i32
        %swap3A_257 = arith.index_cast %swap3A_256 : i32 to index
        %swap3A_258 = arith.index_cast %mul3A_255 : i32 to index
        %swap3A_259 = arith.constant 48 : index
        %swap3A_260 = tpu.vector_load %arg6[%swap3A_257, %swap3A_258, %swap3A_259] {strides = array<i32>} : memref<2x200x64xf32, #tpu.memory_space<vmem>>, vector<1x1x16xf32>,
        %swap3A_261 = vector.shape_cast %swap3A_260 : vector<1x1x16xf32> to vector<16xf32>
        %swap3A_262 = vector.shape_cast %get3A_253 : vector<16xf32> to vector<1x1x16xf32>
        tpu.vector_store %arg6[%swap3A_257, %swap3A_258, %swap3A_259], %swap3A_262 {strides = array<i32>} : memref<2x200x64xf32, #tpu.memory_space<vmem>>, vector<1x1x16xf32>,
        %add3A_263 = arith.constant 0 : i32
        %add3A_264 = arith.addi %add3A_263, %scan3A_153 : i32
        %get3A_265 = arith.index_cast %add3A_264 : i32 to index
        %get3A_266 = arith.constant 112 : index
        %get3A_267 = tpu.vector_load %arg4[%get3A_265, %get3A_266] {strides = array<i32>} : memref<200x128xf32, #tpu.memory_space<vmem>>, vector<1x16xf32>,
        %get3A_268 = vector.shape_cast %get3A_267 : vector<1x16xf32> to vector<16xf32>
        %mul3A_269 = arith.constant 2 : i32
        %mul3A_270 = arith.muli %mul3A_269, %scan3A_153 : i32
        %add3A_271 = arith.constant 1 : i32
        %add3A_272 = arith.addi %mul3A_270, %add3A_271 : i32
        %swap3A_273 = arith.constant 0 : i32
        %swap3A_274 = arith.index_cast %swap3A_273 : i32 to index
        %swap3A_275 = arith.index_cast %add3A_272 : i32 to index
        %swap3A_276 = arith.constant 48 : index
        %swap3A_277 = tpu.vector_load %arg6[%swap3A_274, %swap3A_275, %swap3A_276] {strides = array<i32>} : memref<2x200x64xf32, #tpu.memory_space<vmem>>, vector<1x1x16xf32>,
        %swap3A_278 = vector.shape_cast %swap3A_277 : vector<1x1x16xf32> to vector<16xf32>
        %swap3A_279 = vector.shape_cast %get3A_268 : vector<16xf32> to vector<1x1x16xf32>
        tpu.vector_store %arg6[%swap3A_274, %swap3A_275, %swap3A_276], %swap3A_279 {strides = array<i32>} : memref<2x200x64xf32, #tpu.memory_space<vmem>>, vector<1x1x16xf32>,
        %add3A_280 = arith.constant 100 : i32
        %add3A_281 = arith.addi %add3A_280, %scan3A_153 : i32
        %get3A_282 = arith.index_cast %add3A_281 : i32 to index
        %get3A_283 = arith.constant 0 : index
        %get3A_284 = tpu.vector_load %arg4[%get3A_282, %get3A_283] {strides = array<i32>} : memref<200x128xf32, #tpu.memory_space<vmem>>, vector<1x16xf32>,
        %get3A_285 = vector.shape_cast %get3A_284 : vector<1x16xf32> to vector<16xf32>
        %mul3A_286 = arith.constant 2 : i32
        %mul3A_287 = arith.muli %mul3A_286, %scan3A_153 : i32
        %swap3A_288 = arith.constant 1 : i32
        %swap3A_289 = arith.index_cast %swap3A_288 : i32 to index
        %swap3A_290 = arith.index_cast %mul3A_287 : i32 to index
        %swap3A_291 = arith.constant 0 : index
        %swap3A_292 = tpu.vector_load %arg6[%swap3A_289, %swap3A_290, %swap3A_291] {strides = array<i32>} : memref<2x200x64xf32, #tpu.memory_space<vmem>>, vector<1x1x16xf32>,
        %swap3A_293 = vector.shape_cast %swap3A_292 : vector<1x1x16xf32> to vector<16xf32>
        %swap3A_294 = vector.shape_cast %get3A_285 : vector<16xf32> to vector<1x1x16xf32>
        tpu.vector_store %arg6[%swap3A_289, %swap3A_290, %swap3A_291], %swap3A_294 {strides = array<i32>} : memref<2x200x64xf32, #tpu.memory_space<vmem>>, vector<1x1x16xf32>,
        %add3A_295 = arith.constant 100 : i32
        %add3A_296 = arith.addi %add3A_295, %scan3A_153 : i32
        %get3A_297 = arith.index_cast %add3A_296 : i32 to index
        %get3A_298 = arith.constant 64 : index
        %get3A_299 = tpu.vector_load %arg4[%get3A_297, %get3A_298] {strides = array<i32>} : memref<200x128xf32, #tpu.memory_space<vmem>>, vector<1x16xf32>,
        %get3A_300 = vector.shape_cast %get3A_299 : vector<1x16xf32> to vector<16xf32>
        %mul3A_301 = arith.constant 2 : i32
        %mul3A_302 = arith.muli %mul3A_301, %scan3A_153 : i32
        %add3A_303 = arith.constant 1 : i32
        %add3A_304 = arith.addi %mul3A_302, %add3A_303 : i32
        %swap3A_305 = arith.constant 1 : i32
        %swap3A_306 = arith.index_cast %swap3A_305 : i32 to index
        %swap3A_307 = arith.index_cast %add3A_304 : i32 to index
        %swap3A_308 = arith.constant 0 : index
        %swap3A_309 = tpu.vector_load %arg6[%swap3A_306, %swap3A_307, %swap3A_308] {strides = array<i32>} : memref<2x200x64xf32, #tpu.memory_space<vmem>>, vector<1x1x16xf32>,
        %swap3A_310 = vector.shape_cast %swap3A_309 : vector<1x1x16xf32> to vector<16xf32>
        %swap3A_311 = vector.shape_cast %get3A_300 : vector<16xf32> to vector<1x1x16xf32>
        tpu.vector_store %arg6[%swap3A_306, %swap3A_307, %swap3A_308], %swap3A_311 {strides = array<i32>} : memref<2x200x64xf32, #tpu.memory_space<vmem>>, vector<1x1x16xf32>,
        %add3A_312 = arith.constant 100 : i32
        %add3A_313 = arith.addi %add3A_312, %scan3A_153 : i32
        %get3A_314 = arith.index_cast %add3A_313 : i32 to index
        %get3A_315 = arith.constant 16 : index
        %get3A_316 = tpu.vector_load %arg4[%get3A_314, %get3A_315] {strides = array<i32>} : memref<200x128xf32, #tpu.memory_space<vmem>>, vector<1x16xf32>,
        %get3A_317 = vector.shape_cast %get3A_316 : vector<1x16xf32> to vector<16xf32>
        %mul3A_318 = arith.constant 2 : i32
        %mul3A_319 = arith.muli %mul3A_318, %scan3A_153 : i32
        %swap3A_320 = arith.constant 1 : i32
        %swap3A_321 = arith.index_cast %swap3A_320 : i32 to index
        %swap3A_322 = arith.index_cast %mul3A_319 : i32 to index
        %swap3A_323 = arith.constant 16 : index
        %swap3A_324 = tpu.vector_load %arg6[%swap3A_321, %swap3A_322, %swap3A_323] {strides = array<i32>} : memref<2x200x64xf32, #tpu.memory_space<vmem>>, vector<1x1x16xf32>,
        %swap3A_325 = vector.shape_cast %swap3A_324 : vector<1x1x16xf32> to vector<16xf32>
        %swap3A_326 = vector.shape_cast %get3A_317 : vector<16xf32> to vector<1x1x16xf32>
        tpu.vector_store %arg6[%swap3A_321, %swap3A_322, %swap3A_323], %swap3A_326 {strides = array<i32>} : memref<2x200x64xf32, #tpu.memory_space<vmem>>, vector<1x1x16xf32>,
        %add3A_327 = arith.constant 100 : i32
        %add3A_328 = arith.addi %add3A_327, %scan3A_153 : i32
        %get3A_329 = arith.index_cast %add3A_328 : i32 to index
        %get3A_330 = arith.constant 80 : index
        %get3A_331 = tpu.vector_load %arg4[%get3A_329, %get3A_330] {strides = array<i32>} : memref<200x128xf32, #tpu.memory_space<vmem>>, vector<1x16xf32>,
        %get3A_332 = vector.shape_cast %get3A_331 : vector<1x16xf32> to vector<16xf32>
        %mul3A_333 = arith.constant 2 : i32
        %mul3A_334 = arith.muli %mul3A_333, %scan3A_153 : i32
        %add3A_335 = arith.constant 1 : i32
        %add3A_336 = arith.addi %mul3A_334, %add3A_335 : i32
        %swap3A_337 = arith.constant 1 : i32
        %swap3A_338 = arith.index_cast %swap3A_337 : i32 to index
        %swap3A_339 = arith.index_cast %add3A_336 : i32 to index
        %swap3A_340 = arith.constant 16 : index
        %swap3A_341 = tpu.vector_load %arg6[%swap3A_338, %swap3A_339, %swap3A_340] {strides = array<i32>} : memref<2x200x64xf32, #tpu.memory_space<vmem>>, vector<1x1x16xf32>,
        %swap3A_342 = vector.shape_cast %swap3A_341 : vector<1x1x16xf32> to vector<16xf32>
        %swap3A_343 = vector.shape_cast %get3A_332 : vector<16xf32> to vector<1x1x16xf32>
        tpu.vector_store %arg6[%swap3A_338, %swap3A_339, %swap3A_340], %swap3A_343 {strides = array<i32>} : memref<2x200x64xf32, #tpu.memory_space<vmem>>, vector<1x1x16xf32>,
        %add3A_344 = arith.constant 100 : i32
        %add3A_345 = arith.addi %add3A_344, %scan3A_153 : i32
        %get3A_346 = arith.index_cast %add3A_345 : i32 to index
        %get3A_347 = arith.constant 32 : index
        %get3A_348 = tpu.vector_load %arg4[%get3A_346, %get3A_347] {strides = array<i32>} : memref<200x128xf32, #tpu.memory_space<vmem>>, vector<1x16xf32>,
        %get3A_349 = vector.shape_cast %get3A_348 : vector<1x16xf32> to vector<16xf32>
        %mul3A_350 = arith.constant 2 : i32
        %mul3A_351 = arith.muli %mul3A_350, %scan3A_153 : i32
        %swap3A_352 = arith.constant 1 : i32
        %swap3A_353 = arith.index_cast %swap3A_352 : i32 to index
        %swap3A_354 = arith.index_cast %mul3A_351 : i32 to index
        %swap3A_355 = arith.constant 32 : index
        %swap3A_356 = tpu.vector_load %arg6[%swap3A_353, %swap3A_354, %swap3A_355] {strides = array<i32>} : memref<2x200x64xf32, #tpu.memory_space<vmem>>, vector<1x1x16xf32>,
        %swap3A_357 = vector.shape_cast %swap3A_356 : vector<1x1x16xf32> to vector<16xf32>
        %swap3A_358 = vector.shape_cast %get3A_349 : vector<16xf32> to vector<1x1x16xf32>
        tpu.vector_store %arg6[%swap3A_353, %swap3A_354, %swap3A_355], %swap3A_358 {strides = array<i32>} : memref<2x200x64xf32, #tpu.memory_space<vmem>>, vector<1x1x16xf32>,
        %add3A_359 = arith.constant 100 : i32
        %add3A_360 = arith.addi %add3A_359, %scan3A_153 : i32
        %get3A_361 = arith.index_cast %add3A_360 : i32 to index
        %get3A_362 = arith.constant 96 : index
        %get3A_363 = tpu.vector_load %arg4[%get3A_361, %get3A_362] {strides = array<i32>} : memref<200x128xf32, #tpu.memory_space<vmem>>, vector<1x16xf32>,
        %get3A_364 = vector.shape_cast %get3A_363 : vector<1x16xf32> to vector<16xf32>
        %mul3A_365 = arith.constant 2 : i32
        %mul3A_366 = arith.muli %mul3A_365, %scan3A_153 : i32
        %add3A_367 = arith.constant 1 : i32
        %add3A_368 = arith.addi %mul3A_366, %add3A_367 : i32
        %swap3A_369 = arith.constant 1 : i32
        %swap3A_370 = arith.index_cast %swap3A_369 : i32 to index
        %swap3A_371 = arith.index_cast %add3A_368 : i32 to index
        %swap3A_372 = arith.constant 32 : index
        %swap3A_373 = tpu.vector_load %arg6[%swap3A_370, %swap3A_371, %swap3A_372] {strides = array<i32>} : memref<2x200x64xf32, #tpu.memory_space<vmem>>, vector<1x1x16xf32>,
        %swap3A_374 = vector.shape_cast %swap3A_373 : vector<1x1x16xf32> to vector<16xf32>
        %swap3A_375 = vector.shape_cast %get3A_364 : vector<16xf32> to vector<1x1x16xf32>
        tpu.vector_store %arg6[%swap3A_370, %swap3A_371, %swap3A_372], %swap3A_375 {strides = array<i32>} : memref<2x200x64xf32, #tpu.memory_space<vmem>>, vector<1x1x16xf32>,
        %add3A_376 = arith.constant 100 : i32
        %add3A_377 = arith.addi %add3A_376, %scan3A_153 : i32
        %get3A_378 = arith.index_cast %add3A_377 : i32 to index
        %get3A_379 = arith.constant 48 : index
        %get3A_380 = tpu.vector_load %arg4[%get3A_378, %get3A_379] {strides = array<i32>} : memref<200x128xf32, #tpu.memory_space<vmem>>, vector<1x16xf32>,
        %get3A_381 = vector.shape_cast %get3A_380 : vector<1x16xf32> to vector<16xf32>
        %mul3A_382 = arith.constant 2 : i32
        %mul3A_383 = arith.muli %mul3A_382, %scan3A_153 : i32
        %swap3A_384 = arith.constant 1 : i32
        %swap3A_385 = arith.index_cast %swap3A_384 : i32 to index
        %swap3A_386 = arith.index_cast %mul3A_383 : i32 to index
        %swap3A_387 = arith.constant 48 : index
        %swap3A_388 = tpu.vector_load %arg6[%swap3A_385, %swap3A_386, %swap3A_387] {strides = array<i32>} : memref<2x200x64xf32, #tpu.memory_space<vmem>>, vector<1x1x16xf32>,
        %swap3A_389 = vector.shape_cast %swap3A_388 : vector<1x1x16xf32> to vector<16xf32>
        %swap3A_390 = vector.shape_cast %get3A_381 : vector<16xf32> to vector<1x1x16xf32>
        tpu.vector_store %arg6[%swap3A_385, %swap3A_386, %swap3A_387], %swap3A_390 {strides = array<i32>} : memref<2x200x64xf32, #tpu.memory_space<vmem>>, vector<1x1x16xf32>,
        %add3A_391 = arith.constant 100 : i32
        %add3A_392 = arith.addi %add3A_391, %scan3A_153 : i32
        %get3A_393 = arith.index_cast %add3A_392 : i32 to index
        %get3A_394 = arith.constant 112 : index
        %get3A_395 = tpu.vector_load %arg4[%get3A_393, %get3A_394] {strides = array<i32>} : memref<200x128xf32, #tpu.memory_space<vmem>>, vector<1x16xf32>,
        %get3A_396 = vector.shape_cast %get3A_395 : vector<1x16xf32> to vector<16xf32>
        %mul3A_397 = arith.constant 2 : i32
        %mul3A_398 = arith.muli %mul3A_397, %scan3A_153 : i32
        %add3A_399 = arith.constant 1 : i32
        %add3A_400 = arith.addi %mul3A_398, %add3A_399 : i32
        %swap3A_401 = arith.constant 1 : i32
        %swap3A_402 = arith.index_cast %swap3A_401 : i32 to index
        %swap3A_403 = arith.index_cast %add3A_400 : i32 to index
        %swap3A_404 = arith.constant 48 : index
        %swap3A_405 = tpu.vector_load %arg6[%swap3A_402, %swap3A_403, %swap3A_404] {strides = array<i32>} : memref<2x200x64xf32, #tpu.memory_space<vmem>>, vector<1x1x16xf32>,
        %swap3A_406 = vector.shape_cast %swap3A_405 : vector<1x1x16xf32> to vector<16xf32>
        %swap3A_407 = vector.shape_cast %get3A_396 : vector<16xf32> to vector<1x1x16xf32>
        tpu.vector_store %arg6[%swap3A_402, %swap3A_403, %swap3A_404], %swap3A_407 {strides = array<i32>} : memref<2x200x64xf32, #tpu.memory_space<vmem>>, vector<1x1x16xf32>,
      }
      %scan3A_102 = arith.constant 100 : i32
      %mul3A_103 = arith.constant 128 : i32
      %mul3A_104 = arith.muli %add3A, %mul3A_103 : i32
      %mul3A_105 = arith.constant 2 : i32
      %mul3A_106 = arith.muli %mul3A_105, %mul3A_31 : i32
      %add3A_107 = arith.addi %mul3A_104, %mul3A_106 : i32
      "tpu.region"() ({
        %run_scoped3A = tpu.sem_alloc : memref<!tpu.dma_semaphore, #tpu.memory_space<semaphore_mem>>
        %dma_start3A_153 = arith.constant 0 : i32
        %dma_start3A_154 = arith.constant 0 : i32
        %dma_start3A_155 = tpu.memref_slice %arg3[%add3A_107, %dma_start3A_153, %dma_start3A_154] : memref<4096x200x64xf32, #tpu.memory_space<hbm>> -> memref<2x200x64xf32, #tpu.memory_space<hbm>>
        %dma_start3A_156 = arith.constant 0 : i32
        %dma_start3A_157 = arith.constant 0 : i32
        %dma_start3A_158 = tpu.memref_slice %arg3[%add3A_107, %dma_start3A_156, %dma_start3A_157] : memref<4096x200x64xf32, #tpu.memory_space<hbm>> -> memref<2x200x64xf32, #tpu.memory_space<hbm>>
        tpu.enqueue_dma source(%arg6 : memref<2x200x64xf32, #tpu.memory_space<vmem>>) target(%dma_start3A_158 : memref<2x200x64xf32, #tpu.memory_space<hbm>>) target_semaphore(%run_scoped3A : memref<!tpu.dma_semaphore, #tpu.memory_space<semaphore_mem>>)
        %dma_wait3A_159 = arith.constant 0 : i32
        %dma_wait3A_160 = arith.constant 0 : i32
        %dma_wait3A_161 = tpu.memref_slice %arg3[%add3A_107, %dma_wait3A_159, %dma_wait3A_160] : memref<4096x200x64xf32, #tpu.memory_space<hbm>> -> memref<2x200x64xf32, #tpu.memory_space<hbm>>
        %dma_wait3A_162 = arith.constant 0 : i32
        %dma_wait3A_163 = arith.constant 0 : i32
        %dma_wait3A_164 = tpu.memref_slice %arg3[%add3A_107, %dma_wait3A_162, %dma_wait3A_163] : memref<4096x200x64xf32, #tpu.memory_space<hbm>> -> memref<2x200x64xf32, #tpu.memory_space<hbm>>
        tpu.wait_dma2 semaphore(%run_scoped3A : memref<!tpu.dma_semaphore, #tpu.memory_space<semaphore_mem>>) src(%arg6 : memref<2x200x64xf32, #tpu.memory_space<vmem>>) dst(%dma_wait3A_164 : memref<2x200x64xf32, #tpu.memory_space<hbm>>)
        tpu.yield
      }) : () -> ()
      %jit3A_108 = arith.constant 2 : i32
      %div3A_109 = arith.divsi %mul3A_2, %jit3A_108 : i32
      %sign3A_110 = arith.constant 0 : i32
      %sign3A_111 = arith.cmpi sgt, %mul3A_2, %sign3A_110 : i32
      %sign3A_112 = arith.extui %sign3A_111 : i1 to i32
      %sign3A_113 = arith.constant 0 : i32
      %sign3A_114 = arith.cmpi slt, %mul3A_2, %sign3A_113 : i32
      %sign3A_115 = arith.extui %sign3A_114 : i1 to i32
      %sign3A_116 = arith.subi %sign3A_112, %sign3A_115 : i32
      %sign3A_117 = arith.constant 0 : i32
      %sign3A_118 = arith.cmpi sgt, %jit3A_108, %sign3A_117 : i32
      %sign3A_119 = arith.extui %sign3A_118 : i1 to i32
      %sign3A_120 = arith.constant 0 : i32
      %sign3A_121 = arith.cmpi slt, %jit3A_108, %sign3A_120 : i32
      %sign3A_122 = arith.extui %sign3A_121 : i1 to i32
      %sign3A_123 = arith.subi %sign3A_119, %sign3A_122 : i32
      %ne3A_124 = arith.cmpi ne, %sign3A_116, %sign3A_123 : i32
      %rem3A_125 = arith.remsi %mul3A_2, %jit3A_108 : i32
      %ne3A_126 = arith.constant 0 : i32
      %ne3A_127 = arith.cmpi ne, %rem3A_125, %ne3A_126 : i32
      %and3A_128 = arith.andi %ne3A_124, %ne3A_127 : i1
      %sub3A_129 = arith.constant 1 : i32
      %sub3A_130 = arith.subi %div3A_109, %sub3A_129 : i32
      %select_n3A_131 = arith.select %and3A_128, %sub3A_130, %div3A_109 : i32
      %mul3A_132 = arith.constant 200 : i32
      %mul3A_133 = arith.muli %add3A_33, %mul3A_132 : i32
      %add3A_134 = arith.addi %select_n3A_131, %mul3A_133 : i32
      %multiple_of3A_135 = tpu.assume_multiple %add3A_134, 8 : i32
      %dma_wait3A_136 = arith.constant 0 : i32
      %dma_wait3A_137 = tpu.memref_slice %arg2[%multiple_of3A_135, %dma_wait3A_136] : memref<409600x128xf32, #tpu.memory_space<hbm>> -> memref<200x128xf32, #tpu.memory_space<hbm>>
      %dma_wait3A_138 = arith.constant 0 : i32
      %dma_wait3A_139 = tpu.memref_slice %arg2[%multiple_of3A_135, %dma_wait3A_138] : memref<409600x128xf32, #tpu.memory_space<hbm>> -> memref<200x128xf32, #tpu.memory_space<hbm>>
      tpu.wait_dma2 semaphore(%arg8 : memref<!tpu.dma_semaphore, #tpu.memory_space<semaphore_mem>>) src(%dma_wait3A_139 : memref<200x128xf32, #tpu.memory_space<hbm>>) dst(%arg5 : memref<200x128xf32, #tpu.memory_space<vmem>>)
      %lt3A = arith.constant 31 : i32
      %lt3A_140 = arith.cmpi slt, %scan3A_29, %lt3A : i32
      %convert_element_type3A = arith.extui %lt3A_140 : i1 to i32
      %cond3A = arith.constant 0 : i32
      %cond3A_141 = arith.cmpi ne, %convert_element_type3A, %cond3A : i32
      scf.if %cond3A_141 {
        %add3A_153 = arith.constant 2 : i32
        %add3A_154 = arith.addi %mul3A_31, %add3A_153 : i32
        %jit3A_155 = arith.constant 2 : i32
        %div3A_156 = arith.divsi %mul3A_2, %jit3A_155 : i32
        %sign3A_157 = arith.constant 0 : i32
        %sign3A_158 = arith.cmpi sgt, %mul3A_2, %sign3A_157 : i32
        %sign3A_159 = arith.extui %sign3A_158 : i1 to i32
        %sign3A_160 = arith.constant 0 : i32
        %sign3A_161 = arith.cmpi slt, %mul3A_2, %sign3A_160 : i32
        %sign3A_162 = arith.extui %sign3A_161 : i1 to i32
        %sign3A_163 = arith.subi %sign3A_159, %sign3A_162 : i32
        %sign3A_164 = arith.constant 0 : i32
        %sign3A_165 = arith.cmpi sgt, %jit3A_155, %sign3A_164 : i32
        %sign3A_166 = arith.extui %sign3A_165 : i1 to i32
        %sign3A_167 = arith.constant 0 : i32
        %sign3A_168 = arith.cmpi slt, %jit3A_155, %sign3A_167 : i32
        %sign3A_169 = arith.extui %sign3A_168 : i1 to i32
        %sign3A_170 = arith.subi %sign3A_166, %sign3A_169 : i32
        %ne3A_171 = arith.cmpi ne, %sign3A_163, %sign3A_170 : i32
        %rem3A_172 = arith.remsi %mul3A_2, %jit3A_155 : i32
        %ne3A_173 = arith.constant 0 : i32
        %ne3A_174 = arith.cmpi ne, %rem3A_172, %ne3A_173 : i32
        %and3A_175 = arith.andi %ne3A_171, %ne3A_174 : i1
        %sub3A_176 = arith.constant 1 : i32
        %sub3A_177 = arith.subi %div3A_156, %sub3A_176 : i32
        %select_n3A_178 = arith.select %and3A_175, %sub3A_177, %div3A_156 : i32
        %mul3A_179 = arith.constant 200 : i32
        %mul3A_180 = arith.muli %add3A_154, %mul3A_179 : i32
        %add3A_181 = arith.addi %select_n3A_178, %mul3A_180 : i32
        %multiple_of3A_182 = tpu.assume_multiple %add3A_181, 8 : i32
        %dma_start3A_183 = arith.constant 0 : i32
        %dma_start3A_184 = tpu.memref_slice %arg2[%multiple_of3A_182, %dma_start3A_183] : memref<409600x128xf32, #tpu.memory_space<hbm>> -> memref<200x128xf32, #tpu.memory_space<hbm>>
        %dma_start3A_185 = arith.constant 0 : i32
        %dma_start3A_186 = tpu.memref_slice %arg2[%multiple_of3A_182, %dma_start3A_185] : memref<409600x128xf32, #tpu.memory_space<hbm>> -> memref<200x128xf32, #tpu.memory_space<hbm>>
        tpu.enqueue_dma source(%dma_start3A_186 : memref<200x128xf32, #tpu.memory_space<hbm>>) target(%arg4 : memref<200x128xf32, #tpu.memory_space<vmem>>) target_semaphore(%arg7 : memref<!tpu.dma_semaphore, #tpu.memory_space<semaphore_mem>>)
      } else {
      }
      %scan3A_142 = arith.constant 0 : i32
      %scan3A_143 = arith.constant 0 : i32
      %scan3A_144 = arith.constant 100 : i32
      %scan3A_145 = arith.addi %scan3A_143, %scan3A_144 : i32
      %scan3A_146 = arith.constant 1 : i32
      scf.for %scan3A_153 = %scan3A_143 to %scan3A_145 step %scan3A_146  : i32 {
        %add3A_154 = arith.constant 0 : i32
        %add3A_155 = arith.addi %add3A_154, %scan3A_153 : i32
        %get3A = arith.index_cast %add3A_155 : i32 to index
        %get3A_156 = arith.constant 0 : index
        %get3A_157 = tpu.vector_load %arg5[%get3A, %get3A_156] {strides = array<i32>} : memref<200x128xf32, #tpu.memory_space<vmem>>, vector<1x16xf32>,
        %get3A_158 = vector.shape_cast %get3A_157 : vector<1x16xf32> to vector<16xf32>
        %mul3A_159 = arith.constant 2 : i32
        %mul3A_160 = arith.muli %mul3A_159, %scan3A_153 : i32
        %swap3A = arith.constant 0 : i32
        %swap3A_161 = arith.index_cast %swap3A : i32 to index
        %swap3A_162 = arith.index_cast %mul3A_160 : i32 to index
        %swap3A_163 = arith.constant 0 : index
        %swap3A_164 = tpu.vector_load %arg6[%swap3A_161, %swap3A_162, %swap3A_163] {strides = array<i32>} : memref<2x200x64xf32, #tpu.memory_space<vmem>>, vector<1x1x16xf32>,
        %swap3A_165 = vector.shape_cast %swap3A_164 : vector<1x1x16xf32> to vector<16xf32>
        %swap3A_166 = vector.shape_cast %get3A_158 : vector<16xf32> to vector<1x1x16xf32>
        tpu.vector_store %arg6[%swap3A_161, %swap3A_162, %swap3A_163], %swap3A_166 {strides = array<i32>} : memref<2x200x64xf32, #tpu.memory_space<vmem>>, vector<1x1x16xf32>,
        %add3A_167 = arith.constant 0 : i32
        %add3A_168 = arith.addi %add3A_167, %scan3A_153 : i32
        %get3A_169 = arith.index_cast %add3A_168 : i32 to index
        %get3A_170 = arith.constant 64 : index
        %get3A_171 = tpu.vector_load %arg5[%get3A_169, %get3A_170] {strides = array<i32>} : memref<200x128xf32, #tpu.memory_space<vmem>>, vector<1x16xf32>,
        %get3A_172 = vector.shape_cast %get3A_171 : vector<1x16xf32> to vector<16xf32>
        %mul3A_173 = arith.constant 2 : i32
        %mul3A_174 = arith.muli %mul3A_173, %scan3A_153 : i32
        %add3A_175 = arith.constant 1 : i32
        %add3A_176 = arith.addi %mul3A_174, %add3A_175 : i32
        %swap3A_177 = arith.constant 0 : i32
        %swap3A_178 = arith.index_cast %swap3A_177 : i32 to index
        %swap3A_179 = arith.index_cast %add3A_176 : i32 to index
        %swap3A_180 = arith.constant 0 : index
        %swap3A_181 = tpu.vector_load %arg6[%swap3A_178, %swap3A_179, %swap3A_180] {strides = array<i32>} : memref<2x200x64xf32, #tpu.memory_space<vmem>>, vector<1x1x16xf32>,
        %swap3A_182 = vector.shape_cast %swap3A_181 : vector<1x1x16xf32> to vector<16xf32>
        %swap3A_183 = vector.shape_cast %get3A_172 : vector<16xf32> to vector<1x1x16xf32>
        tpu.vector_store %arg6[%swap3A_178, %swap3A_179, %swap3A_180], %swap3A_183 {strides = array<i32>} : memref<2x200x64xf32, #tpu.memory_space<vmem>>, vector<1x1x16xf32>,
        %add3A_184 = arith.constant 0 : i32
        %add3A_185 = arith.addi %add3A_184, %scan3A_153 : i32
        %get3A_186 = arith.index_cast %add3A_185 : i32 to index
        %get3A_187 = arith.constant 16 : index
        %get3A_188 = tpu.vector_load %arg5[%get3A_186, %get3A_187] {strides = array<i32>} : memref<200x128xf32, #tpu.memory_space<vmem>>, vector<1x16xf32>,
        %get3A_189 = vector.shape_cast %get3A_188 : vector<1x16xf32> to vector<16xf32>
        %mul3A_190 = arith.constant 2 : i32
        %mul3A_191 = arith.muli %mul3A_190, %scan3A_153 : i32
        %swap3A_192 = arith.constant 0 : i32
        %swap3A_193 = arith.index_cast %swap3A_192 : i32 to index
        %swap3A_194 = arith.index_cast %mul3A_191 : i32 to index
        %swap3A_195 = arith.constant 16 : index
        %swap3A_196 = tpu.vector_load %arg6[%swap3A_193, %swap3A_194, %swap3A_195] {strides = array<i32>} : memref<2x200x64xf32, #tpu.memory_space<vmem>>, vector<1x1x16xf32>,
        %swap3A_197 = vector.shape_cast %swap3A_196 : vector<1x1x16xf32> to vector<16xf32>
        %swap3A_198 = vector.shape_cast %get3A_189 : vector<16xf32> to vector<1x1x16xf32>
        tpu.vector_store %arg6[%swap3A_193, %swap3A_194, %swap3A_195], %swap3A_198 {strides = array<i32>} : memref<2x200x64xf32, #tpu.memory_space<vmem>>, vector<1x1x16xf32>,
        %add3A_199 = arith.constant 0 : i32
        %add3A_200 = arith.addi %add3A_199, %scan3A_153 : i32
        %get3A_201 = arith.index_cast %add3A_200 : i32 to index
        %get3A_202 = arith.constant 80 : index
        %get3A_203 = tpu.vector_load %arg5[%get3A_201, %get3A_202] {strides = array<i32>} : memref<200x128xf32, #tpu.memory_space<vmem>>, vector<1x16xf32>,
        %get3A_204 = vector.shape_cast %get3A_203 : vector<1x16xf32> to vector<16xf32>
        %mul3A_205 = arith.constant 2 : i32
        %mul3A_206 = arith.muli %mul3A_205, %scan3A_153 : i32
        %add3A_207 = arith.constant 1 : i32
        %add3A_208 = arith.addi %mul3A_206, %add3A_207 : i32
        %swap3A_209 = arith.constant 0 : i32
        %swap3A_210 = arith.index_cast %swap3A_209 : i32 to index
        %swap3A_211 = arith.index_cast %add3A_208 : i32 to index
        %swap3A_212 = arith.constant 16 : index
        %swap3A_213 = tpu.vector_load %arg6[%swap3A_210, %swap3A_211, %swap3A_212] {strides = array<i32>} : memref<2x200x64xf32, #tpu.memory_space<vmem>>, vector<1x1x16xf32>,
        %swap3A_214 = vector.shape_cast %swap3A_213 : vector<1x1x16xf32> to vector<16xf32>
        %swap3A_215 = vector.shape_cast %get3A_204 : vector<16xf32> to vector<1x1x16xf32>
        tpu.vector_store %arg6[%swap3A_210, %swap3A_211, %swap3A_212], %swap3A_215 {strides = array<i32>} : memref<2x200x64xf32, #tpu.memory_space<vmem>>, vector<1x1x16xf32>,
        %add3A_216 = arith.constant 0 : i32
        %add3A_217 = arith.addi %add3A_216, %scan3A_153 : i32
        %get3A_218 = arith.index_cast %add3A_217 : i32 to index
        %get3A_219 = arith.constant 32 : index
        %get3A_220 = tpu.vector_load %arg5[%get3A_218, %get3A_219] {strides = array<i32>} : memref<200x128xf32, #tpu.memory_space<vmem>>, vector<1x16xf32>,
        %get3A_221 = vector.shape_cast %get3A_220 : vector<1x16xf32> to vector<16xf32>
        %mul3A_222 = arith.constant 2 : i32
        %mul3A_223 = arith.muli %mul3A_222, %scan3A_153 : i32
        %swap3A_224 = arith.constant 0 : i32
        %swap3A_225 = arith.index_cast %swap3A_224 : i32 to index
        %swap3A_226 = arith.index_cast %mul3A_223 : i32 to index
        %swap3A_227 = arith.constant 32 : index
        %swap3A_228 = tpu.vector_load %arg6[%swap3A_225, %swap3A_226, %swap3A_227] {strides = array<i32>} : memref<2x200x64xf32, #tpu.memory_space<vmem>>, vector<1x1x16xf32>,
        %swap3A_229 = vector.shape_cast %swap3A_228 : vector<1x1x16xf32> to vector<16xf32>
        %swap3A_230 = vector.shape_cast %get3A_221 : vector<16xf32> to vector<1x1x16xf32>
        tpu.vector_store %arg6[%swap3A_225, %swap3A_226, %swap3A_227], %swap3A_230 {strides = array<i32>} : memref<2x200x64xf32, #tpu.memory_space<vmem>>, vector<1x1x16xf32>,
        %add3A_231 = arith.constant 0 : i32
        %add3A_232 = arith.addi %add3A_231, %scan3A_153 : i32
        %get3A_233 = arith.index_cast %add3A_232 : i32 to index
        %get3A_234 = arith.constant 96 : index
        %get3A_235 = tpu.vector_load %arg5[%get3A_233, %get3A_234] {strides = array<i32>} : memref<200x128xf32, #tpu.memory_space<vmem>>, vector<1x16xf32>,
        %get3A_236 = vector.shape_cast %get3A_235 : vector<1x16xf32> to vector<16xf32>
        %mul3A_237 = arith.constant 2 : i32
        %mul3A_238 = arith.muli %mul3A_237, %scan3A_153 : i32
        %add3A_239 = arith.constant 1 : i32
        %add3A_240 = arith.addi %mul3A_238, %add3A_239 : i32
        %swap3A_241 = arith.constant 0 : i32
        %swap3A_242 = arith.index_cast %swap3A_241 : i32 to index
        %swap3A_243 = arith.index_cast %add3A_240 : i32 to index
        %swap3A_244 = arith.constant 32 : index
        %swap3A_245 = tpu.vector_load %arg6[%swap3A_242, %swap3A_243, %swap3A_244] {strides = array<i32>} : memref<2x200x64xf32, #tpu.memory_space<vmem>>, vector<1x1x16xf32>,
        %swap3A_246 = vector.shape_cast %swap3A_245 : vector<1x1x16xf32> to vector<16xf32>
        %swap3A_247 = vector.shape_cast %get3A_236 : vector<16xf32> to vector<1x1x16xf32>
        tpu.vector_store %arg6[%swap3A_242, %swap3A_243, %swap3A_244], %swap3A_247 {strides = array<i32>} : memref<2x200x64xf32, #tpu.memory_space<vmem>>, vector<1x1x16xf32>,
        %add3A_248 = arith.constant 0 : i32
        %add3A_249 = arith.addi %add3A_248, %scan3A_153 : i32
        %get3A_250 = arith.index_cast %add3A_249 : i32 to index
        %get3A_251 = arith.constant 48 : index
        %get3A_252 = tpu.vector_load %arg5[%get3A_250, %get3A_251] {strides = array<i32>} : memref<200x128xf32, #tpu.memory_space<vmem>>, vector<1x16xf32>,
        %get3A_253 = vector.shape_cast %get3A_252 : vector<1x16xf32> to vector<16xf32>
        %mul3A_254 = arith.constant 2 : i32
        %mul3A_255 = arith.muli %mul3A_254, %scan3A_153 : i32
        %swap3A_256 = arith.constant 0 : i32
        %swap3A_257 = arith.index_cast %swap3A_256 : i32 to index
        %swap3A_258 = arith.index_cast %mul3A_255 : i32 to index
        %swap3A_259 = arith.constant 48 : index
        %swap3A_260 = tpu.vector_load %arg6[%swap3A_257, %swap3A_258, %swap3A_259] {strides = array<i32>} : memref<2x200x64xf32, #tpu.memory_space<vmem>>, vector<1x1x16xf32>,
        %swap3A_261 = vector.shape_cast %swap3A_260 : vector<1x1x16xf32> to vector<16xf32>
        %swap3A_262 = vector.shape_cast %get3A_253 : vector<16xf32> to vector<1x1x16xf32>
        tpu.vector_store %arg6[%swap3A_257, %swap3A_258, %swap3A_259], %swap3A_262 {strides = array<i32>} : memref<2x200x64xf32, #tpu.memory_space<vmem>>, vector<1x1x16xf32>,
        %add3A_263 = arith.constant 0 : i32
        %add3A_264 = arith.addi %add3A_263, %scan3A_153 : i32
        %get3A_265 = arith.index_cast %add3A_264 : i32 to index
        %get3A_266 = arith.constant 112 : index
        %get3A_267 = tpu.vector_load %arg5[%get3A_265, %get3A_266] {strides = array<i32>} : memref<200x128xf32, #tpu.memory_space<vmem>>, vector<1x16xf32>,
        %get3A_268 = vector.shape_cast %get3A_267 : vector<1x16xf32> to vector<16xf32>
        %mul3A_269 = arith.constant 2 : i32
        %mul3A_270 = arith.muli %mul3A_269, %scan3A_153 : i32
        %add3A_271 = arith.constant 1 : i32
        %add3A_272 = arith.addi %mul3A_270, %add3A_271 : i32
        %swap3A_273 = arith.constant 0 : i32
        %swap3A_274 = arith.index_cast %swap3A_273 : i32 to index
        %swap3A_275 = arith.index_cast %add3A_272 : i32 to index
        %swap3A_276 = arith.constant 48 : index
        %swap3A_277 = tpu.vector_load %arg6[%swap3A_274, %swap3A_275, %swap3A_276] {strides = array<i32>} : memref<2x200x64xf32, #tpu.memory_space<vmem>>, vector<1x1x16xf32>,
        %swap3A_278 = vector.shape_cast %swap3A_277 : vector<1x1x16xf32> to vector<16xf32>
        %swap3A_279 = vector.shape_cast %get3A_268 : vector<16xf32> to vector<1x1x16xf32>
        tpu.vector_store %arg6[%swap3A_274, %swap3A_275, %swap3A_276], %swap3A_279 {strides = array<i32>} : memref<2x200x64xf32, #tpu.memory_space<vmem>>, vector<1x1x16xf32>,
        %add3A_280 = arith.constant 100 : i32
        %add3A_281 = arith.addi %add3A_280, %scan3A_153 : i32
        %get3A_282 = arith.index_cast %add3A_281 : i32 to index
        %get3A_283 = arith.constant 0 : index
        %get3A_284 = tpu.vector_load %arg5[%get3A_282, %get3A_283] {strides = array<i32>} : memref<200x128xf32, #tpu.memory_space<vmem>>, vector<1x16xf32>,
        %get3A_285 = vector.shape_cast %get3A_284 : vector<1x16xf32> to vector<16xf32>
        %mul3A_286 = arith.constant 2 : i32
        %mul3A_287 = arith.muli %mul3A_286, %scan3A_153 : i32
        %swap3A_288 = arith.constant 1 : i32
        %swap3A_289 = arith.index_cast %swap3A_288 : i32 to index
        %swap3A_290 = arith.index_cast %mul3A_287 : i32 to index
        %swap3A_291 = arith.constant 0 : index
        %swap3A_292 = tpu.vector_load %arg6[%swap3A_289, %swap3A_290, %swap3A_291] {strides = array<i32>} : memref<2x200x64xf32, #tpu.memory_space<vmem>>, vector<1x1x16xf32>,
        %swap3A_293 = vector.shape_cast %swap3A_292 : vector<1x1x16xf32> to vector<16xf32>
        %swap3A_294 = vector.shape_cast %get3A_285 : vector<16xf32> to vector<1x1x16xf32>
        tpu.vector_store %arg6[%swap3A_289, %swap3A_290, %swap3A_291], %swap3A_294 {strides = array<i32>} : memref<2x200x64xf32, #tpu.memory_space<vmem>>, vector<1x1x16xf32>,
        %add3A_295 = arith.constant 100 : i32
        %add3A_296 = arith.addi %add3A_295, %scan3A_153 : i32
        %get3A_297 = arith.index_cast %add3A_296 : i32 to index
        %get3A_298 = arith.constant 64 : index
        %get3A_299 = tpu.vector_load %arg5[%get3A_297, %get3A_298] {strides = array<i32>} : memref<200x128xf32, #tpu.memory_space<vmem>>, vector<1x16xf32>,
        %get3A_300 = vector.shape_cast %get3A_299 : vector<1x16xf32> to vector<16xf32>
        %mul3A_301 = arith.constant 2 : i32
        %mul3A_302 = arith.muli %mul3A_301, %scan3A_153 : i32
        %add3A_303 = arith.constant 1 : i32
        %add3A_304 = arith.addi %mul3A_302, %add3A_303 : i32
        %swap3A_305 = arith.constant 1 : i32
        %swap3A_306 = arith.index_cast %swap3A_305 : i32 to index
        %swap3A_307 = arith.index_cast %add3A_304 : i32 to index
        %swap3A_308 = arith.constant 0 : index
        %swap3A_309 = tpu.vector_load %arg6[%swap3A_306, %swap3A_307, %swap3A_308] {strides = array<i32>} : memref<2x200x64xf32, #tpu.memory_space<vmem>>, vector<1x1x16xf32>,
        %swap3A_310 = vector.shape_cast %swap3A_309 : vector<1x1x16xf32> to vector<16xf32>
        %swap3A_311 = vector.shape_cast %get3A_300 : vector<16xf32> to vector<1x1x16xf32>
        tpu.vector_store %arg6[%swap3A_306, %swap3A_307, %swap3A_308], %swap3A_311 {strides = array<i32>} : memref<2x200x64xf32, #tpu.memory_space<vmem>>, vector<1x1x16xf32>,
        %add3A_312 = arith.constant 100 : i32
        %add3A_313 = arith.addi %add3A_312, %scan3A_153 : i32
        %get3A_314 = arith.index_cast %add3A_313 : i32 to index
        %get3A_315 = arith.constant 16 : index
        %get3A_316 = tpu.vector_load %arg5[%get3A_314, %get3A_315] {strides = array<i32>} : memref<200x128xf32, #tpu.memory_space<vmem>>, vector<1x16xf32>,
        %get3A_317 = vector.shape_cast %get3A_316 : vector<1x16xf32> to vector<16xf32>
        %mul3A_318 = arith.constant 2 : i32
        %mul3A_319 = arith.muli %mul3A_318, %scan3A_153 : i32
        %swap3A_320 = arith.constant 1 : i32
        %swap3A_321 = arith.index_cast %swap3A_320 : i32 to index
        %swap3A_322 = arith.index_cast %mul3A_319 : i32 to index
        %swap3A_323 = arith.constant 16 : index
        %swap3A_324 = tpu.vector_load %arg6[%swap3A_321, %swap3A_322, %swap3A_323] {strides = array<i32>} : memref<2x200x64xf32, #tpu.memory_space<vmem>>, vector<1x1x16xf32>,
        %swap3A_325 = vector.shape_cast %swap3A_324 : vector<1x1x16xf32> to vector<16xf32>
        %swap3A_326 = vector.shape_cast %get3A_317 : vector<16xf32> to vector<1x1x16xf32>
        tpu.vector_store %arg6[%swap3A_321, %swap3A_322, %swap3A_323], %swap3A_326 {strides = array<i32>} : memref<2x200x64xf32, #tpu.memory_space<vmem>>, vector<1x1x16xf32>,
        %add3A_327 = arith.constant 100 : i32
        %add3A_328 = arith.addi %add3A_327, %scan3A_153 : i32
        %get3A_329 = arith.index_cast %add3A_328 : i32 to index
        %get3A_330 = arith.constant 80 : index
        %get3A_331 = tpu.vector_load %arg5[%get3A_329, %get3A_330] {strides = array<i32>} : memref<200x128xf32, #tpu.memory_space<vmem>>, vector<1x16xf32>,
        %get3A_332 = vector.shape_cast %get3A_331 : vector<1x16xf32> to vector<16xf32>
        %mul3A_333 = arith.constant 2 : i32
        %mul3A_334 = arith.muli %mul3A_333, %scan3A_153 : i32
        %add3A_335 = arith.constant 1 : i32
        %add3A_336 = arith.addi %mul3A_334, %add3A_335 : i32
        %swap3A_337 = arith.constant 1 : i32
        %swap3A_338 = arith.index_cast %swap3A_337 : i32 to index
        %swap3A_339 = arith.index_cast %add3A_336 : i32 to index
        %swap3A_340 = arith.constant 16 : index
        %swap3A_341 = tpu.vector_load %arg6[%swap3A_338, %swap3A_339, %swap3A_340] {strides = array<i32>} : memref<2x200x64xf32, #tpu.memory_space<vmem>>, vector<1x1x16xf32>,
        %swap3A_342 = vector.shape_cast %swap3A_341 : vector<1x1x16xf32> to vector<16xf32>
        %swap3A_343 = vector.shape_cast %get3A_332 : vector<16xf32> to vector<1x1x16xf32>
        tpu.vector_store %arg6[%swap3A_338, %swap3A_339, %swap3A_340], %swap3A_343 {strides = array<i32>} : memref<2x200x64xf32, #tpu.memory_space<vmem>>, vector<1x1x16xf32>,
        %add3A_344 = arith.constant 100 : i32
        %add3A_345 = arith.addi %add3A_344, %scan3A_153 : i32
        %get3A_346 = arith.index_cast %add3A_345 : i32 to index
        %get3A_347 = arith.constant 32 : index
        %get3A_348 = tpu.vector_load %arg5[%get3A_346, %get3A_347] {strides = array<i32>} : memref<200x128xf32, #tpu.memory_space<vmem>>, vector<1x16xf32>,
        %get3A_349 = vector.shape_cast %get3A_348 : vector<1x16xf32> to vector<16xf32>
        %mul3A_350 = arith.constant 2 : i32
        %mul3A_351 = arith.muli %mul3A_350, %scan3A_153 : i32
        %swap3A_352 = arith.constant 1 : i32
        %swap3A_353 = arith.index_cast %swap3A_352 : i32 to index
        %swap3A_354 = arith.index_cast %mul3A_351 : i32 to index
        %swap3A_355 = arith.constant 32 : index
        %swap3A_356 = tpu.vector_load %arg6[%swap3A_353, %swap3A_354, %swap3A_355] {strides = array<i32>} : memref<2x200x64xf32, #tpu.memory_space<vmem>>, vector<1x1x16xf32>,
        %swap3A_357 = vector.shape_cast %swap3A_356 : vector<1x1x16xf32> to vector<16xf32>
        %swap3A_358 = vector.shape_cast %get3A_349 : vector<16xf32> to vector<1x1x16xf32>
        tpu.vector_store %arg6[%swap3A_353, %swap3A_354, %swap3A_355], %swap3A_358 {strides = array<i32>} : memref<2x200x64xf32, #tpu.memory_space<vmem>>, vector<1x1x16xf32>,
        %add3A_359 = arith.constant 100 : i32
        %add3A_360 = arith.addi %add3A_359, %scan3A_153 : i32
        %get3A_361 = arith.index_cast %add3A_360 : i32 to index
        %get3A_362 = arith.constant 96 : index
        %get3A_363 = tpu.vector_load %arg5[%get3A_361, %get3A_362] {strides = array<i32>} : memref<200x128xf32, #tpu.memory_space<vmem>>, vector<1x16xf32>,
        %get3A_364 = vector.shape_cast %get3A_363 : vector<1x16xf32> to vector<16xf32>
        %mul3A_365 = arith.constant 2 : i32
        %mul3A_366 = arith.muli %mul3A_365, %scan3A_153 : i32
        %add3A_367 = arith.constant 1 : i32
        %add3A_368 = arith.addi %mul3A_366, %add3A_367 : i32
        %swap3A_369 = arith.constant 1 : i32
        %swap3A_370 = arith.index_cast %swap3A_369 : i32 to index
        %swap3A_371 = arith.index_cast %add3A_368 : i32 to index
        %swap3A_372 = arith.constant 32 : index
        %swap3A_373 = tpu.vector_load %arg6[%swap3A_370, %swap3A_371, %swap3A_372] {strides = array<i32>} : memref<2x200x64xf32, #tpu.memory_space<vmem>>, vector<1x1x16xf32>,
        %swap3A_374 = vector.shape_cast %swap3A_373 : vector<1x1x16xf32> to vector<16xf32>
        %swap3A_375 = vector.shape_cast %get3A_364 : vector<16xf32> to vector<1x1x16xf32>
        tpu.vector_store %arg6[%swap3A_370, %swap3A_371, %swap3A_372], %swap3A_375 {strides = array<i32>} : memref<2x200x64xf32, #tpu.memory_space<vmem>>, vector<1x1x16xf32>,
        %add3A_376 = arith.constant 100 : i32
        %add3A_377 = arith.addi %add3A_376, %scan3A_153 : i32
        %get3A_378 = arith.index_cast %add3A_377 : i32 to index
        %get3A_379 = arith.constant 48 : index
        %get3A_380 = tpu.vector_load %arg5[%get3A_378, %get3A_379] {strides = array<i32>} : memref<200x128xf32, #tpu.memory_space<vmem>>, vector<1x16xf32>,
        %get3A_381 = vector.shape_cast %get3A_380 : vector<1x16xf32> to vector<16xf32>
        %mul3A_382 = arith.constant 2 : i32
        %mul3A_383 = arith.muli %mul3A_382, %scan3A_153 : i32
        %swap3A_384 = arith.constant 1 : i32
        %swap3A_385 = arith.index_cast %swap3A_384 : i32 to index
        %swap3A_386 = arith.index_cast %mul3A_383 : i32 to index
        %swap3A_387 = arith.constant 48 : index
        %swap3A_388 = tpu.vector_load %arg6[%swap3A_385, %swap3A_386, %swap3A_387] {strides = array<i32>} : memref<2x200x64xf32, #tpu.memory_space<vmem>>, vector<1x1x16xf32>,
        %swap3A_389 = vector.shape_cast %swap3A_388 : vector<1x1x16xf32> to vector<16xf32>
        %swap3A_390 = vector.shape_cast %get3A_381 : vector<16xf32> to vector<1x1x16xf32>
        tpu.vector_store %arg6[%swap3A_385, %swap3A_386, %swap3A_387], %swap3A_390 {strides = array<i32>} : memref<2x200x64xf32, #tpu.memory_space<vmem>>, vector<1x1x16xf32>,
        %add3A_391 = arith.constant 100 : i32
        %add3A_392 = arith.addi %add3A_391, %scan3A_153 : i32
        %get3A_393 = arith.index_cast %add3A_392 : i32 to index
        %get3A_394 = arith.constant 112 : index
        %get3A_395 = tpu.vector_load %arg5[%get3A_393, %get3A_394] {strides = array<i32>} : memref<200x128xf32, #tpu.memory_space<vmem>>, vector<1x16xf32>,
        %get3A_396 = vector.shape_cast %get3A_395 : vector<1x16xf32> to vector<16xf32>
        %mul3A_397 = arith.constant 2 : i32
        %mul3A_398 = arith.muli %mul3A_397, %scan3A_153 : i32
        %add3A_399 = arith.constant 1 : i32
        %add3A_400 = arith.addi %mul3A_398, %add3A_399 : i32
        %swap3A_401 = arith.constant 1 : i32
        %swap3A_402 = arith.index_cast %swap3A_401 : i32 to index
        %swap3A_403 = arith.index_cast %add3A_400 : i32 to index
        %swap3A_404 = arith.constant 48 : index
        %swap3A_405 = tpu.vector_load %arg6[%swap3A_402, %swap3A_403, %swap3A_404] {strides = array<i32>} : memref<2x200x64xf32, #tpu.memory_space<vmem>>, vector<1x1x16xf32>,
        %swap3A_406 = vector.shape_cast %swap3A_405 : vector<1x1x16xf32> to vector<16xf32>
        %swap3A_407 = vector.shape_cast %get3A_396 : vector<16xf32> to vector<1x1x16xf32>
        tpu.vector_store %arg6[%swap3A_402, %swap3A_403, %swap3A_404], %swap3A_407 {strides = array<i32>} : memref<2x200x64xf32, #tpu.memory_space<vmem>>, vector<1x1x16xf32>,
      }
      %scan3A_147 = arith.constant 100 : i32
      %mul3A_148 = arith.constant 128 : i32
      %mul3A_149 = arith.muli %add3A, %mul3A_148 : i32
      %mul3A_150 = arith.constant 2 : i32
      %mul3A_151 = arith.muli %mul3A_150, %add3A_33 : i32
      %add3A_152 = arith.addi %mul3A_149, %mul3A_151 : i32
      "tpu.region"() ({
        %run_scoped3A = tpu.sem_alloc : memref<!tpu.dma_semaphore, #tpu.memory_space<semaphore_mem>>
        %dma_start3A_153 = arith.constant 0 : i32
        %dma_start3A_154 = arith.constant 0 : i32
        %dma_start3A_155 = tpu.memref_slice %arg3[%add3A_152, %dma_start3A_153, %dma_start3A_154] : memref<4096x200x64xf32, #tpu.memory_space<hbm>> -> memref<2x200x64xf32, #tpu.memory_space<hbm>>
        %dma_start3A_156 = arith.constant 0 : i32
        %dma_start3A_157 = arith.constant 0 : i32
        %dma_start3A_158 = tpu.memref_slice %arg3[%add3A_152, %dma_start3A_156, %dma_start3A_157] : memref<4096x200x64xf32, #tpu.memory_space<hbm>> -> memref<2x200x64xf32, #tpu.memory_space<hbm>>
        tpu.enqueue_dma source(%arg6 : memref<2x200x64xf32, #tpu.memory_space<vmem>>) target(%dma_start3A_158 : memref<2x200x64xf32, #tpu.memory_space<hbm>>) target_semaphore(%run_scoped3A : memref<!tpu.dma_semaphore, #tpu.memory_space<semaphore_mem>>)
        %dma_wait3A_159 = arith.constant 0 : i32
        %dma_wait3A_160 = arith.constant 0 : i32
        %dma_wait3A_161 = tpu.memref_slice %arg3[%add3A_152, %dma_wait3A_159, %dma_wait3A_160] : memref<4096x200x64xf32, #tpu.memory_space<hbm>> -> memref<2x200x64xf32, #tpu.memory_space<hbm>>
        %dma_wait3A_162 = arith.constant 0 : i32
        %dma_wait3A_163 = arith.constant 0 : i32
        %dma_wait3A_164 = tpu.memref_slice %arg3[%add3A_152, %dma_wait3A_162, %dma_wait3A_163] : memref<4096x200x64xf32, #tpu.memory_space<hbm>> -> memref<2x200x64xf32, #tpu.memory_space<hbm>>
        tpu.wait_dma2 semaphore(%run_scoped3A : memref<!tpu.dma_semaphore, #tpu.memory_space<semaphore_mem>>) src(%arg6 : memref<2x200x64xf32, #tpu.memory_space<vmem>>) dst(%dma_wait3A_164 : memref<2x200x64xf32, #tpu.memory_space<hbm>>)
        tpu.yield
      }) : () -> ()
    }
    %scan3A_28 = arith.constant 32 : i32
    return
  }
}

</mosaic_0001>

<sc_bundles>
// kernel: kernel.11.cloned.1.call-start
scs
__scs_entry_jumppad:
0x0: {  	(pc) =	sbr.rel $0x88, $3  }
0x1: {  	(tag) =	ssettag $0x0;
	lr =	simm.s32 $0x1  }
0x2: {  	[smem:$0x3F9F] =	sst lr;
	_ =	strace $0xD0000000  }
0x3: {  	_ = 	snop  }
0x4: {  	_ = 	snop  }
0x5: {  	_ = 	snop  }
0x6: {  	_ = 	snop  }
0x7: {  	_ = 	snop  }
__scs_overlays_trampoline_lowered:
0x8: {  	[smem:$0x3FAE] =	sst s0  }
0x9: {  	[smem:$0x3FAF] =	sst s1  }
0xa: {  	[smem:$0x3FB0] =	sst s2  }
0xb: {  	[smem:$0x3FB1] =	sst s3  }
0xc: {  	[smem:$0x3FB2] =	sst s4  }
0xd: {  	[smem:$0x3FB3] =	sst s5  }
0xe: {  	[smem:$0x3FB4] =	sst s6  }
0xf: {  	[smem:$0x3FB5] =	sst s7  }
0x10: {  	[smem:$0x3FB6] =	sst s8  }
0x11: {  	[smem:$0x3FB7] =	sst s9;
	s0 =	simm.s32 @!p0 $0x0  }
0x12: {  	s1 =	sld [smem:$0x3F9D];
	s0 =	simm.s32 @p0 $0x1  }
0x13: {  	[smem:$0x3FB8] =	sst s0;
	s0 =	simm.s32 @!p1 $0x0  }
0x14: {  	s2 =	sld [smem:$0x3F9C];
	s0 =	simm.s32 @p1 $0x1  }
0x15: {  	[smem:$0x3FB9] =	sst s0;
	s0 =	simm.s32 @!p2 $0x0  }
0x16: {  	s3 =	sld [smem:$0x3FDB];
	s0 =	simm.s32 @p2 $0x1  }
0x17: {  	s4 =	simm.s32 $0x1BF5;
	[smem:$0x3FBB] =	sst s0  }
0x18: {  	s0 =	sld [smem:$0x3F9E];
	_ =	swait.ge [sflag:s4], $0x0  }
0x19: {  	s7 =	sld [smem:$0x3F9F]  }
0x1a: {  	s8 =	sadd.s32 $0xFFFFE003, lr  }
0x1b: {  	s9 =	sadd.s32 $0xFFFFFEF7, lr;
	s5 =	simm.s32 $0xFFFFFFFF;
	p2 =	slt.u32 s8, $0xFFFFF086  }
0x1c: {  	p1 =	slt.u32 s9, $0xF7A;
	s5 =	simm.s32 @!p2 $0x0  }
0x1d: {  	s5 =	simm.s32 @p1 $0x1;
	p0 =	seq.s32 s7, s2  }
0x1e: {  	s7 =	smul.u32 @!p0 $0xF7A, s2;
	p2 =	seq.s32 @!p0 s5, $0x0  }
0x1f: {  	s9 =	smul.u32 $0xF7A, s1;
	s8 =	simm.s32 @!p0 $0x1BF5;
	p2 =	por !p2, p0  }
0x20: {  	[sflag:s8] =	ssyncset.s32 @!p0 $0xFFFFF086;
	s6 =	sadd.s32 @!p0 s3, s7;
	s7 =	simm.s32 @!p0 $0x108  }
0x21: {  	s3 =	sadd.s32 s3, s9;
	s6 =	sadd.s32 @!p0 $0x88, s6;
	s7 =	simm.s32 @p2 $0x1082  }
0x22: {  	[simem:s7], [sflag:s8] =	dma.local @!p0 [hbm:s6], $0xF7A  }
0x23: {  	s9 =	sor.u32 $0xD0000000, s2;
	s6 =	simm.s32 $0x108;
	_ =	swait.ge @!p0 [sflag:s8], $0x0  }
0x24: {  	s3 =	sadd.s32 $0x88, s3;
	s6 =	simm.s32 @!p1 $0x1082;
	[sflag:s4] =	ssyncset.s32 $0xFFFFF086  }
0x25: {  	[simem:s6], [sflag:s4] =	dma.local [hbm:s3], $0xF7A  }
0x26: {  	[smem:$0x3F9F] =	sst s1;
	(tag) =	ssettag s2;
	_ =	strace s9  }
0x27: {  	s1 =	sld [smem:$0x3FAF]  }
0x28: {  	s2 =	sld [smem:$0x3FB0]  }
0x29: {  	s4 =	sld [smem:$0x3FB2]  }
0x2a: {  	p0 =	seq.s32 s5, $0x0;
	s5 =	sld [smem:$0x3FB3]  }
0x2b: {  	s6 =	sld [smem:$0x3FB4]  }
0x2c: {  	s7 =	sld [smem:$0x3FB5]  }
0x2d: {  	s3 =	simm.s32 $0x108;
	s8 =	sld [smem:$0x3FB6]  }
0x2e: {  	s3 =	simm.s32 @!p0 $0x1082;
	s9 =	sld [smem:$0x3FB7]  }
0x2f: {  	lr =	sadd.s32 s0, s3;
	s0 =	sld [smem:$0x3FAE]  }
0x30: {  	s3 =	sld [smem:$0x3FB1]  }
0x31: {  	[smem:$0x3FBA] =	sst s10  }
0x32: {  	s10 =	sld [smem:$0x3FB8];
	_ =	sdelay $0x3  }
0x33: {  	p0 =	seq.s32 s10, $0x1;
	s10 =	sld [smem:$0x3FBA];
	_ =	sdelay $0x3  }
0x34: {  	[smem:$0x3FBA] =	sst s10  }
0x35: {  	s10 =	sld [smem:$0x3FB9];
	_ =	sdelay $0x3  }
0x36: {  	p1 =	seq.s32 s10, $0x1;
	s10 =	sld [smem:$0x3FBA];
	_ =	sdelay $0x3  }
0x37: {  	[smem:$0x3FBA] =	sst s10  }
0x38: {  	s10 =	sld [smem:$0x3FBB]  }
0x39: {  	_ = 	snop;
	(pc) =	sbr.ind lr, $3  }
0x3a: {  	_ = 	snop  }
0x3b: {  	_ = 	snop  }
0x3c: {  	p2 =	seq.s32 s10, $0x1;
	s10 =	sld [smem:$0x3FBA]  }
0x3d: {  	_ =	shalt  }
0x3e: {  	_ =	shalt  }
0x3f: {  	_ =	shalt  }
0x40: {  	_ =	shalt  }
0x41: {  	_ =	shalt  }
0x42: {  	_ =	shalt  }
0x43: {  	_ =	shalt  }
0x44: {  	_ =	shalt  }
0x45: {  	_ =	shalt  }
0x46: {  	_ =	shalt  }
0x47: {  	_ =	shalt  }
0x48: {  	_ =	shalt  }
0x49: {  	_ =	shalt  }
0x4a: {  	_ =	shalt  }
0x4b: {  	_ =	shalt  }
0x4c: {  	_ =	shalt  }
0x4d: {  	_ =	shalt  }
0x4e: {  	_ =	shalt  }
0x4f: {  	_ =	shalt  }
0x50: {  	_ =	shalt  }
0x51: {  	_ =	shalt  }
0x52: {  	_ =	shalt  }
0x53: {  	_ =	shalt  }
0x54: {  	_ =	shalt  }
0x55: {  	_ =	shalt  }
0x56: {  	_ =	shalt  }
0x57: {  	_ =	shalt  }
0x58: {  	_ =	shalt  }
0x59: {  	_ =	shalt  }
0x5a: {  	_ =	shalt  }
0x5b: {  	_ =	shalt  }
0x5c: {  	_ =	shalt  }
0x5d: {  	_ =	shalt  }
0x5e: {  	_ =	shalt  }
0x5f: {  	_ =	shalt  }
0x60: {  	_ =	shalt  }
0x61: {  	_ =	shalt  }
0x62: {  	_ =	shalt  }
0x63: {  	_ =	shalt  }
0x64: {  	_ =	shalt  }
0x65: {  	_ =	shalt  }
0x66: {  	_ =	shalt  }
0x67: {  	_ =	shalt  }
0x68: {  	_ =	shalt  }
0x69: {  	_ =	shalt  }
0x6a: {  	_ =	shalt  }
0x6b: {  	_ =	shalt  }
0x6c: {  	_ =	shalt  }
0x6d: {  	_ =	shalt  }
0x6e: {  	_ =	shalt  }
0x6f: {  	_ =	shalt  }
0x70: {  	_ =	shalt  }
0x71: {  	_ =	shalt  }
0x72: {  	_ =	shalt  }
0x73: {  	_ =	shalt  }
0x74: {  	_ =	shalt  }
0x75: {  	_ =	shalt  }
0x76: {  	_ =	shalt  }
0x77: {  	_ =	shalt  }
0x78: {  	_ =	shalt  }
0x79: {  	_ =	shalt  }
0x7a: {  	_ =	shalt  }
0x7b: {  	_ =	shalt  }
0x7c: {  	_ =	shalt  }
0x7d: {  	_ =	shalt  }
0x7e: {  	_ =	shalt  }
0x7f: {  	_ =	shalt  }
0x80: {  	_ =	shalt  }
0x81: {  	_ =	shalt  }
0x82: {  	_ =	shalt  }
0x83: {  	_ =	shalt  }
0x84: {  	_ =	shalt  }
0x85: {  	_ =	shalt  }
0x86: {  	_ =	shalt  }
0x87: {  	_ =	shalt  }
.Lfunc_end0:
.L_simem_size_0:
called_computation.2_lowered:
.L_overlay_start_0:
0x88: {  	s2 =	sld [smem:$0x3FD9]  }
0x89: {  	s3 =	sld [smem:$0x3FFE];
	_ =	sdelay $0x1  }
0x8a: {  	s1 =	srdreg.scid  }
0x8b: {  	s0 =	sand.u32 $0x1, s1  }
0x8c: {  	s17 =	sshll.u32 s0, $0xA;
	s2 =	sadd.s32 s3, s2  }
0x8d: {  	s2 =	sadd.s32 s2, s17  }
0x8e: {  	[smem:$0x3FC6] =	sst s2  }
0x8f: {  	_ = 	snop  }
0x90: {  	s2 =	sld [smem:$0x3FD0];
	(tm) =	ssettm $0x1  }
0x91: {  	s18 =	sld [smem:$0x3FFB];
	_ =	sdelay $0x3  }
0x92: {  	_ =	strace s18  }
0x93: {  	s3 =	sld [smem:$0x3FFC];
	_ =	sdelay $0x3  }
0x94: {  	_ =	strace s3  }
0x95: {  	s3 =	sld [smem:$0x3FFD];
	_ =	sdelay $0x3  }
0x96: {  	_ =	strace s3  }
0x97: {  	_ =	strace $0x8FFFFFFF  }
0x98: {  	s19 =	sld [smem:$0x3FDB];
	_ =	sdelay $0x1  }
0x99: {  	s4 =	simm.s32 $_scs_section_size  }
0x9a: {  	s5 =	simm.s32 $_size__tile_overlayer_lowered;
	s6 =	simm.s32 $_tile_overlayer_lowered  }
0x9b: {  	s22 =	simm.s32 $0x1BFF;
	s21 =	sshll.u32 s6, $0x1;
	s3 =	sadd.s32 s4, s19  }
0x9c: {  	s7 =	simm.s32 $0x0;
	s20 =	sshll.u32 s5, $0x1;
	s5 =	sadd.s32 s21, s3  }
0x9d: {  	[timem:s7], [sflag:s22] =	dma.local [hbm:s5], s20  }
0x9e: {  	_ =	swait.ge [sflag:s22], s20  }
0x9f: {  	s4 =	ssub.s32 $0x0, s20;
	[sflag:s22] =	ssyncset.done $0x0  }
0xa0: {  	[sflag:s22] =	ssyncadd.s32 s4;
	_ =	sdelay $0x1  }
0xa1: {  	s23 =	simm.s32 $0x1B8B  }
0xa2: {  	_ =	swait.ge [sflag:s23], $0x1  }
0xa3: {  	[sflag:s23] =	ssyncset.done $0x0  }
0xa4: {  	s25 =	simm.s32 $0x1B8E;
	s24 =	sld [smem:$0x3FFE];
	[sflag:s23] =	ssyncadd.s32 $0xFFFFFFFF  }
0xa5: {  	s26 =	simm.s32 $execute0_lowered;
	[smem:$0x3FD2] =	sst s25  }
0xa6: {  	s5 =	sshll.u32 s26, $0x1;
	_ =	strace $0x8000004C;
	[dreg:$0x1] =	wrdreg $0xFFFFFFFF  }
0xa7: {  	s28 =	simm.s32 $_size_execute0_lowered;
	s3 =	sadd.s32 s3, s5;
	[dreg:$0x0] =	wrdreg $0x0  }
0xa8: {  	s5 =	sshll.u32 s28, $0x1;
	[dreg:$0x2] =	wrdreg s3  }
0xa9: {  	[dreg:$0x3] =	wrdreg s5  }
0xaa: {  	[dreg:$0x4] =	wrdreg $0xC0  }
0xab: {  	_ =	task [dreg:s7], $0x5FFFF  }
0xac: {  	[dreg:$0x1] =	wrdreg $0xFFFFFFFF  }
0xad: {  	[dreg:$0x0] =	wrdreg $0x60  }
0xae: {  	[dreg:$0x2] =	wrdreg s2  }
0xaf: {  	[dreg:$0x3] =	wrdreg s24  }
0xb0: {  	[dreg:$0x4] =	wrdreg $0x9  }
0xb1: {  	_ =	task.clear_ibuf [dreg:s7], $0x5FFFF;
	_ =	strace $0x9000004C  }
0xb2: {  	s29 =	simm.s32 $0x9;
	_ =	strace $0x8000004E  }
0xb3: {  	_ =	swait.ge [sflag:s29], $0x1  }
0xb4: {  	[sflag:s29] =	ssyncadd.s32 $0xFFFFFFFF  }
0xb5: {  	_ =	strace $0x9000004E  }
0xb6: {  	_ =	sfence  }
0xb7: {  	s30 =	sld [smem:$0x0];
	_ =	sdelay $0x2  }
0xb8: {  	s31 =	sshll.u32 s1, $0xD;
	s1 =	sshrl.u32 s1, $0x2  }
0xb9: {  	s3 =	sand.u32 $0x4000, s31;
	s1 =	sadd.s32 s1, s30  }
0xba: {  	s0 =	sor.u32 s3, s0;
	s1 =	sshll.u32 s1, $0x11  }
0xbb: {  	s0 =	sor.u32 s1, s0  }
0xbc: {  	s0 =	sadd.s32 $0x8F2B, s0  }
0xbd: {  	[sflag:s0] =	ssyncadd.remote.s32 $0x1  }
0xbe: {  	_ =	sfence.sel $0xFFFF  }
0xbf: {  	[dreg:$0x0] =	wrdreg $0xFFFFFFFF;
	(pc) =	sbr.abs _section_cstart, $3  }
0xc0: {  	[dreg:$0x1] =	wrdreg $0xFFFFFFFF  }
0xc1: {  	_ =	task.clear_ibuf [dreg:s7], $0x2FFFF;
	_ =	strace $0x9FFFFFFF  }
0xc2: {  	(tm) =	ssettm $0x7FFFFFFF  }
0xc3: {  	_ =	shalt  }
tec
execute0_lowered:
.L_overlay_start_1:
0x0: {  	(tag) =	ssettag $0x1  }
0x1: {  	s2 =	rddreg [dreg:$0x0]  }
0x2: {  	s1 =	srdreg.scid;
	s0 =	stileid.u32  }
0x3: {  	s5 =	rddreg [dreg:$0x1];
	s3 =	simm.s32 $0x0;
	s10 =	simm.s32 $0x1  }
0x4: {  	s11 =	simm.s32 $0x6400;
	s12 =	simm.s32 $0xC800;
	s13 =	simm.s32 $0x3  }
0x5: {  	s14 =	simm.s32 $0x2;
	s4 =	sand.u32 $0x1, s1;
	s6 =	sshll.u32 s0, $0x1  }
0x6: {  	s15 =	simm.s32 $0x0;
	s1 =	rddreg [dreg:$0x2];
	s7 =	sor.u32 s4, s6  }
0x7: {  	[smem:$0x7FF] =	sst s3;
	s31 =	ssub.s32 $0x2, s4;
	s8 =	smul.u32 $0x32000, s7  }
0x8: {  	s5 =	sadd.s32 $0xE00, s5;
	s9 =	sshrl.u32 s31, $0x1;
	s4 =	smul.u32 $0x3200, s7  }
0x9: {  	_ =	strace $0x8000004D;
	s7 =	sshll.u32 s7, $0x7;
	s9 =	ssub.s32 s31, s9  }
0xa: {  	s6 =	sadd.s32 s2, s8;
	s8 =	sor.u32 $0x190, s4;
	s9 =	smax.u32 s9, $0x1  }
.LBB2_1:
0xb: {  	[tilespmem:s3], [sflag:$0x1] =	stream.linear.gather [hbm4b:s6+s3], $0x6400, $0x38;
	[tilespmem:$0x19000] =	vst v63  }
0xc: {  	s16 =	simm.s32 $0x0  }
.LBB2_2:
0xd: {  	s17 =	sshllo.u32 s16, $0x1  }
0xe: {  	s18 =	smul.u32 $0xC8, s17;
	_ =	sdelay $0x1  }
0xf: {  	_ =	swait.ge [sflag:s10], $0x6400;
	s18 =	sadd.s32 s4, s18  }
0x10: {  	[sflag:s10] =	ssyncset.done $0x0;
	s18 =	sshll.u32 s18, $0x4  }
0x11: {  	s19 =	simm.s32 $0x0;
	[sflag:s10] =	ssyncadd.s32 $0xFFFF9C00;
	s18 =	sadd.s32 s2, s18  }
0x12: {  	[tilespmem:s11], [sflag:$0x2] =	stream.linear.gather [hbm4b:s18+s19], $0x6400, $0x38;
	[tilespmem:$0x19000] =	vst v63  }
0x13: {  	s18 =	simm.s32 $0x3270  }
0x14: {  	s20 =	simm.s32 $0x400;
	v0 =	vld [tilespmem:s18+$0xFFFFCD90]  }
.LBB2_3:
0x15: {  	p0 =	sne.s32 s20, $0x18C00;
	_ =	sdelay $0x2  }
0x16: {  	s21 =	sshra.s32 s19, $0x2;
	s19 =	smov.u32 s20  }
0x17: {  	[tilespmem:s21+$0xC800] =	vst v0  }
0x18: {  	v0 =	vld [tilespmem:s18+$0xFFFFCDD0];
	_ =	sdelay $0x4  }
0x19: {  	[tilespmem:s21+$0xC880] =	vst v0  }
0x1a: {  	v0 =	vld [tilespmem:s18+$0xFFFFCDA0];
	_ =	sdelay $0x4  }
0x1b: {  	[tilespmem:s21+$0xC810] =	vst v0  }
0x1c: {  	v0 =	vld [tilespmem:s18+$0xFFFFCDE0];
	_ =	sdelay $0x4  }
0x1d: {  	[tilespmem:s21+$0xC890] =	vst v0  }
0x1e: {  	v0 =	vld [tilespmem:s18+$0xFFFFCDB0];
	_ =	sdelay $0x4  }
0x1f: {  	[tilespmem:s21+$0xC820] =	vst v0  }
0x20: {  	v0 =	vld [tilespmem:s18+$0xFFFFCDF0];
	_ =	sdelay $0x4  }
0x21: {  	[tilespmem:s21+$0xC8A0] =	vst v0  }
0x22: {  	v0 =	vld [tilespmem:s18+$0xFFFFCDC0];
	_ =	sdelay $0x4  }
0x23: {  	[tilespmem:s21+$0xC830] =	vst v0  }
0x24: {  	v0 =	vld [tilespmem:s18+$0xFFFFCE00];
	_ =	sdelay $0x4  }
0x25: {  	[tilespmem:s21+$0xC8B0] =	vst v0  }
0x26: {  	v0 =	vld [tilespmem:s18+$0xFFFFFF90];
	_ =	sdelay $0x4  }
0x27: {  	[tilespmem:s21+$0x12C00] =	vst v0  }
0x28: {  	v0 =	vld [tilespmem:s18+$0xFFFFFFD0];
	_ =	sdelay $0x4  }
0x29: {  	[tilespmem:s21+$0x12C80] =	vst v0  }
0x2a: {  	v0 =	vld [tilespmem:s18+$0xFFFFFFA0];
	_ =	sdelay $0x4  }
0x2b: {  	[tilespmem:s21+$0x12C10] =	vst v0  }
0x2c: {  	v0 =	vld [tilespmem:s18+$0xFFFFFFE0];
	_ =	sdelay $0x4  }
0x2d: {  	[tilespmem:s21+$0x12C90] =	vst v0  }
0x2e: {  	v0 =	vld [tilespmem:s18+$0xFFFFFFB0];
	_ =	sdelay $0x4  }
0x2f: {  	[tilespmem:s21+$0x12C20] =	vst v0  }
0x30: {  	v0 =	vld [tilespmem:s18+$0xFFFFFFF0];
	_ =	sdelay $0x4  }
0x31: {  	[tilespmem:s21+$0x12CA0] =	vst v0  }
0x32: {  	v0 =	vld [tilespmem:s18+$0xFFFFFFC0];
	_ =	sdelay $0x4  }
0x33: {  	[tilespmem:s21+$0x12C30] =	vst v0  }
0x34: {  	v0 =	vld [tilespmem:s18+$0x0];
	_ =	sdelay $0x1  }
.Ltmp0:
0x35: {  	(pc) =	sbr.rel @p0 .LBB2_3-.Ltmp0, $3  }
0x36: {  	_ =	sdelay $0x1  }
0x37: {  	s18 =	sadd.s32 $0x80, s18;
	[tilespmem:s21+$0x12CB0] =	vst v0  }
0x38: {  	s20 =	sadd.s32 $0x400, s20;
	v0 =	vld [tilespmem:s18+$0xFFFFCD90]  }
0x39: {  	_ =	sdelay $0x2  }
0x3a: {  	s19 =	sshra.s32 s19, $0x2  }
0x3b: {  	[tilespmem:s19+$0xC800] =	vst v0  }
0x3c: {  	v0 =	vld [tilespmem:s18+$0xFFFFCDD0];
	_ =	sdelay $0x4  }
0x3d: {  	[tilespmem:s19+$0xC880] =	vst v0  }
0x3e: {  	v0 =	vld [tilespmem:s18+$0xFFFFCDA0];
	_ =	sdelay $0x4  }
0x3f: {  	[tilespmem:s19+$0xC810] =	vst v0  }
0x40: {  	v0 =	vld [tilespmem:s18+$0xFFFFCDE0];
	_ =	sdelay $0x4  }
0x41: {  	[tilespmem:s19+$0xC890] =	vst v0  }
0x42: {  	v0 =	vld [tilespmem:s18+$0xFFFFCDB0];
	_ =	sdelay $0x4  }
0x43: {  	[tilespmem:s19+$0xC820] =	vst v0  }
0x44: {  	v0 =	vld [tilespmem:s18+$0xFFFFCDF0];
	_ =	sdelay $0x4  }
0x45: {  	[tilespmem:s19+$0xC8A0] =	vst v0  }
0x46: {  	v0 =	vld [tilespmem:s18+$0xFFFFCDC0];
	_ =	sdelay $0x4  }
0x47: {  	[tilespmem:s19+$0xC830] =	vst v0  }
0x48: {  	v0 =	vld [tilespmem:s18+$0xFFFFCE00];
	_ =	sdelay $0x4  }
0x49: {  	[tilespmem:s19+$0xC8B0] =	vst v0  }
0x4a: {  	v0 =	vld [tilespmem:s18+$0xFFFFFF90];
	_ =	sdelay $0x4  }
0x4b: {  	[tilespmem:s19+$0x12C00] =	vst v0  }
0x4c: {  	v0 =	vld [tilespmem:s18+$0xFFFFFFD0];
	_ =	sdelay $0x4  }
0x4d: {  	[tilespmem:s19+$0x12C80] =	vst v0  }
0x4e: {  	v0 =	vld [tilespmem:s18+$0xFFFFFFA0];
	_ =	sdelay $0x4  }
0x4f: {  	[tilespmem:s19+$0x12C10] =	vst v0  }
0x50: {  	v0 =	vld [tilespmem:s18+$0xFFFFFFE0];
	_ =	sdelay $0x4  }
0x51: {  	[tilespmem:s19+$0x12C90] =	vst v0  }
0x52: {  	v0 =	vld [tilespmem:s18+$0xFFFFFFB0];
	_ =	sdelay $0x4  }
0x53: {  	[tilespmem:s19+$0x12C20] =	vst v0  }
0x54: {  	v0 =	vld [tilespmem:s18+$0xFFFFFFF0];
	_ =	sdelay $0x4  }
0x55: {  	[tilespmem:s19+$0x12CA0] =	vst v0  }
0x56: {  	v0 =	vld [tilespmem:s18+$0xFFFFFFC0];
	_ =	sdelay $0x4  }
0x57: {  	[tilespmem:s19+$0x12C30] =	vst v0  }
0x58: {  	v0 =	vld [tilespmem:s18+$0x0]  }
0x59: {  	s31 =	sshll.u32 s16, $0x2  }
0x5a: {  	s18 =	sadd.s32 s7, s31  }
0x5b: {  	s18 =	smul.u32 $0xC80, s18;
	_ =	sdelay $0x1  }
0x5c: {  	s18 =	sadd.s32 s5, s18;
	[tilespmem:s19+$0x12CB0] =	vst v0  }
0x5d: {  	[hbm4b:s18+s3] =	stream.linear.scatter [tilespmem:s12], [sflag:$0x3], $0xC800, $0x38;
	[tilespmem:$0x19000] =	vst v63  }
0x5e: {  	p0 =	seq.s32 s16, $0x1F;
	_ =	swait.ge [sflag:s13], $0xC800  }
0x5f: {  	s18 =	smul.u32 @!p0 $0x190, s16;
	[sflag:s13] =	ssyncset.done $0x0  }
0x60: {  	[sflag:s13] =	ssyncadd.s32 $0xFFFF3800  }
0x61: {  	s18 =	sadd.s32 @!p0 s18, s8;
	_ =	swait.ge [sflag:s14], $0x6400  }
0x62: {  	s18 =	sshll.u32 @!p0 s18, $0x4;
	[sflag:s14] =	ssyncset.done $0x0  }
0x63: {  	s19 =	simm.s32 @!p0 $0x0;
	s18 =	sadd.s32 @!p0 s2, s18;
	[sflag:s14] =	ssyncadd.s32 $0xFFFF9C00  }
0x64: {  	[tilespmem:s19], [sflag:$0x1] =	stream.linear.gather @!p0 [hbm4b:s18+s19], $0x6400, $0x38;
	[tilespmem:$0x19000] =	vst v63  }
0x65: {  	s18 =	simm.s32 $0x9670  }
0x66: {  	s20 =	simm.s32 $0x400;
	s19 =	simm.s32 $0x0;
	v0 =	vld [tilespmem:s18+$0xFFFFCD90]  }
.LBB2_5:
0x67: {  	p0 =	sne.s32 s20, $0x18C00;
	_ =	sdelay $0x2  }
0x68: {  	s21 =	sshra.s32 s19, $0x2;
	s19 =	smov.u32 s20  }
0x69: {  	[tilespmem:s21+$0xC800] =	vst v0  }
0x6a: {  	v0 =	vld [tilespmem:s18+$0xFFFFCDD0];
	_ =	sdelay $0x4  }
0x6b: {  	[tilespmem:s21+$0xC880] =	vst v0  }
0x6c: {  	v0 =	vld [tilespmem:s18+$0xFFFFCDA0];
	_ =	sdelay $0x4  }
0x6d: {  	[tilespmem:s21+$0xC810] =	vst v0  }
0x6e: {  	v0 =	vld [tilespmem:s18+$0xFFFFCDE0];
	_ =	sdelay $0x4  }
0x6f: {  	[tilespmem:s21+$0xC890] =	vst v0  }
0x70: {  	v0 =	vld [tilespmem:s18+$0xFFFFCDB0];
	_ =	sdelay $0x4  }
0x71: {  	[tilespmem:s21+$0xC820] =	vst v0  }
0x72: {  	v0 =	vld [tilespmem:s18+$0xFFFFCDF0];
	_ =	sdelay $0x4  }
0x73: {  	[tilespmem:s21+$0xC8A0] =	vst v0  }
0x74: {  	v0 =	vld [tilespmem:s18+$0xFFFFCDC0];
	_ =	sdelay $0x4  }
0x75: {  	[tilespmem:s21+$0xC830] =	vst v0  }
0x76: {  	v0 =	vld [tilespmem:s18+$0xFFFFCE00];
	_ =	sdelay $0x4  }
0x77: {  	[tilespmem:s21+$0xC8B0] =	vst v0  }
0x78: {  	v0 =	vld [tilespmem:s18+$0xFFFFFF90];
	_ =	sdelay $0x4  }
0x79: {  	[tilespmem:s21+$0x12C00] =	vst v0  }
0x7a: {  	v0 =	vld [tilespmem:s18+$0xFFFFFFD0];
	_ =	sdelay $0x4  }
0x7b: {  	[tilespmem:s21+$0x12C80] =	vst v0  }
0x7c: {  	v0 =	vld [tilespmem:s18+$0xFFFFFFA0];
	_ =	sdelay $0x4  }
0x7d: {  	[tilespmem:s21+$0x12C10] =	vst v0  }
0x7e: {  	v0 =	vld [tilespmem:s18+$0xFFFFFFE0];
	_ =	sdelay $0x4  }
0x7f: {  	[tilespmem:s21+$0x12C90] =	vst v0  }
0x80: {  	v0 =	vld [tilespmem:s18+$0xFFFFFFB0];
	_ =	sdelay $0x4  }
0x81: {  	[tilespmem:s21+$0x12C20] =	vst v0  }
0x82: {  	v0 =	vld [tilespmem:s18+$0xFFFFFFF0];
	_ =	sdelay $0x4  }
0x83: {  	[tilespmem:s21+$0x12CA0] =	vst v0  }
0x84: {  	v0 =	vld [tilespmem:s18+$0xFFFFFFC0];
	_ =	sdelay $0x4  }
0x85: {  	[tilespmem:s21+$0x12C30] =	vst v0  }
0x86: {  	v0 =	vld [tilespmem:s18+$0x0];
	_ =	sdelay $0x1  }
.Ltmp1:
0x87: {  	(pc) =	sbr.rel @p0 .LBB2_5-.Ltmp1, $3  }
0x88: {  	_ =	sdelay $0x1  }
0x89: {  	s18 =	sadd.s32 $0x80, s18;
	[tilespmem:s21+$0x12CB0] =	vst v0  }
0x8a: {  	s20 =	sadd.s32 $0x400, s20;
	v0 =	vld [tilespmem:s18+$0xFFFFCD90]  }
0x8b: {  	_ =	sdelay $0x2  }
0x8c: {  	s19 =	sshra.s32 s19, $0x2  }
0x8d: {  	[tilespmem:s19+$0xC800] =	vst v0  }
0x8e: {  	v0 =	vld [tilespmem:s18+$0xFFFFCDD0];
	_ =	sdelay $0x4  }
0x8f: {  	[tilespmem:s19+$0xC880] =	vst v0  }
0x90: {  	v0 =	vld [tilespmem:s18+$0xFFFFCDA0];
	_ =	sdelay $0x4  }
0x91: {  	[tilespmem:s19+$0xC810] =	vst v0  }
0x92: {  	v0 =	vld [tilespmem:s18+$0xFFFFCDE0];
	_ =	sdelay $0x4  }
0x93: {  	[tilespmem:s19+$0xC890] =	vst v0  }
0x94: {  	v0 =	vld [tilespmem:s18+$0xFFFFCDB0];
	_ =	sdelay $0x4  }
0x95: {  	[tilespmem:s19+$0xC820] =	vst v0  }
0x96: {  	v0 =	vld [tilespmem:s18+$0xFFFFCDF0];
	_ =	sdelay $0x4  }
0x97: {  	[tilespmem:s19+$0xC8A0] =	vst v0  }
0x98: {  	v0 =	vld [tilespmem:s18+$0xFFFFCDC0];
	_ =	sdelay $0x4  }
0x99: {  	[tilespmem:s19+$0xC830] =	vst v0  }
0x9a: {  	v0 =	vld [tilespmem:s18+$0xFFFFCE00];
	_ =	sdelay $0x4  }
0x9b: {  	[tilespmem:s19+$0xC8B0] =	vst v0  }
0x9c: {  	v0 =	vld [tilespmem:s18+$0xFFFFFF90];
	_ =	sdelay $0x4  }
0x9d: {  	[tilespmem:s19+$0x12C00] =	vst v0  }
0x9e: {  	v0 =	vld [tilespmem:s18+$0xFFFFFFD0];
	_ =	sdelay $0x4  }
0x9f: {  	[tilespmem:s19+$0x12C80] =	vst v0  }
0xa0: {  	v0 =	vld [tilespmem:s18+$0xFFFFFFA0];
	_ =	sdelay $0x4  }
0xa1: {  	[tilespmem:s19+$0x12C10] =	vst v0  }
0xa2: {  	v0 =	vld [tilespmem:s18+$0xFFFFFFE0];
	_ =	sdelay $0x4  }
0xa3: {  	[tilespmem:s19+$0x12C90] =	vst v0  }
0xa4: {  	v0 =	vld [tilespmem:s18+$0xFFFFFFB0];
	_ =	sdelay $0x4  }
0xa5: {  	[tilespmem:s19+$0x12C20] =	vst v0  }
0xa6: {  	v0 =	vld [tilespmem:s18+$0xFFFFFFF0];
	_ =	sdelay $0x4  }
0xa7: {  	[tilespmem:s19+$0x12CA0] =	vst v0  }
0xa8: {  	v0 =	vld [tilespmem:s18+$0xFFFFFFC0];
	_ =	sdelay $0x4  }
0xa9: {  	[tilespmem:s19+$0x12C30] =	vst v0  }
0xaa: {  	v0 =	vld [tilespmem:s18+$0x0]  }
0xab: {  	s17 =	sshll.u32 s17, $0x1  }
0xac: {  	s17 =	sadd.s32 s7, s17  }
0xad: {  	s16 =	sadd.s32 $0x1, s16;
	s17 =	smul.u32 $0xC80, s17  }
0xae: {  	p0 =	sne.s32 s16, $0x20  }
.Ltmp2:
0xaf: {  	s17 =	sadd.s32 s5, s17;
	[tilespmem:s19+$0x12CB0] =	vst v0;
	(pc) =	sbr.rel @p0 .LBB2_2-.Ltmp2, $4  }
0xb0: {  	[hbm4b:s17+s3] =	stream.linear.scatter [tilespmem:s12], [sflag:$0x3], $0xC800, $0x38;
	[tilespmem:$0x19000] =	vst v63  }
0xb1: {  	_ =	swait.ge [sflag:s13], $0xC800  }
0xb2: {  	[sflag:s13] =	ssyncset.done $0x0  }
0xb3: {  	[sflag:s13] =	ssyncadd.s32 $0xFFFF3800  }
0xb4: {  	s15 =	sadd.s32 $0x1, s15  }
0xb5: {  	p0 =	sne.s32 s15, s9  }
.Ltmp3:
0xb6: {  	_ = 	snop;
	(pc) =	sbr.rel @p0 .LBB2_1-.Ltmp3, $1  }
0xb7: {  	_ =	sdelay $0x3  }
0xb8: {  	_ =	sfence.sel $0x180000  }
0xb9: {  	[bflag:$0x0] =	sbarrier.arrive $0xFFFF  }
0xba: {  	p0 =	sne.s32 s0, $0x0;
	_ =	strace $0x9000004D  }
0xbb: {  	s0 =	sadd.s32 @!p0 $0x100000, s1;
	[bflag:$0x2] =	sbarrier.arrive $0xFFFF  }
0xbc: {  	[sflag:s0] =	ssyncadd.tile.s32 @!p0 $0x1;
	_ =	shalt  }
.Lfunc_end2:
_tile_overlayer_lowered:
.L_overlay_start_2:
0xbd: {  	(tag) =	ssettag $0x2  }
0xbe: {  	s0 =	rddreg [dreg:$0x0];
	s2 =	stileid.u32  }
0xbf: {  	s1 =	rddreg [dreg:$0x1];
	p0 =	sne.s32 s2, $0x0  }
0xc0: {  	s3 =	rddreg [dreg:$0x2];
	[bflag:$0x3] =	sbarrier.arrive $0xFFFF;
	s2 =	simm.s32 @!p0 $0x1C03  }
0xc1: {  	[timem:s3], [sflag:s2] =	dma.local @!p0 [hbm:s0], s1  }
0xc2: {  	s0 =	simm.s32 @!p0 $0x3  }
0xc3: {  	_ =	swait.ge @!p0 [sflag:s0], s1  }
0xc4: {  	s1 =	ssub.s32 @!p0 $0x0, s1;
	[sflag:s0] =	ssyncset.done @!p0 $0x0  }
0xc5: {  	[sflag:s0] =	ssyncadd.s32 @!p0 s1  }
0xc6: {  	[bflag:$0x3] =	sbarrier.arrive $0xFFFF  }
0xc7: {  	_ =	shalt  }

// kernel: kernel.5.cloned.1.call-start
scs
__scs_entry_jumppad:
0x0: {  	(pc) =	sbr.rel $0x88, $3  }
0x1: {  	(tag) =	ssettag $0x0;
	lr =	simm.s32 $0x1  }
0x2: {  	[smem:$0x3F9F] =	sst lr;
	_ =	strace $0xD0000000  }
0x3: {  	_ = 	snop  }
0x4: {  	_ = 	snop  }
0x5: {  	_ = 	snop  }
0x6: {  	_ = 	snop  }
0x7: {  	_ = 	snop  }
__scs_overlays_trampoline_lowered:
0x8: {  	[smem:$0x3FAE] =	sst s0  }
0x9: {  	[smem:$0x3FAF] =	sst s1  }
0xa: {  	[smem:$0x3FB0] =	sst s2  }
0xb: {  	[smem:$0x3FB1] =	sst s3  }
0xc: {  	[smem:$0x3FB2] =	sst s4  }
0xd: {  	[smem:$0x3FB3] =	sst s5  }
0xe: {  	[smem:$0x3FB4] =	sst s6  }
0xf: {  	[smem:$0x3FB5] =	sst s7  }
0x10: {  	[smem:$0x3FB6] =	sst s8  }
0x11: {  	[smem:$0x3FB7] =	sst s9;
	s0 =	simm.s32 @!p0 $0x0  }
0x12: {  	s1 =	sld [smem:$0x3F9D];
	s0 =	simm.s32 @p0 $0x1  }
0x13: {  	[smem:$0x3FB8] =	sst s0;
	s0 =	simm.s32 @!p1 $0x0  }
0x14: {  	s2 =	sld [smem:$0x3F9C];
	s0 =	simm.s32 @p1 $0x1  }
0x15: {  	[smem:$0x3FB9] =	sst s0;
	s0 =	simm.s32 @!p2 $0x0  }
0x16: {  	s3 =	sld [smem:$0x3FDB];
	s0 =	simm.s32 @p2 $0x1  }
0x17: {  	s4 =	simm.s32 $0x1BF5;
	[smem:$0x3FBB] =	sst s0  }
0x18: {  	s0 =	sld [smem:$0x3F9E];
	_ =	swait.ge [sflag:s4], $0x0  }
0x19: {  	s7 =	sld [smem:$0x3F9F]  }
0x1a: {  	s8 =	sadd.s32 $0xFFFFE003, lr  }
0x1b: {  	s9 =	sadd.s32 $0xFFFFFEF7, lr;
	s5 =	simm.s32 $0xFFFFFFFF;
	p2 =	slt.u32 s8, $0xFFFFF086  }
0x1c: {  	p1 =	slt.u32 s9, $0xF7A;
	s5 =	simm.s32 @!p2 $0x0  }
0x1d: {  	s5 =	simm.s32 @p1 $0x1;
	p0 =	seq.s32 s7, s2  }
0x1e: {  	s7 =	smul.u32 @!p0 $0xF7A, s2;
	p2 =	seq.s32 @!p0 s5, $0x0  }
0x1f: {  	s9 =	smul.u32 $0xF7A, s1;
	s8 =	simm.s32 @!p0 $0x1BF5;
	p2 =	por !p2, p0  }
0x20: {  	[sflag:s8] =	ssyncset.s32 @!p0 $0xFFFFF086;
	s6 =	sadd.s32 @!p0 s3, s7;
	s7 =	simm.s32 @!p0 $0x108  }
0x21: {  	s3 =	sadd.s32 s3, s9;
	s6 =	sadd.s32 @!p0 $0x88, s6;
	s7 =	simm.s32 @p2 $0x1082  }
0x22: {  	[simem:s7], [sflag:s8] =	dma.local @!p0 [hbm:s6], $0xF7A  }
0x23: {  	s9 =	sor.u32 $0xD0000000, s2;
	s6 =	simm.s32 $0x108;
	_ =	swait.ge @!p0 [sflag:s8], $0x0  }
0x24: {  	s3 =	sadd.s32 $0x88, s3;
	s6 =	simm.s32 @!p1 $0x1082;
	[sflag:s4] =	ssyncset.s32 $0xFFFFF086  }
0x25: {  	[simem:s6], [sflag:s4] =	dma.local [hbm:s3], $0xF7A  }
0x26: {  	[smem:$0x3F9F] =	sst s1;
	(tag) =	ssettag s2;
	_ =	strace s9  }
0x27: {  	s1 =	sld [smem:$0x3FAF]  }
0x28: {  	s2 =	sld [smem:$0x3FB0]  }
0x29: {  	s4 =	sld [smem:$0x3FB2]  }
0x2a: {  	p0 =	seq.s32 s5, $0x0;
	s5 =	sld [smem:$0x3FB3]  }
0x2b: {  	s6 =	sld [smem:$0x3FB4]  }
0x2c: {  	s7 =	sld [smem:$0x3FB5]  }
0x2d: {  	s3 =	simm.s32 $0x108;
	s8 =	sld [smem:$0x3FB6]  }
0x2e: {  	s3 =	simm.s32 @!p0 $0x1082;
	s9 =	sld [smem:$0x3FB7]  }
0x2f: {  	lr =	sadd.s32 s0, s3;
	s0 =	sld [smem:$0x3FAE]  }
0x30: {  	s3 =	sld [smem:$0x3FB1]  }
0x31: {  	[smem:$0x3FBA] =	sst s10  }
0x32: {  	s10 =	sld [smem:$0x3FB8];
	_ =	sdelay $0x3  }
0x33: {  	p0 =	seq.s32 s10, $0x1;
	s10 =	sld [smem:$0x3FBA];
	_ =	sdelay $0x3  }
0x34: {  	[smem:$0x3FBA] =	sst s10  }
0x35: {  	s10 =	sld [smem:$0x3FB9];
	_ =	sdelay $0x3  }
0x36: {  	p1 =	seq.s32 s10, $0x1;
	s10 =	sld [smem:$0x3FBA];
	_ =	sdelay $0x3  }
0x37: {  	[smem:$0x3FBA] =	sst s10  }
0x38: {  	s10 =	sld [smem:$0x3FBB]  }
0x39: {  	_ = 	snop;
	(pc) =	sbr.ind lr, $3  }
0x3a: {  	_ = 	snop  }
0x3b: {  	_ = 	snop  }
0x3c: {  	p2 =	seq.s32 s10, $0x1;
	s10 =	sld [smem:$0x3FBA]  }
0x3d: {  	_ =	shalt  }
0x3e: {  	_ =	shalt  }
0x3f: {  	_ =	shalt  }
0x40: {  	_ =	shalt  }
0x41: {  	_ =	shalt  }
0x42: {  	_ =	shalt  }
0x43: {  	_ =	shalt  }
0x44: {  	_ =	shalt  }
0x45: {  	_ =	shalt  }
0x46: {  	_ =	shalt  }
0x47: {  	_ =	shalt  }
0x48: {  	_ =	shalt  }
0x49: {  	_ =	shalt  }
0x4a: {  	_ =	shalt  }
0x4b: {  	_ =	shalt  }
0x4c: {  	_ =	shalt  }
0x4d: {  	_ =	shalt  }
0x4e: {  	_ =	shalt  }
0x4f: {  	_ =	shalt  }
0x50: {  	_ =	shalt  }
0x51: {  	_ =	shalt  }
0x52: {  	_ =	shalt  }
0x53: {  	_ =	shalt  }
0x54: {  	_ =	shalt  }
0x55: {  	_ =	shalt  }
0x56: {  	_ =	shalt  }
0x57: {  	_ =	shalt  }
0x58: {  	_ =	shalt  }
0x59: {  	_ =	shalt  }
0x5a: {  	_ =	shalt  }
0x5b: {  	_ =	shalt  }
0x5c: {  	_ =	shalt  }
0x5d: {  	_ =	shalt  }
0x5e: {  	_ =	shalt  }
0x5f: {  	_ =	shalt  }
0x60: {  	_ =	shalt  }
0x61: {  	_ =	shalt  }
0x62: {  	_ =	shalt  }
0x63: {  	_ =	shalt  }
0x64: {  	_ =	shalt  }
0x65: {  	_ =	shalt  }
0x66: {  	_ =	shalt  }
0x67: {  	_ =	shalt  }
0x68: {  	_ =	shalt  }
0x69: {  	_ =	shalt  }
0x6a: {  	_ =	shalt  }
0x6b: {  	_ =	shalt  }
0x6c: {  	_ =	shalt  }
0x6d: {  	_ =	shalt  }
0x6e: {  	_ =	shalt  }
0x6f: {  	_ =	shalt  }
0x70: {  	_ =	shalt  }
0x71: {  	_ =	shalt  }
0x72: {  	_ =	shalt  }
0x73: {  	_ =	shalt  }
0x74: {  	_ =	shalt  }
0x75: {  	_ =	shalt  }
0x76: {  	_ =	shalt  }
0x77: {  	_ =	shalt  }
0x78: {  	_ =	shalt  }
0x79: {  	_ =	shalt  }
0x7a: {  	_ =	shalt  }
0x7b: {  	_ =	shalt  }
0x7c: {  	_ =	shalt  }
0x7d: {  	_ =	shalt  }
0x7e: {  	_ =	shalt  }
0x7f: {  	_ =	shalt  }
0x80: {  	_ =	shalt  }
0x81: {  	_ =	shalt  }
0x82: {  	_ =	shalt  }
0x83: {  	_ =	shalt  }
0x84: {  	_ =	shalt  }
0x85: {  	_ =	shalt  }
0x86: {  	_ =	shalt  }
0x87: {  	_ =	shalt  }
.Lfunc_end0:
.L_simem_size_0:
called_computation_lowered:
.L_overlay_start_0:
0x88: {  	s2 =	sld [smem:$0x3FD9]  }
0x89: {  	s3 =	sld [smem:$0x3FFE];
	_ =	sdelay $0x1  }
0x8a: {  	s1 =	srdreg.scid  }
0x8b: {  	s0 =	sand.u32 $0x1, s1  }
0x8c: {  	s16 =	sshll.u32 s0, $0xA;
	s2 =	sadd.s32 s3, s2  }
0x8d: {  	s2 =	sadd.s32 s2, s16  }
0x8e: {  	[smem:$0x3FC6] =	sst s2  }
0x8f: {  	_ = 	snop  }
0x90: {  	(tm) =	ssettm $0x1  }
0x91: {  	s17 =	sld [smem:$0x3FFB];
	_ =	sdelay $0x3  }
0x92: {  	_ =	strace s17  }
0x93: {  	s2 =	sld [smem:$0x3FFC];
	_ =	sdelay $0x3  }
0x94: {  	_ =	strace s2  }
0x95: {  	s2 =	sld [smem:$0x3FFD];
	_ =	sdelay $0x3  }
0x96: {  	_ =	strace s2  }
0x97: {  	_ =	strace $0x8FFFFFFF  }
0x98: {  	s18 =	sld [smem:$0x3FDB];
	_ =	sdelay $0x1  }
0x99: {  	s19 =	simm.s32 $_scs_section_size  }
0x9a: {  	s4 =	simm.s32 $_size__tile_overlayer_lowered;
	s5 =	simm.s32 $_tile_overlayer_lowered  }
0x9b: {  	s22 =	simm.s32 $0x1BFF;
	s21 =	sshll.u32 s5, $0x1;
	s2 =	sadd.s32 s19, s18  }
0x9c: {  	s6 =	simm.s32 $0x0;
	s20 =	sshll.u32 s4, $0x1;
	s4 =	sadd.s32 s21, s2  }
0x9d: {  	[timem:s6], [sflag:s22] =	dma.local [hbm:s4], s20  }
0x9e: {  	_ =	swait.ge [sflag:s22], s20  }
0x9f: {  	s3 =	ssub.s32 $0x0, s20;
	[sflag:s22] =	ssyncset.done $0x0  }
0xa0: {  	[sflag:s22] =	ssyncadd.s32 s3;
	_ =	sdelay $0x1  }
0xa1: {  	s23 =	simm.s32 $0x1B8B  }
0xa2: {  	_ =	swait.ge [sflag:s23], $0x1  }
0xa3: {  	[sflag:s23] =	ssyncset.done $0x0  }
0xa4: {  	s25 =	simm.s32 $0x1B8E;
	s24 =	sld [smem:$0x3FFE];
	[sflag:s23] =	ssyncadd.s32 $0xFFFFFFFF  }
0xa5: {  	s26 =	simm.s32 $execute0_lowered;
	[smem:$0x3FD2] =	sst s25  }
0xa6: {  	s4 =	sshll.u32 s26, $0x1;
	_ =	strace $0x80000046;
	[dreg:$0x1] =	wrdreg $0xFFFFFFFF  }
0xa7: {  	s28 =	simm.s32 $_size_execute0_lowered;
	s2 =	sadd.s32 s2, s4;
	[dreg:$0x0] =	wrdreg $0x0  }
0xa8: {  	s4 =	sshll.u32 s28, $0x1;
	[dreg:$0x2] =	wrdreg s2  }
0xa9: {  	[dreg:$0x3] =	wrdreg s4  }
0xaa: {  	[dreg:$0x4] =	wrdreg $0xC0  }
0xab: {  	_ =	task [dreg:s6], $0x5FFFF  }
0xac: {  	[dreg:$0x1] =	wrdreg $0xFFFFFFFF  }
0xad: {  	[dreg:$0x0] =	wrdreg $0x60  }
0xae: {  	[dreg:$0x2] =	wrdreg s24  }
0xaf: {  	[dreg:$0x3] =	wrdreg $0x9  }
0xb0: {  	_ =	task.clear_ibuf [dreg:s6], $0x4FFFF;
	_ =	strace $0x90000046  }
0xb1: {  	s29 =	simm.s32 $0x9;
	_ =	strace $0x80000048  }
0xb2: {  	_ =	swait.ge [sflag:s29], $0x1  }
0xb3: {  	[sflag:s29] =	ssyncadd.s32 $0xFFFFFFFF  }
0xb4: {  	_ =	strace $0x90000048  }
0xb5: {  	_ =	sfence  }
0xb6: {  	s30 =	sld [smem:$0x0];
	_ =	sdelay $0x2  }
0xb7: {  	s31 =	sshll.u32 s1, $0xD;
	s1 =	sshrl.u32 s1, $0x2  }
0xb8: {  	s3 =	sand.u32 $0x4000, s31;
	s1 =	sadd.s32 s1, s30  }
0xb9: {  	s0 =	sor.u32 s3, s0;
	s1 =	sshll.u32 s1, $0x11  }
0xba: {  	s0 =	sor.u32 s1, s0  }
0xbb: {  	s0 =	sadd.s32 $0x8F2B, s0  }
0xbc: {  	[sflag:s0] =	ssyncadd.remote.s32 $0x1  }
0xbd: {  	_ =	sfence.sel $0xFFFF  }
0xbe: {  	[dreg:$0x0] =	wrdreg $0xFFFFFFFF;
	(pc) =	sbr.abs _section_cstart, $3  }
0xbf: {  	[dreg:$0x1] =	wrdreg $0xFFFFFFFF  }
0xc0: {  	_ =	task.clear_ibuf [dreg:s6], $0x2FFFF;
	_ =	strace $0x9FFFFFFF  }
0xc1: {  	(tm) =	ssettm $0x7FFFFFFF  }
tec
execute0_lowered:
.L_overlay_start_1:
0x0: {  	(tag) =	ssettag $0x1  }
0x1: {  	s1 =	srdreg.scid  }
0x2: {  	s0 =	stileid.u32;
	s13 =	rddreg [dreg:$0x0]  }
0x3: {  	s2 =	simm.s32 $0x0;
	s15 =	simm.s32 $0x1;
	s16 =	simm.s32 $0x6000  }
0x4: {  	s17 =	simm.s32 $0xC000;
	s18 =	simm.s32 $0x2;
	s19 =	simm.s32 $0xF000  }
0x5: {  	s20 =	simm.s32 $0x3;
	s6 =	sand.u32 $0x1, s1;
	s31 =	sshll.u32 s0, $0x1  }
0x6: {  	s21 =	simm.s32 $0x4;
	s1 =	rddreg [dreg:$0x1];
	s23 =	sor.u32 s6, s31  }
0x7: {  	s22 =	simm.s32 $0x5;
	[smem:$0x7FF] =	sst s2;
	s3 =	smul.u32 $0xA2, s23  }
0x8: {  	s5 =	sadd.s32 $0xF43400, s13;
	s12 =	sadd.s32 $0xF43200, s13;
	s4 =	smin.u32 s23, $0x18  }
0x9: {  	p0 =	sgt.u32 s0, $0xB;
	s9 =	ssub.s32 $0x2, s6;
	s3 =	sadd.s32 s4, s3  }
0xa: {  	_ =	strace $0x80000047;
	s10 =	sshrl.u32 s9, $0x1;
	s7 =	smul.u32 $0xC00, s3  }
.Ltmp0:
0xb: {  	s14 =	ssub.s32 s9, s10;
	s9 =	sadd.s32 $0xF42E00, s13;
	(pc) =	sbr.rel .LBB2_1-.Ltmp0, $4  }
0xc: {  	p1 =	sne.s32 s23, $0x1F;
	s10 =	sadd.s32 $0x16E4400, s13;
	s8 =	smul.u32 $0x600, s3  }
0xd: {  	s23 =	simm.s32 $0x0;
	s4 =	sadd.s32 $0xE00, s13;
	s13 =	sadd.s32 $0x16E4600, s13  }
0xe: {  	s14 =	smax.u32 s14, $0x1;
	s6 =	sadd.s32 s4, s7;
	s8 =	sadd.s32 s5, s8  }
0xf: {  	s11 =	sadd.s32 $0x2, s3;
	s7 =	sadd.s32 $0x79800, s6;
	s8 =	sadd.s32 $0x3CC00, s8  }
.LBB2_15:
0x10: {  	s23 =	sadd.s32 $0x1, s23  }
0x11: {  	p2 =	sne.s32 s23, s14  }
.Ltmp1:
0x12: {  	_ = 	snop;
	(pc) =	sbr.rel @!p2 .LBB2_16-.Ltmp1, $1  }
0x13: {  	_ =	sdelay $0x3  }
.LBB2_1:
0x14: {  	[tilespmem:s2], [sflag:$0x1] =	stream.linear.gather [hbm4b:s6+s2], $0x6000, $0x38;
	[tilespmem:$0x12000] =	vst v63  }
0x15: {  	s24 =	simm.s32 $0x0  }
.LBB2_2:
0x16: {  	s26 =	sshll.u32 s24, $0x1  }
0x17: {  	s28 =	sadd.s32 s3, s26  }
0x18: {  	s25 =	sadd.s32 $0x1, s28  }
0x19: {  	_ =	swait.ge [sflag:s15], $0x6000;
	s29 =	smul.u32 $0xC00, s25  }
0x1a: {  	[sflag:s15] =	ssyncset.done $0x0  }
0x1b: {  	p2 =	seq.s32 s24, $0x0;
	[sflag:s15] =	ssyncadd.s32 $0xFFFFA000;
	s29 =	sadd.s32 s4, s29  }
0x1c: {  	[tilespmem:s16], [sflag:$0x2] =	stream.linear.gather [hbm4b:s29+s2], $0x6000, $0x38;
	[tilespmem:$0x12000] =	vst v63  }
0x1d: {  	s29 =	simm.s32 @!p2 $0x3  }
0x1e: {  	_ =	swait.ge @!p2 [sflag:s29], $0x3000  }
0x1f: {  	[sflag:s29] =	ssyncset.done @!p2 $0x0  }
0x20: {  	s30 =	simm.s32 $0x0;
	[sflag:s29] =	ssyncadd.s32 @!p2 $0xFFFFD000  }
0x21: {  	v0 =	vld [tilespmem:s30+$0x0];
	_ =	sdelay $0x3  }
0x22: {  	s29 =	simm.s32 $0xC080  }
0x23: {  	[tilespmem:s29+$0xFFFFFF80] =	vst v0  }
0x24: {  	v0 =	vld [tilespmem:s30+$0x80];
	_ =	sdelay $0x4  }
0x25: {  	[tilespmem:s29+$0xFFFFFFC0] =	vst v0  }
0x26: {  	v0 =	vld [tilespmem:s30+$0x10];
	_ =	sdelay $0x4  }
0x27: {  	[tilespmem:s29+$0xFFFFFF90] =	vst v0  }
0x28: {  	v0 =	vld [tilespmem:s30+$0x90];
	_ =	sdelay $0x4  }
0x29: {  	[tilespmem:s29+$0xFFFFFFD0] =	vst v0  }
0x2a: {  	v0 =	vld [tilespmem:s30+$0x20];
	_ =	sdelay $0x4  }
0x2b: {  	[tilespmem:s29+$0xFFFFFFA0] =	vst v0  }
0x2c: {  	v0 =	vld [tilespmem:s30+$0xA0];
	_ =	sdelay $0x4  }
0x2d: {  	[tilespmem:s29+$0xFFFFFFE0] =	vst v0  }
0x2e: {  	v0 =	vld [tilespmem:s30+$0x30];
	_ =	sdelay $0x4  }
0x2f: {  	[tilespmem:s29+$0xFFFFFFB0] =	vst v0  }
0x30: {  	v0 =	vld [tilespmem:s30+$0xB0];
	_ =	sdelay $0x4  }
0x31: {  	[tilespmem:s29+$0xFFFFFFF0] =	vst v0  }
0x32: {  	v0 =	vld [tilespmem:s30+$0x100];
	_ =	sdelay $0x4  }
0x33: {  	[tilespmem:s29+$0x0] =	vst v0  }
0x34: {  	v0 =	vld [tilespmem:s30+$0x180];
	_ =	sdelay $0x4  }
0x35: {  	[tilespmem:s29+$0x40] =	vst v0  }
0x36: {  	v0 =	vld [tilespmem:s30+$0x110];
	_ =	sdelay $0x4  }
0x37: {  	[tilespmem:s29+$0x10] =	vst v0  }
0x38: {  	v0 =	vld [tilespmem:s30+$0x190];
	_ =	sdelay $0x4  }
0x39: {  	[tilespmem:s29+$0x50] =	vst v0  }
0x3a: {  	v0 =	vld [tilespmem:s30+$0x120];
	_ =	sdelay $0x4  }
0x3b: {  	[tilespmem:s29+$0x20] =	vst v0  }
0x3c: {  	v0 =	vld [tilespmem:s30+$0x1A0];
	_ =	sdelay $0x4  }
0x3d: {  	[tilespmem:s29+$0x60] =	vst v0  }
0x3e: {  	v0 =	vld [tilespmem:s30+$0x130];
	_ =	sdelay $0x4  }
0x3f: {  	[tilespmem:s29+$0x30] =	vst v0  }
0x40: {  	v0 =	vld [tilespmem:s30+$0x1B0];
	_ =	sdelay $0x4  }
0x41: {  	s31 =	simm.s32 $0x1000;
	s30 =	simm.s32 $0x200;
	[tilespmem:s29+$0x70] =	vst v0  }
.LBB2_3:
0x42: {  	p2 =	sne.s32 s31, $0x17800;
	v0 =	vld [tilespmem:s30+$0x0];
	_ =	sdelay $0x3  }
0x43: {  	s29 =	sadd.s32 $0x100, s29  }
0x44: {  	[tilespmem:s29+$0xFFFFFF80] =	vst v0  }
0x45: {  	v0 =	vld [tilespmem:s30+$0x80];
	_ =	sdelay $0x4  }
0x46: {  	[tilespmem:s29+$0xFFFFFFC0] =	vst v0  }
0x47: {  	v0 =	vld [tilespmem:s30+$0x10];
	_ =	sdelay $0x4  }
0x48: {  	[tilespmem:s29+$0xFFFFFF90] =	vst v0  }
0x49: {  	v0 =	vld [tilespmem:s30+$0x90];
	_ =	sdelay $0x4  }
0x4a: {  	[tilespmem:s29+$0xFFFFFFD0] =	vst v0  }
0x4b: {  	v0 =	vld [tilespmem:s30+$0x20];
	_ =	sdelay $0x4  }
0x4c: {  	[tilespmem:s29+$0xFFFFFFA0] =	vst v0  }
0x4d: {  	v0 =	vld [tilespmem:s30+$0xA0];
	_ =	sdelay $0x4  }
0x4e: {  	[tilespmem:s29+$0xFFFFFFE0] =	vst v0  }
0x4f: {  	v0 =	vld [tilespmem:s30+$0x30];
	_ =	sdelay $0x4  }
0x50: {  	[tilespmem:s29+$0xFFFFFFB0] =	vst v0  }
0x51: {  	v0 =	vld [tilespmem:s30+$0xB0];
	_ =	sdelay $0x4  }
0x52: {  	[tilespmem:s29+$0xFFFFFFF0] =	vst v0  }
0x53: {  	v0 =	vld [tilespmem:s30+$0x100];
	_ =	sdelay $0x4  }
0x54: {  	[tilespmem:s29+$0x0] =	vst v0  }
0x55: {  	v0 =	vld [tilespmem:s30+$0x180];
	_ =	sdelay $0x4  }
0x56: {  	[tilespmem:s29+$0x40] =	vst v0  }
0x57: {  	v0 =	vld [tilespmem:s30+$0x110];
	_ =	sdelay $0x4  }
0x58: {  	[tilespmem:s29+$0x10] =	vst v0  }
0x59: {  	v0 =	vld [tilespmem:s30+$0x190];
	_ =	sdelay $0x4  }
0x5a: {  	[tilespmem:s29+$0x50] =	vst v0  }
0x5b: {  	v0 =	vld [tilespmem:s30+$0x120];
	_ =	sdelay $0x4  }
0x5c: {  	[tilespmem:s29+$0x20] =	vst v0  }
0x5d: {  	v0 =	vld [tilespmem:s30+$0x1A0];
	_ =	sdelay $0x4  }
0x5e: {  	[tilespmem:s29+$0x60] =	vst v0  }
0x5f: {  	v0 =	vld [tilespmem:s30+$0x130];
	_ =	sdelay $0x4  }
0x60: {  	[tilespmem:s29+$0x30] =	vst v0  }
0x61: {  	v0 =	vld [tilespmem:s30+$0x1B0]  }
.Ltmp2:
0x62: {  	(pc) =	sbr.rel @p2 .LBB2_3-.Ltmp2, $2  }
0x63: {  	_ =	sdelay $0x2  }
0x64: {  	s30 =	sshra.s32 s31, $0x2;
	s31 =	sadd.s32 $0x800, s31;
	[tilespmem:s29+$0x70] =	vst v0  }
0x65: {  	v0 =	vld [tilespmem:s30+$0x0];
	_ =	sdelay $0x3  }
0x66: {  	s29 =	sadd.s32 $0x100, s29  }
0x67: {  	[tilespmem:s29+$0xFFFFFF80] =	vst v0  }
0x68: {  	v0 =	vld [tilespmem:s30+$0x80];
	_ =	sdelay $0x4  }
0x69: {  	[tilespmem:s29+$0xFFFFFFC0] =	vst v0  }
0x6a: {  	v0 =	vld [tilespmem:s30+$0x10];
	_ =	sdelay $0x4  }
0x6b: {  	[tilespmem:s29+$0xFFFFFF90] =	vst v0  }
0x6c: {  	v0 =	vld [tilespmem:s30+$0x90];
	_ =	sdelay $0x4  }
0x6d: {  	[tilespmem:s29+$0xFFFFFFD0] =	vst v0  }
0x6e: {  	v0 =	vld [tilespmem:s30+$0x20];
	_ =	sdelay $0x4  }
0x6f: {  	[tilespmem:s29+$0xFFFFFFA0] =	vst v0  }
0x70: {  	v0 =	vld [tilespmem:s30+$0xA0];
	_ =	sdelay $0x4  }
0x71: {  	[tilespmem:s29+$0xFFFFFFE0] =	vst v0  }
0x72: {  	v0 =	vld [tilespmem:s30+$0x30];
	_ =	sdelay $0x4  }
0x73: {  	[tilespmem:s29+$0xFFFFFFB0] =	vst v0  }
0x74: {  	v0 =	vld [tilespmem:s30+$0xB0];
	_ =	sdelay $0x4  }
0x75: {  	[tilespmem:s29+$0xFFFFFFF0] =	vst v0  }
0x76: {  	v0 =	vld [tilespmem:s30+$0x100];
	_ =	sdelay $0x4  }
0x77: {  	[tilespmem:s29+$0x0] =	vst v0  }
0x78: {  	v0 =	vld [tilespmem:s30+$0x180];
	_ =	sdelay $0x4  }
0x79: {  	[tilespmem:s29+$0x40] =	vst v0  }
0x7a: {  	v0 =	vld [tilespmem:s30+$0x110];
	_ =	sdelay $0x4  }
0x7b: {  	[tilespmem:s29+$0x10] =	vst v0  }
0x7c: {  	v0 =	vld [tilespmem:s30+$0x190];
	_ =	sdelay $0x4  }
0x7d: {  	[tilespmem:s29+$0x50] =	vst v0  }
0x7e: {  	v0 =	vld [tilespmem:s30+$0x120];
	_ =	sdelay $0x4  }
0x7f: {  	[tilespmem:s29+$0x20] =	vst v0  }
0x80: {  	v0 =	vld [tilespmem:s30+$0x1A0];
	_ =	sdelay $0x4  }
0x81: {  	[tilespmem:s29+$0x60] =	vst v0  }
0x82: {  	v0 =	vld [tilespmem:s30+$0x130];
	_ =	sdelay $0x4  }
0x83: {  	[tilespmem:s29+$0x30] =	vst v0  }
0x84: {  	v0 =	vld [tilespmem:s30+$0x1B0];
	_ =	sdelay $0x2  }
0x85: {  	s28 =	smul.u32 $0x600, s28  }
0x86: {  	p2 =	seq.s32 s24, $0x50  }
0x87: {  	s26 =	sadd.s32 @!p2 s26, s11;
	s28 =	sadd.s32 s5, s28;
	[tilespmem:s29+$0x70] =	vst v0  }
0x88: {  	[hbm4b:s28+s2] =	stream.linear.scatter [tilespmem:s17], [sflag:$0x3], $0x3000, $0x38;
	[tilespmem:$0x12000] =	vst v63  }
0x89: {  	s26 =	smul.u32 @!p2 $0xC00, s26;
	_ =	swait.ge [sflag:s18], $0x6000  }
0x8a: {  	p3 =	seq.s32 @!p2 s24, $0x0;
	[sflag:s18] =	ssyncset.done $0x0  }
0x8b: {  	s26 =	sadd.s32 @!p2 s4, s26;
	s28 =	simm.s32 @!p2 $0x0;
	[sflag:s18] =	ssyncadd.s32 $0xFFFFA000  }
0x8c: {  	[tilespmem:s28], [sflag:$0x1] =	stream.linear.gather @!p2 [hbm4b:s26+s28], $0x6000, $0x38;
	[tilespmem:$0x12000] =	vst v63  }
0x8d: {  	p2 =	por p2, !p3  }
0x8e: {  	_ =	swait.ge @p2 [sflag:s21], $0x3000  }
0x8f: {  	[sflag:s21] =	ssyncset.done @p2 $0x0  }
0x90: {  	s28 =	simm.s32 $0x0;
	[sflag:s21] =	ssyncadd.s32 @p2 $0xFFFFD000  }
0x91: {  	v63 =	vld [tilespmem:s28+$0x6000];
	_ =	sdelay $0x3  }
0x92: {  	s26 =	simm.s32 $0xF080  }
0x93: {  	[tilespmem:s26+$0xFFFFFF80] =	vst v63  }
0x94: {  	v0 =	vld [tilespmem:s28+$0x6080];
	_ =	sdelay $0x4  }
0x95: {  	[tilespmem:s26+$0xFFFFFFC0] =	vst v0  }
0x96: {  	v0 =	vld [tilespmem:s28+$0x6010];
	_ =	sdelay $0x4  }
0x97: {  	[tilespmem:s26+$0xFFFFFF90] =	vst v0  }
0x98: {  	v0 =	vld [tilespmem:s28+$0x6090];
	_ =	sdelay $0x4  }
0x99: {  	[tilespmem:s26+$0xFFFFFFD0] =	vst v0  }
0x9a: {  	v0 =	vld [tilespmem:s28+$0x6020];
	_ =	sdelay $0x4  }
0x9b: {  	[tilespmem:s26+$0xFFFFFFA0] =	vst v0  }
0x9c: {  	v0 =	vld [tilespmem:s28+$0x60A0];
	_ =	sdelay $0x4  }
0x9d: {  	[tilespmem:s26+$0xFFFFFFE0] =	vst v0  }
0x9e: {  	v0 =	vld [tilespmem:s28+$0x6030];
	_ =	sdelay $0x4  }
0x9f: {  	[tilespmem:s26+$0xFFFFFFB0] =	vst v0  }
0xa0: {  	v0 =	vld [tilespmem:s28+$0x60B0];
	_ =	sdelay $0x4  }
0xa1: {  	[tilespmem:s26+$0xFFFFFFF0] =	vst v0  }
0xa2: {  	v0 =	vld [tilespmem:s28+$0x6100];
	_ =	sdelay $0x4  }
0xa3: {  	[tilespmem:s26+$0x0] =	vst v0  }
0xa4: {  	v0 =	vld [tilespmem:s28+$0x6180];
	_ =	sdelay $0x4  }
0xa5: {  	[tilespmem:s26+$0x40] =	vst v0  }
0xa6: {  	v0 =	vld [tilespmem:s28+$0x6110];
	_ =	sdelay $0x4  }
0xa7: {  	[tilespmem:s26+$0x10] =	vst v0  }
0xa8: {  	v0 =	vld [tilespmem:s28+$0x6190];
	_ =	sdelay $0x4  }
0xa9: {  	[tilespmem:s26+$0x50] =	vst v0  }
0xaa: {  	v0 =	vld [tilespmem:s28+$0x6120];
	_ =	sdelay $0x4  }
0xab: {  	[tilespmem:s26+$0x20] =	vst v0  }
0xac: {  	v0 =	vld [tilespmem:s28+$0x61A0];
	_ =	sdelay $0x4  }
0xad: {  	[tilespmem:s26+$0x60] =	vst v0  }
0xae: {  	v0 =	vld [tilespmem:s28+$0x6130];
	_ =	sdelay $0x4  }
0xaf: {  	[tilespmem:s26+$0x30] =	vst v0  }
0xb0: {  	v0 =	vld [tilespmem:s28+$0x61B0];
	_ =	sdelay $0x4  }
0xb1: {  	s29 =	simm.s32 $0x1000;
	s28 =	simm.s32 $0x200;
	[tilespmem:s26+$0x70] =	vst v0  }
.LBB2_5:
0xb2: {  	p2 =	sne.s32 s29, $0x17800;
	v0 =	vld [tilespmem:s28+$0x6000];
	_ =	sdelay $0x3  }
0xb3: {  	s26 =	sadd.s32 $0x100, s26  }
0xb4: {  	[tilespmem:s26+$0xFFFFFF80] =	vst v0  }
0xb5: {  	v0 =	vld [tilespmem:s28+$0x6080];
	_ =	sdelay $0x4  }
0xb6: {  	[tilespmem:s26+$0xFFFFFFC0] =	vst v0  }
0xb7: {  	v0 =	vld [tilespmem:s28+$0x6010];
	_ =	sdelay $0x4  }
0xb8: {  	[tilespmem:s26+$0xFFFFFF90] =	vst v0  }
0xb9: {  	v0 =	vld [tilespmem:s28+$0x6090];
	_ =	sdelay $0x4  }
0xba: {  	[tilespmem:s26+$0xFFFFFFD0] =	vst v0  }
0xbb: {  	v0 =	vld [tilespmem:s28+$0x6020];
	_ =	sdelay $0x4  }
0xbc: {  	[tilespmem:s26+$0xFFFFFFA0] =	vst v0  }
0xbd: {  	v0 =	vld [tilespmem:s28+$0x60A0];
	_ =	sdelay $0x4  }
0xbe: {  	[tilespmem:s26+$0xFFFFFFE0] =	vst v0  }
0xbf: {  	v0 =	vld [tilespmem:s28+$0x6030];
	_ =	sdelay $0x4  }
0xc0: {  	[tilespmem:s26+$0xFFFFFFB0] =	vst v0  }
0xc1: {  	v0 =	vld [tilespmem:s28+$0x60B0];
	_ =	sdelay $0x4  }
0xc2: {  	[tilespmem:s26+$0xFFFFFFF0] =	vst v0  }
0xc3: {  	v0 =	vld [tilespmem:s28+$0x6100];
	_ =	sdelay $0x4  }
0xc4: {  	[tilespmem:s26+$0x0] =	vst v0  }
0xc5: {  	v0 =	vld [tilespmem:s28+$0x6180];
	_ =	sdelay $0x4  }
0xc6: {  	[tilespmem:s26+$0x40] =	vst v0  }
0xc7: {  	v0 =	vld [tilespmem:s28+$0x6110];
	_ =	sdelay $0x4  }
0xc8: {  	[tilespmem:s26+$0x10] =	vst v0  }
0xc9: {  	v0 =	vld [tilespmem:s28+$0x6190];
	_ =	sdelay $0x4  }
0xca: {  	[tilespmem:s26+$0x50] =	vst v0  }
0xcb: {  	v0 =	vld [tilespmem:s28+$0x6120];
	_ =	sdelay $0x4  }
0xcc: {  	[tilespmem:s26+$0x20] =	vst v0  }
0xcd: {  	v0 =	vld [tilespmem:s28+$0x61A0];
	_ =	sdelay $0x4  }
0xce: {  	[tilespmem:s26+$0x60] =	vst v0  }
0xcf: {  	v0 =	vld [tilespmem:s28+$0x6130];
	_ =	sdelay $0x4  }
0xd0: {  	[tilespmem:s26+$0x30] =	vst v0  }
0xd1: {  	v0 =	vld [tilespmem:s28+$0x61B0]  }
.Ltmp3:
0xd2: {  	(pc) =	sbr.rel @p2 .LBB2_5-.Ltmp3, $2  }
0xd3: {  	_ =	sdelay $0x2  }
0xd4: {  	s28 =	sshra.s32 s29, $0x2;
	s29 =	sadd.s32 $0x800, s29;
	[tilespmem:s26+$0x70] =	vst v0  }
0xd5: {  	v0 =	vld [tilespmem:s28+$0x6000];
	_ =	sdelay $0x3  }
0xd6: {  	s26 =	sadd.s32 $0x100, s26  }
0xd7: {  	[tilespmem:s26+$0xFFFFFF80] =	vst v0  }
0xd8: {  	v0 =	vld [tilespmem:s28+$0x6080];
	_ =	sdelay $0x4  }
0xd9: {  	[tilespmem:s26+$0xFFFFFFC0] =	vst v0  }
0xda: {  	v0 =	vld [tilespmem:s28+$0x6010];
	_ =	sdelay $0x4  }
0xdb: {  	[tilespmem:s26+$0xFFFFFF90] =	vst v0  }
0xdc: {  	v0 =	vld [tilespmem:s28+$0x6090];
	_ =	sdelay $0x4  }
0xdd: {  	[tilespmem:s26+$0xFFFFFFD0] =	vst v0  }
0xde: {  	v0 =	vld [tilespmem:s28+$0x6020];
	_ =	sdelay $0x4  }
0xdf: {  	[tilespmem:s26+$0xFFFFFFA0] =	vst v0  }
0xe0: {  	v0 =	vld [tilespmem:s28+$0x60A0];
	_ =	sdelay $0x4  }
0xe1: {  	[tilespmem:s26+$0xFFFFFFE0] =	vst v0  }
0xe2: {  	v0 =	vld [tilespmem:s28+$0x6030];
	_ =	sdelay $0x4  }
0xe3: {  	[tilespmem:s26+$0xFFFFFFB0] =	vst v0  }
0xe4: {  	v0 =	vld [tilespmem:s28+$0x60B0];
	_ =	sdelay $0x4  }
0xe5: {  	[tilespmem:s26+$0xFFFFFFF0] =	vst v0  }
0xe6: {  	v0 =	vld [tilespmem:s28+$0x6100];
	_ =	sdelay $0x4  }
0xe7: {  	[tilespmem:s26+$0x0] =	vst v0  }
0xe8: {  	v0 =	vld [tilespmem:s28+$0x6180];
	_ =	sdelay $0x4  }
0xe9: {  	[tilespmem:s26+$0x40] =	vst v0  }
0xea: {  	v0 =	vld [tilespmem:s28+$0x6110];
	_ =	sdelay $0x4  }
0xeb: {  	[tilespmem:s26+$0x10] =	vst v0  }
0xec: {  	v0 =	vld [tilespmem:s28+$0x6190];
	_ =	sdelay $0x4  }
0xed: {  	[tilespmem:s26+$0x50] =	vst v0  }
0xee: {  	v0 =	vld [tilespmem:s28+$0x6120];
	_ =	sdelay $0x4  }
0xef: {  	[tilespmem:s26+$0x20] =	vst v0  }
0xf0: {  	v0 =	vld [tilespmem:s28+$0x61A0];
	_ =	sdelay $0x4  }
0xf1: {  	[tilespmem:s26+$0x60] =	vst v0  }
0xf2: {  	v0 =	vld [tilespmem:s28+$0x6130];
	_ =	sdelay $0x4  }
0xf3: {  	[tilespmem:s26+$0x30] =	vst v0  }
0xf4: {  	s24 =	sadd.s32 $0x1, s24;
	v0 =	vld [tilespmem:s28+$0x61B0]  }
0xf5: {  	p2 =	sne.s32 s24, $0x51  }
.Ltmp4:
0xf6: {  	_ = 	snop;
	(pc) =	sbr.rel @p2 .LBB2_2-.Ltmp4, $3  }
0xf7: {  	s25 =	smul.u32 $0x600, s25;
	_ =	sdelay $0x1  }
0xf8: {  	s25 =	sadd.s32 s5, s25;
	[tilespmem:s26+$0x70] =	vst v0  }
0xf9: {  	[hbm4b:s25+s2] =	stream.linear.scatter [tilespmem:s19], [sflag:$0x4], $0x3000, $0x38;
	[tilespmem:$0x12000] =	vst v63  }
0xfa: {  	_ =	swait.ge [sflag:s20], $0x3000  }
.Ltmp5:
0xfb: {  	[sflag:s20] =	ssyncset.done $0x0;
	(pc) =	sbr.rel @p0 .LBB2_11-.Ltmp5, $4  }
0xfc: {  	[sflag:s20] =	ssyncadd.s32 $0xFFFFD000  }
0xfd: {  	_ =	swait.ge [sflag:s21], $0x3000  }
0xfe: {  	[sflag:s21] =	ssyncset.done $0x0  }
0xff: {  	[sflag:s21] =	ssyncadd.s32 $0xFFFFD000  }
0x100: {  	s24 =	simm.s32 $0x0  }
0x101: {  	[tilespmem:s24], [sflag:$0x5] =	stream.linear.gather [hbm4b:s7+s24], $0x6000, $0x38;
	[tilespmem:$0x12000] =	vst v63  }
0x102: {  	_ =	swait.ge [sflag:s22], $0x6000  }
0x103: {  	[sflag:s22] =	ssyncset.done $0x0  }
0x104: {  	s25 =	simm.s32 $0x0;
	[sflag:s22] =	ssyncadd.s32 $0xFFFFA000  }
0x105: {  	v0 =	vld [tilespmem:s25+$0x0];
	_ =	sdelay $0x3  }
0x106: {  	s24 =	simm.s32 $0xC080  }
0x107: {  	[tilespmem:s24+$0xFFFFFF80] =	vst v0  }
0x108: {  	v0 =	vld [tilespmem:s25+$0x80];
	_ =	sdelay $0x4  }
0x109: {  	[tilespmem:s24+$0xFFFFFFC0] =	vst v0  }
0x10a: {  	v0 =	vld [tilespmem:s25+$0x10];
	_ =	sdelay $0x4  }
0x10b: {  	[tilespmem:s24+$0xFFFFFF90] =	vst v0  }
0x10c: {  	v0 =	vld [tilespmem:s25+$0x90];
	_ =	sdelay $0x4  }
0x10d: {  	[tilespmem:s24+$0xFFFFFFD0] =	vst v0  }
0x10e: {  	v0 =	vld [tilespmem:s25+$0x20];
	_ =	sdelay $0x4  }
0x10f: {  	[tilespmem:s24+$0xFFFFFFA0] =	vst v0  }
0x110: {  	v0 =	vld [tilespmem:s25+$0xA0];
	_ =	sdelay $0x4  }
0x111: {  	[tilespmem:s24+$0xFFFFFFE0] =	vst v0  }
0x112: {  	v0 =	vld [tilespmem:s25+$0x30];
	_ =	sdelay $0x4  }
0x113: {  	[tilespmem:s24+$0xFFFFFFB0] =	vst v0  }
0x114: {  	v0 =	vld [tilespmem:s25+$0xB0];
	_ =	sdelay $0x4  }
0x115: {  	[tilespmem:s24+$0xFFFFFFF0] =	vst v0  }
0x116: {  	v0 =	vld [tilespmem:s25+$0x100];
	_ =	sdelay $0x4  }
0x117: {  	[tilespmem:s24+$0x0] =	vst v0  }
0x118: {  	v0 =	vld [tilespmem:s25+$0x180];
	_ =	sdelay $0x4  }
0x119: {  	[tilespmem:s24+$0x40] =	vst v0  }
0x11a: {  	v0 =	vld [tilespmem:s25+$0x110];
	_ =	sdelay $0x4  }
0x11b: {  	[tilespmem:s24+$0x10] =	vst v0  }
0x11c: {  	v0 =	vld [tilespmem:s25+$0x190];
	_ =	sdelay $0x4  }
0x11d: {  	[tilespmem:s24+$0x50] =	vst v0  }
0x11e: {  	v0 =	vld [tilespmem:s25+$0x120];
	_ =	sdelay $0x4  }
0x11f: {  	[tilespmem:s24+$0x20] =	vst v0  }
0x120: {  	v0 =	vld [tilespmem:s25+$0x1A0];
	_ =	sdelay $0x4  }
0x121: {  	[tilespmem:s24+$0x60] =	vst v0  }
0x122: {  	v0 =	vld [tilespmem:s25+$0x130];
	_ =	sdelay $0x4  }
0x123: {  	[tilespmem:s24+$0x30] =	vst v0  }
0x124: {  	v0 =	vld [tilespmem:s25+$0x1B0];
	_ =	sdelay $0x4  }
0x125: {  	s26 =	simm.s32 $0x1000;
	s25 =	simm.s32 $0x200;
	[tilespmem:s24+$0x70] =	vst v0  }
.LBB2_9:
0x126: {  	p2 =	sne.s32 s26, $0x17800;
	v0 =	vld [tilespmem:s25+$0x0];
	_ =	sdelay $0x3  }
0x127: {  	s24 =	sadd.s32 $0x100, s24  }
0x128: {  	[tilespmem:s24+$0xFFFFFF80] =	vst v0  }
0x129: {  	v0 =	vld [tilespmem:s25+$0x80];
	_ =	sdelay $0x4  }
0x12a: {  	[tilespmem:s24+$0xFFFFFFC0] =	vst v0  }
0x12b: {  	v0 =	vld [tilespmem:s25+$0x10];
	_ =	sdelay $0x4  }
0x12c: {  	[tilespmem:s24+$0xFFFFFF90] =	vst v0  }
0x12d: {  	v0 =	vld [tilespmem:s25+$0x90];
	_ =	sdelay $0x4  }
0x12e: {  	[tilespmem:s24+$0xFFFFFFD0] =	vst v0  }
0x12f: {  	v0 =	vld [tilespmem:s25+$0x20];
	_ =	sdelay $0x4  }
0x130: {  	[tilespmem:s24+$0xFFFFFFA0] =	vst v0  }
0x131: {  	v0 =	vld [tilespmem:s25+$0xA0];
	_ =	sdelay $0x4  }
0x132: {  	[tilespmem:s24+$0xFFFFFFE0] =	vst v0  }
0x133: {  	v0 =	vld [tilespmem:s25+$0x30];
	_ =	sdelay $0x4  }
0x134: {  	[tilespmem:s24+$0xFFFFFFB0] =	vst v0  }
0x135: {  	v0 =	vld [tilespmem:s25+$0xB0];
	_ =	sdelay $0x4  }
0x136: {  	[tilespmem:s24+$0xFFFFFFF0] =	vst v0  }
0x137: {  	v0 =	vld [tilespmem:s25+$0x100];
	_ =	sdelay $0x4  }
0x138: {  	[tilespmem:s24+$0x0] =	vst v0  }
0x139: {  	v0 =	vld [tilespmem:s25+$0x180];
	_ =	sdelay $0x4  }
0x13a: {  	[tilespmem:s24+$0x40] =	vst v0  }
0x13b: {  	v0 =	vld [tilespmem:s25+$0x110];
	_ =	sdelay $0x4  }
0x13c: {  	[tilespmem:s24+$0x10] =	vst v0  }
0x13d: {  	v0 =	vld [tilespmem:s25+$0x190];
	_ =	sdelay $0x4  }
0x13e: {  	[tilespmem:s24+$0x50] =	vst v0  }
0x13f: {  	v0 =	vld [tilespmem:s25+$0x120];
	_ =	sdelay $0x4  }
0x140: {  	[tilespmem:s24+$0x20] =	vst v0  }
0x141: {  	v0 =	vld [tilespmem:s25+$0x1A0];
	_ =	sdelay $0x4  }
0x142: {  	[tilespmem:s24+$0x60] =	vst v0  }
0x143: {  	v0 =	vld [tilespmem:s25+$0x130];
	_ =	sdelay $0x4  }
0x144: {  	[tilespmem:s24+$0x30] =	vst v0  }
0x145: {  	v0 =	vld [tilespmem:s25+$0x1B0]  }
.Ltmp6:
0x146: {  	(pc) =	sbr.rel @p2 .LBB2_9-.Ltmp6, $2  }
0x147: {  	_ =	sdelay $0x2  }
0x148: {  	s25 =	sshra.s32 s26, $0x2;
	s26 =	sadd.s32 $0x800, s26;
	[tilespmem:s24+$0x70] =	vst v0  }
0x149: {  	v0 =	vld [tilespmem:s25+$0x0];
	_ =	sdelay $0x3  }
0x14a: {  	s24 =	sadd.s32 $0x100, s24  }
0x14b: {  	[tilespmem:s24+$0xFFFFFF80] =	vst v0  }
0x14c: {  	v0 =	vld [tilespmem:s25+$0x80];
	_ =	sdelay $0x4  }
0x14d: {  	[tilespmem:s24+$0xFFFFFFC0] =	vst v0  }
0x14e: {  	v0 =	vld [tilespmem:s25+$0x10];
	_ =	sdelay $0x4  }
0x14f: {  	[tilespmem:s24+$0xFFFFFF90] =	vst v0  }
0x150: {  	v0 =	vld [tilespmem:s25+$0x90];
	_ =	sdelay $0x4  }
0x151: {  	[tilespmem:s24+$0xFFFFFFD0] =	vst v0  }
0x152: {  	v0 =	vld [tilespmem:s25+$0x20];
	_ =	sdelay $0x4  }
0x153: {  	[tilespmem:s24+$0xFFFFFFA0] =	vst v0  }
0x154: {  	v0 =	vld [tilespmem:s25+$0xA0];
	_ =	sdelay $0x4  }
0x155: {  	[tilespmem:s24+$0xFFFFFFE0] =	vst v0  }
0x156: {  	v0 =	vld [tilespmem:s25+$0x30];
	_ =	sdelay $0x4  }
0x157: {  	[tilespmem:s24+$0xFFFFFFB0] =	vst v0  }
0x158: {  	v0 =	vld [tilespmem:s25+$0xB0];
	_ =	sdelay $0x4  }
0x159: {  	[tilespmem:s24+$0xFFFFFFF0] =	vst v0  }
0x15a: {  	v0 =	vld [tilespmem:s25+$0x100];
	_ =	sdelay $0x4  }
0x15b: {  	[tilespmem:s24+$0x0] =	vst v0  }
0x15c: {  	v0 =	vld [tilespmem:s25+$0x180];
	_ =	sdelay $0x4  }
0x15d: {  	[tilespmem:s24+$0x40] =	vst v0  }
0x15e: {  	v0 =	vld [tilespmem:s25+$0x110];
	_ =	sdelay $0x4  }
0x15f: {  	[tilespmem:s24+$0x10] =	vst v0  }
0x160: {  	v0 =	vld [tilespmem:s25+$0x190];
	_ =	sdelay $0x4  }
0x161: {  	[tilespmem:s24+$0x50] =	vst v0  }
0x162: {  	v0 =	vld [tilespmem:s25+$0x120];
	_ =	sdelay $0x4  }
0x163: {  	[tilespmem:s24+$0x20] =	vst v0  }
0x164: {  	v0 =	vld [tilespmem:s25+$0x1A0];
	_ =	sdelay $0x4  }
0x165: {  	[tilespmem:s24+$0x60] =	vst v0  }
0x166: {  	v0 =	vld [tilespmem:s25+$0x130];
	_ =	sdelay $0x4  }
0x167: {  	[tilespmem:s24+$0x30] =	vst v0  }
0x168: {  	v0 =	vld [tilespmem:s25+$0x1B0];
	_ =	sdelay $0x4  }
0x169: {  	[tilespmem:s24+$0x70] =	vst v0  }
0x16a: {  	[hbm4b:s8+s2] =	stream.linear.scatter [tilespmem:s17], [sflag:$0x5], $0x3000, $0x38;
	[tilespmem:$0x12000] =	vst v63  }
0x16b: {  	_ =	swait.ge [sflag:s22], $0x3000  }
0x16c: {  	[sflag:s22] =	ssyncset.done $0x0  }
0x16d: {  	[sflag:s22] =	ssyncadd.s32 $0xFFFFD000  }
.LBB2_11:
.Ltmp7:
0x16e: {  	(pc) =	sbr.rel @p1 .LBB2_15-.Ltmp7, $1  }
0x16f: {  	_ =	sdelay $0x3  }
0x170: {  	s24 =	simm.s32 $0x0  }
0x171: {  	[tilespmem:s24], [sflag:$0x5] =	stream.linear.gather [hbm4b:s9+s24], $0x2000, $0x38;
	[tilespmem:$0x12000] =	vst v63  }
0x172: {  	_ =	swait.ge [sflag:s22], $0x2000  }
0x173: {  	[sflag:s22] =	ssyncset.done $0x0  }
0x174: {  	s25 =	simm.s32 $0x0;
	[sflag:s22] =	ssyncadd.s32 $0xFFFFE000  }
0x175: {  	v0 =	vld [tilespmem:s25+$0x0];
	_ =	sdelay $0x3  }
0x176: {  	s24 =	simm.s32 $0xC080  }
0x177: {  	[tilespmem:s24+$0xFFFFFF80] =	vst v0  }
0x178: {  	v0 =	vld [tilespmem:s25+$0x80];
	_ =	sdelay $0x4  }
0x179: {  	[tilespmem:s24+$0xFFFFFFC0] =	vst v0  }
0x17a: {  	v0 =	vld [tilespmem:s25+$0x10];
	_ =	sdelay $0x4  }
0x17b: {  	[tilespmem:s24+$0xFFFFFF90] =	vst v0  }
0x17c: {  	v0 =	vld [tilespmem:s25+$0x90];
	_ =	sdelay $0x4  }
0x17d: {  	[tilespmem:s24+$0xFFFFFFD0] =	vst v0  }
0x17e: {  	v0 =	vld [tilespmem:s25+$0x20];
	_ =	sdelay $0x4  }
0x17f: {  	[tilespmem:s24+$0xFFFFFFA0] =	vst v0  }
0x180: {  	v0 =	vld [tilespmem:s25+$0xA0];
	_ =	sdelay $0x4  }
0x181: {  	[tilespmem:s24+$0xFFFFFFE0] =	vst v0  }
0x182: {  	v0 =	vld [tilespmem:s25+$0x30];
	_ =	sdelay $0x4  }
0x183: {  	[tilespmem:s24+$0xFFFFFFB0] =	vst v0  }
0x184: {  	v0 =	vld [tilespmem:s25+$0xB0];
	_ =	sdelay $0x4  }
0x185: {  	[tilespmem:s24+$0xFFFFFFF0] =	vst v0  }
0x186: {  	v0 =	vld [tilespmem:s25+$0x100];
	_ =	sdelay $0x4  }
0x187: {  	[tilespmem:s24+$0x0] =	vst v0  }
0x188: {  	v0 =	vld [tilespmem:s25+$0x180];
	_ =	sdelay $0x4  }
0x189: {  	[tilespmem:s24+$0x40] =	vst v0  }
0x18a: {  	v0 =	vld [tilespmem:s25+$0x110];
	_ =	sdelay $0x4  }
0x18b: {  	[tilespmem:s24+$0x10] =	vst v0  }
0x18c: {  	v0 =	vld [tilespmem:s25+$0x190];
	_ =	sdelay $0x4  }
0x18d: {  	[tilespmem:s24+$0x50] =	vst v0  }
0x18e: {  	v0 =	vld [tilespmem:s25+$0x120];
	_ =	sdelay $0x4  }
0x18f: {  	[tilespmem:s24+$0x20] =	vst v0  }
0x190: {  	v0 =	vld [tilespmem:s25+$0x1A0];
	_ =	sdelay $0x4  }
0x191: {  	[tilespmem:s24+$0x60] =	vst v0  }
0x192: {  	v0 =	vld [tilespmem:s25+$0x130];
	_ =	sdelay $0x4  }
0x193: {  	[tilespmem:s24+$0x30] =	vst v0  }
0x194: {  	v0 =	vld [tilespmem:s25+$0x1B0];
	_ =	sdelay $0x4  }
0x195: {  	s26 =	simm.s32 $0x1000;
	s25 =	simm.s32 $0x200;
	[tilespmem:s24+$0x70] =	vst v0  }
.LBB2_13:
0x196: {  	p2 =	sne.s32 s26, $0x7800;
	v0 =	vld [tilespmem:s25+$0x0];
	_ =	sdelay $0x3  }
0x197: {  	s24 =	sadd.s32 $0x100, s24  }
0x198: {  	[tilespmem:s24+$0xFFFFFF80] =	vst v0  }
0x199: {  	v0 =	vld [tilespmem:s25+$0x80];
	_ =	sdelay $0x4  }
0x19a: {  	[tilespmem:s24+$0xFFFFFFC0] =	vst v0  }
0x19b: {  	v0 =	vld [tilespmem:s25+$0x10];
	_ =	sdelay $0x4  }
0x19c: {  	[tilespmem:s24+$0xFFFFFF90] =	vst v0  }
0x19d: {  	v0 =	vld [tilespmem:s25+$0x90];
	_ =	sdelay $0x4  }
0x19e: {  	[tilespmem:s24+$0xFFFFFFD0] =	vst v0  }
0x19f: {  	v0 =	vld [tilespmem:s25+$0x20];
	_ =	sdelay $0x4  }
0x1a0: {  	[tilespmem:s24+$0xFFFFFFA0] =	vst v0  }
0x1a1: {  	v0 =	vld [tilespmem:s25+$0xA0];
	_ =	sdelay $0x4  }
0x1a2: {  	[tilespmem:s24+$0xFFFFFFE0] =	vst v0  }
0x1a3: {  	v0 =	vld [tilespmem:s25+$0x30];
	_ =	sdelay $0x4  }
0x1a4: {  	[tilespmem:s24+$0xFFFFFFB0] =	vst v0  }
0x1a5: {  	v0 =	vld [tilespmem:s25+$0xB0];
	_ =	sdelay $0x4  }
0x1a6: {  	[tilespmem:s24+$0xFFFFFFF0] =	vst v0  }
0x1a7: {  	v0 =	vld [tilespmem:s25+$0x100];
	_ =	sdelay $0x4  }
0x1a8: {  	[tilespmem:s24+$0x0] =	vst v0  }
0x1a9: {  	v0 =	vld [tilespmem:s25+$0x180];
	_ =	sdelay $0x4  }
0x1aa: {  	[tilespmem:s24+$0x40] =	vst v0  }
0x1ab: {  	v0 =	vld [tilespmem:s25+$0x110];
	_ =	sdelay $0x4  }
0x1ac: {  	[tilespmem:s24+$0x10] =	vst v0  }
0x1ad: {  	v0 =	vld [tilespmem:s25+$0x190];
	_ =	sdelay $0x4  }
0x1ae: {  	[tilespmem:s24+$0x50] =	vst v0  }
0x1af: {  	v0 =	vld [tilespmem:s25+$0x120];
	_ =	sdelay $0x4  }
0x1b0: {  	[tilespmem:s24+$0x20] =	vst v0  }
0x1b1: {  	v0 =	vld [tilespmem:s25+$0x1A0];
	_ =	sdelay $0x4  }
0x1b2: {  	[tilespmem:s24+$0x60] =	vst v0  }
0x1b3: {  	v0 =	vld [tilespmem:s25+$0x130];
	_ =	sdelay $0x4  }
0x1b4: {  	[tilespmem:s24+$0x30] =	vst v0  }
0x1b5: {  	v0 =	vld [tilespmem:s25+$0x1B0]  }
.Ltmp8:
0x1b6: {  	(pc) =	sbr.rel @p2 .LBB2_13-.Ltmp8, $2  }
0x1b7: {  	_ =	sdelay $0x2  }
0x1b8: {  	s25 =	sshra.s32 s26, $0x2;
	s26 =	sadd.s32 $0x800, s26;
	[tilespmem:s24+$0x70] =	vst v0  }
0x1b9: {  	v0 =	vld [tilespmem:s25+$0x0];
	_ =	sdelay $0x3  }
0x1ba: {  	s24 =	sadd.s32 $0x100, s24  }
0x1bb: {  	[tilespmem:s24+$0xFFFFFF80] =	vst v0  }
0x1bc: {  	v0 =	vld [tilespmem:s25+$0x80];
	_ =	sdelay $0x4  }
0x1bd: {  	[tilespmem:s24+$0xFFFFFFC0] =	vst v0  }
0x1be: {  	v0 =	vld [tilespmem:s25+$0x10];
	_ =	sdelay $0x4  }
0x1bf: {  	[tilespmem:s24+$0xFFFFFF90] =	vst v0  }
0x1c0: {  	v0 =	vld [tilespmem:s25+$0x90];
	_ =	sdelay $0x4  }
0x1c1: {  	[tilespmem:s24+$0xFFFFFFD0] =	vst v0  }
0x1c2: {  	v0 =	vld [tilespmem:s25+$0x20];
	_ =	sdelay $0x4  }
0x1c3: {  	[tilespmem:s24+$0xFFFFFFA0] =	vst v0  }
0x1c4: {  	v0 =	vld [tilespmem:s25+$0xA0];
	_ =	sdelay $0x4  }
0x1c5: {  	[tilespmem:s24+$0xFFFFFFE0] =	vst v0  }
0x1c6: {  	v0 =	vld [tilespmem:s25+$0x30];
	_ =	sdelay $0x4  }
0x1c7: {  	[tilespmem:s24+$0xFFFFFFB0] =	vst v0  }
0x1c8: {  	v0 =	vld [tilespmem:s25+$0xB0];
	_ =	sdelay $0x4  }
0x1c9: {  	[tilespmem:s24+$0xFFFFFFF0] =	vst v0  }
0x1ca: {  	v0 =	vld [tilespmem:s25+$0x100];
	_ =	sdelay $0x4  }
0x1cb: {  	[tilespmem:s24+$0x0] =	vst v0  }
0x1cc: {  	v0 =	vld [tilespmem:s25+$0x180];
	_ =	sdelay $0x4  }
0x1cd: {  	[tilespmem:s24+$0x40] =	vst v0  }
0x1ce: {  	v0 =	vld [tilespmem:s25+$0x110];
	_ =	sdelay $0x4  }
0x1cf: {  	[tilespmem:s24+$0x10] =	vst v0  }
0x1d0: {  	v0 =	vld [tilespmem:s25+$0x190];
	_ =	sdelay $0x4  }
0x1d1: {  	[tilespmem:s24+$0x50] =	vst v0  }
0x1d2: {  	v0 =	vld [tilespmem:s25+$0x120];
	_ =	sdelay $0x4  }
0x1d3: {  	[tilespmem:s24+$0x20] =	vst v0  }
0x1d4: {  	v0 =	vld [tilespmem:s25+$0x1A0];
	_ =	sdelay $0x4  }
0x1d5: {  	[tilespmem:s24+$0x60] =	vst v0  }
0x1d6: {  	v0 =	vld [tilespmem:s25+$0x130];
	_ =	sdelay $0x4  }
0x1d7: {  	[tilespmem:s24+$0x30] =	vst v0  }
0x1d8: {  	v0 =	vld [tilespmem:s25+$0x1B0];
	_ =	sdelay $0x4  }
0x1d9: {  	[tilespmem:s24+$0x70] =	vst v0  }
0x1da: {  	[hbm4b:s10+s2] =	stream.linear.scatter [tilespmem:s17], [sflag:$0x5], $0x1000, $0x38;
	[tilespmem:$0x12000] =	vst v63  }
0x1db: {  	_ =	swait.ge [sflag:s22], $0x1000  }
0x1dc: {  	[sflag:s22] =	ssyncset.done $0x0  }
0x1dd: {  	[sflag:s22] =	ssyncadd.s32 $0xFFFFF000  }
0x1de: {  	[tilespmem:s2], [sflag:$0x5] =	stream.linear.gather [hbm4b:s12+s2], $0x80, $0x38;
	[tilespmem:$0x12000] =	vst v63  }
0x1df: {  	_ =	swait.ge [sflag:s22], $0x80  }
0x1e0: {  	[sflag:s22] =	ssyncset.done $0x0  }
0x1e1: {  	[sflag:s22] =	ssyncadd.s32 $0xFFFFFF80  }
0x1e2: {  	v63 =	vld [tilespmem:$0x0]  }
0x1e3: {  	v1 =	vld [tilespmem:$0x10]  }
0x1e4: {  	v2 =	vld [tilespmem:$0x20]  }
0x1e5: {  	v3 =	vld [tilespmem:$0x30];
	_ =	sdelay $0x1  }
0x1e6: {  	[tilespmem:$0xC000] =	vst v63  }
0x1e7: {  	[tilespmem:$0xC010] =	vst v1  }
0x1e8: {  	[tilespmem:$0xC020] =	vst v2  }
.Ltmp9:
0x1e9: {  	[tilespmem:$0xC030] =	vst v3;
	(pc) =	sbr.rel .LBB2_15-.Ltmp9, $4  }
0x1ea: {  	[hbm4b:s13+s2] =	stream.linear.scatter [tilespmem:s17], [sflag:$0x5], $0x80, $0x38;
	[tilespmem:$0x12000] =	vst v63  }
0x1eb: {  	_ =	swait.ge [sflag:s22], $0x80  }
0x1ec: {  	[sflag:s22] =	ssyncset.done $0x0  }
0x1ed: {  	[sflag:s22] =	ssyncadd.s32 $0xFFFFFF80  }
.LBB2_16:
0x1ee: {  	_ =	sfence.sel $0x180000  }
0x1ef: {  	[bflag:$0x0] =	sbarrier.arrive $0xFFFF  }
0x1f0: {  	p0 =	sne.s32 s0, $0x0;
	_ =	strace $0x90000047  }
0x1f1: {  	s0 =	sadd.s32 @!p0 $0x100000, s1;
	[bflag:$0x2] =	sbarrier.arrive $0xFFFF  }
0x1f2: {  	[sflag:s0] =	ssyncadd.tile.s32 @!p0 $0x1;
	_ =	shalt  }
.Lfunc_end2:
_tile_overlayer_lowered:
.L_overlay_start_2:
0x1f3: {  	(tag) =	ssettag $0x2  }
0x1f4: {  	s0 =	rddreg [dreg:$0x0];
	s2 =	stileid.u32  }
0x1f5: {  	s1 =	rddreg [dreg:$0x1];
	p0 =	sne.s32 s2, $0x0  }
0x1f6: {  	s3 =	rddreg [dreg:$0x2];
	[bflag:$0x3] =	sbarrier.arrive $0xFFFF;
	s2 =	simm.s32 @!p0 $0x1C05  }
0x1f7: {  	[timem:s3], [sflag:s2] =	dma.local @!p0 [hbm:s0], s1  }
0x1f8: {  	s0 =	simm.s32 @!p0 $0x5  }
0x1f9: {  	_ =	swait.ge @!p0 [sflag:s0], s1  }
0x1fa: {  	s1 =	ssub.s32 @!p0 $0x0, s1;
	[sflag:s0] =	ssyncset.done @!p0 $0x0  }
0x1fb: {  	[sflag:s0] =	ssyncadd.s32 @!p0 s1  }
0x1fc: {  	[bflag:$0x3] =	sbarrier.arrive $0xFFFF  }
0x1fd: {  	_ =	shalt  }

// kernel: kernel.8.cloned.1.call-start
scs
__scs_entry_jumppad:
0x0: {  	(pc) =	sbr.rel $0x88, $3  }
0x1: {  	(tag) =	ssettag $0x0;
	lr =	simm.s32 $0x1  }
0x2: {  	[smem:$0x3F9F] =	sst lr;
	_ =	strace $0xD0000000  }
0x3: {  	_ = 	snop  }
0x4: {  	_ = 	snop  }
0x5: {  	_ = 	snop  }
0x6: {  	_ = 	snop  }
0x7: {  	_ = 	snop  }
__scs_overlays_trampoline_lowered:
0x8: {  	[smem:$0x3FAE] =	sst s0  }
0x9: {  	[smem:$0x3FAF] =	sst s1  }
0xa: {  	[smem:$0x3FB0] =	sst s2  }
0xb: {  	[smem:$0x3FB1] =	sst s3  }
0xc: {  	[smem:$0x3FB2] =	sst s4  }
0xd: {  	[smem:$0x3FB3] =	sst s5  }
0xe: {  	[smem:$0x3FB4] =	sst s6  }
0xf: {  	[smem:$0x3FB5] =	sst s7  }
0x10: {  	[smem:$0x3FB6] =	sst s8  }
0x11: {  	[smem:$0x3FB7] =	sst s9;
	s0 =	simm.s32 @!p0 $0x0  }
0x12: {  	s1 =	sld [smem:$0x3F9D];
	s0 =	simm.s32 @p0 $0x1  }
0x13: {  	[smem:$0x3FB8] =	sst s0;
	s0 =	simm.s32 @!p1 $0x0  }
0x14: {  	s2 =	sld [smem:$0x3F9C];
	s0 =	simm.s32 @p1 $0x1  }
0x15: {  	[smem:$0x3FB9] =	sst s0;
	s0 =	simm.s32 @!p2 $0x0  }
0x16: {  	s3 =	sld [smem:$0x3FDB];
	s0 =	simm.s32 @p2 $0x1  }
0x17: {  	s4 =	simm.s32 $0x1BF5;
	[smem:$0x3FBB] =	sst s0  }
0x18: {  	s0 =	sld [smem:$0x3F9E];
	_ =	swait.ge [sflag:s4], $0x0  }
0x19: {  	s7 =	sld [smem:$0x3F9F]  }
0x1a: {  	s8 =	sadd.s32 $0xFFFFE003, lr  }
0x1b: {  	s9 =	sadd.s32 $0xFFFFFEF7, lr;
	s5 =	simm.s32 $0xFFFFFFFF;
	p2 =	slt.u32 s8, $0xFFFFF086  }
0x1c: {  	p1 =	slt.u32 s9, $0xF7A;
	s5 =	simm.s32 @!p2 $0x0  }
0x1d: {  	s5 =	simm.s32 @p1 $0x1;
	p0 =	seq.s32 s7, s2  }
0x1e: {  	s7 =	smul.u32 @!p0 $0xF7A, s2;
	p2 =	seq.s32 @!p0 s5, $0x0  }
0x1f: {  	s9 =	smul.u32 $0xF7A, s1;
	s8 =	simm.s32 @!p0 $0x1BF5;
	p2 =	por !p2, p0  }
0x20: {  	[sflag:s8] =	ssyncset.s32 @!p0 $0xFFFFF086;
	s6 =	sadd.s32 @!p0 s3, s7;
	s7 =	simm.s32 @!p0 $0x108  }
0x21: {  	s3 =	sadd.s32 s3, s9;
	s6 =	sadd.s32 @!p0 $0x88, s6;
	s7 =	simm.s32 @p2 $0x1082  }
0x22: {  	[simem:s7], [sflag:s8] =	dma.local @!p0 [hbm:s6], $0xF7A  }
0x23: {  	s9 =	sor.u32 $0xD0000000, s2;
	s6 =	simm.s32 $0x108;
	_ =	swait.ge @!p0 [sflag:s8], $0x0  }
0x24: {  	s3 =	sadd.s32 $0x88, s3;
	s6 =	simm.s32 @!p1 $0x1082;
	[sflag:s4] =	ssyncset.s32 $0xFFFFF086  }
0x25: {  	[simem:s6], [sflag:s4] =	dma.local [hbm:s3], $0xF7A  }
0x26: {  	[smem:$0x3F9F] =	sst s1;
	(tag) =	ssettag s2;
	_ =	strace s9  }
0x27: {  	s1 =	sld [smem:$0x3FAF]  }
0x28: {  	s2 =	sld [smem:$0x3FB0]  }
0x29: {  	s4 =	sld [smem:$0x3FB2]  }
0x2a: {  	p0 =	seq.s32 s5, $0x0;
	s5 =	sld [smem:$0x3FB3]  }
0x2b: {  	s6 =	sld [smem:$0x3FB4]  }
0x2c: {  	s7 =	sld [smem:$0x3FB5]  }
0x2d: {  	s3 =	simm.s32 $0x108;
	s8 =	sld [smem:$0x3FB6]  }
0x2e: {  	s3 =	simm.s32 @!p0 $0x1082;
	s9 =	sld [smem:$0x3FB7]  }
0x2f: {  	lr =	sadd.s32 s0, s3;
	s0 =	sld [smem:$0x3FAE]  }
0x30: {  	s3 =	sld [smem:$0x3FB1]  }
0x31: {  	[smem:$0x3FBA] =	sst s10  }
0x32: {  	s10 =	sld [smem:$0x3FB8];
	_ =	sdelay $0x3  }
0x33: {  	p0 =	seq.s32 s10, $0x1;
	s10 =	sld [smem:$0x3FBA];
	_ =	sdelay $0x3  }
0x34: {  	[smem:$0x3FBA] =	sst s10  }
0x35: {  	s10 =	sld [smem:$0x3FB9];
	_ =	sdelay $0x3  }
0x36: {  	p1 =	seq.s32 s10, $0x1;
	s10 =	sld [smem:$0x3FBA];
	_ =	sdelay $0x3  }
0x37: {  	[smem:$0x3FBA] =	sst s10  }
0x38: {  	s10 =	sld [smem:$0x3FBB]  }
0x39: {  	_ = 	snop;
	(pc) =	sbr.ind lr, $3  }
0x3a: {  	_ = 	snop  }
0x3b: {  	_ = 	snop  }
0x3c: {  	p2 =	seq.s32 s10, $0x1;
	s10 =	sld [smem:$0x3FBA]  }
0x3d: {  	_ =	shalt  }
0x3e: {  	_ =	shalt  }
0x3f: {  	_ =	shalt  }
0x40: {  	_ =	shalt  }
0x41: {  	_ =	shalt  }
0x42: {  	_ =	shalt  }
0x43: {  	_ =	shalt  }
0x44: {  	_ =	shalt  }
0x45: {  	_ =	shalt  }
0x46: {  	_ =	shalt  }
0x47: {  	_ =	shalt  }
0x48: {  	_ =	shalt  }
0x49: {  	_ =	shalt  }
0x4a: {  	_ =	shalt  }
0x4b: {  	_ =	shalt  }
0x4c: {  	_ =	shalt  }
0x4d: {  	_ =	shalt  }
0x4e: {  	_ =	shalt  }
0x4f: {  	_ =	shalt  }
0x50: {  	_ =	shalt  }
0x51: {  	_ =	shalt  }
0x52: {  	_ =	shalt  }
0x53: {  	_ =	shalt  }
0x54: {  	_ =	shalt  }
0x55: {  	_ =	shalt  }
0x56: {  	_ =	shalt  }
0x57: {  	_ =	shalt  }
0x58: {  	_ =	shalt  }
0x59: {  	_ =	shalt  }
0x5a: {  	_ =	shalt  }
0x5b: {  	_ =	shalt  }
0x5c: {  	_ =	shalt  }
0x5d: {  	_ =	shalt  }
0x5e: {  	_ =	shalt  }
0x5f: {  	_ =	shalt  }
0x60: {  	_ =	shalt  }
0x61: {  	_ =	shalt  }
0x62: {  	_ =	shalt  }
0x63: {  	_ =	shalt  }
0x64: {  	_ =	shalt  }
0x65: {  	_ =	shalt  }
0x66: {  	_ =	shalt  }
0x67: {  	_ =	shalt  }
0x68: {  	_ =	shalt  }
0x69: {  	_ =	shalt  }
0x6a: {  	_ =	shalt  }
0x6b: {  	_ =	shalt  }
0x6c: {  	_ =	shalt  }
0x6d: {  	_ =	shalt  }
0x6e: {  	_ =	shalt  }
0x6f: {  	_ =	shalt  }
0x70: {  	_ =	shalt  }
0x71: {  	_ =	shalt  }
0x72: {  	_ =	shalt  }
0x73: {  	_ =	shalt  }
0x74: {  	_ =	shalt  }
0x75: {  	_ =	shalt  }
0x76: {  	_ =	shalt  }
0x77: {  	_ =	shalt  }
0x78: {  	_ =	shalt  }
0x79: {  	_ =	shalt  }
0x7a: {  	_ =	shalt  }
0x7b: {  	_ =	shalt  }
0x7c: {  	_ =	shalt  }
0x7d: {  	_ =	shalt  }
0x7e: {  	_ =	shalt  }
0x7f: {  	_ =	shalt  }
0x80: {  	_ =	shalt  }
0x81: {  	_ =	shalt  }
0x82: {  	_ =	shalt  }
0x83: {  	_ =	shalt  }
0x84: {  	_ =	shalt  }
0x85: {  	_ =	shalt  }
0x86: {  	_ =	shalt  }
0x87: {  	_ =	shalt  }
.Lfunc_end0:
.L_simem_size_0:
called_computation.1_lowered:
.L_overlay_start_0:
0x88: {  	s2 =	sld [smem:$0x3FD9]  }
0x89: {  	s3 =	sld [smem:$0x3FFE];
	_ =	sdelay $0x1  }
0x8a: {  	s1 =	srdreg.scid  }
0x8b: {  	s0 =	sand.u32 $0x1, s1  }
0x8c: {  	s17 =	sshll.u32 s0, $0xA;
	s2 =	sadd.s32 s3, s2  }
0x8d: {  	s2 =	sadd.s32 s2, s17  }
0x8e: {  	[smem:$0x3FC6] =	sst s2  }
0x8f: {  	_ = 	snop  }
0x90: {  	s2 =	sld [smem:$0x3FD0];
	(tm) =	ssettm $0x1  }
0x91: {  	s18 =	sld [smem:$0x3FFB];
	_ =	sdelay $0x3  }
0x92: {  	_ =	strace s18  }
0x93: {  	s3 =	sld [smem:$0x3FFC];
	_ =	sdelay $0x3  }
0x94: {  	_ =	strace s3  }
0x95: {  	s3 =	sld [smem:$0x3FFD];
	_ =	sdelay $0x3  }
0x96: {  	_ =	strace s3  }
0x97: {  	_ =	strace $0x8FFFFFFF  }
0x98: {  	s19 =	sld [smem:$0x3FDB];
	_ =	sdelay $0x1  }
0x99: {  	s4 =	simm.s32 $_scs_section_size  }
0x9a: {  	s5 =	simm.s32 $_size__tile_overlayer_lowered;
	s6 =	simm.s32 $_tile_overlayer_lowered  }
0x9b: {  	s22 =	simm.s32 $0x1BFF;
	s21 =	sshll.u32 s6, $0x1;
	s3 =	sadd.s32 s4, s19  }
0x9c: {  	s7 =	simm.s32 $0x0;
	s20 =	sshll.u32 s5, $0x1;
	s5 =	sadd.s32 s21, s3  }
0x9d: {  	[timem:s7], [sflag:s22] =	dma.local [hbm:s5], s20  }
0x9e: {  	_ =	swait.ge [sflag:s22], s20  }
0x9f: {  	s4 =	ssub.s32 $0x0, s20;
	[sflag:s22] =	ssyncset.done $0x0  }
0xa0: {  	[sflag:s22] =	ssyncadd.s32 s4;
	_ =	sdelay $0x1  }
0xa1: {  	s23 =	simm.s32 $0x1B8B  }
0xa2: {  	_ =	swait.ge [sflag:s23], $0x1  }
0xa3: {  	[sflag:s23] =	ssyncset.done $0x0  }
0xa4: {  	s25 =	simm.s32 $0x1B8E;
	s24 =	sld [smem:$0x3FFE];
	[sflag:s23] =	ssyncadd.s32 $0xFFFFFFFF  }
0xa5: {  	s26 =	simm.s32 $execute0_lowered;
	[smem:$0x3FD2] =	sst s25  }
0xa6: {  	s5 =	sshll.u32 s26, $0x1;
	_ =	strace $0x80000049;
	[dreg:$0x1] =	wrdreg $0xFFFFFFFF  }
0xa7: {  	s28 =	simm.s32 $_size_execute0_lowered;
	s3 =	sadd.s32 s3, s5;
	[dreg:$0x0] =	wrdreg $0x0  }
0xa8: {  	s5 =	sshll.u32 s28, $0x1;
	[dreg:$0x2] =	wrdreg s3  }
0xa9: {  	[dreg:$0x3] =	wrdreg s5  }
0xaa: {  	[dreg:$0x4] =	wrdreg $0xC0  }
0xab: {  	_ =	task [dreg:s7], $0x5FFFF  }
0xac: {  	[dreg:$0x1] =	wrdreg $0xFFFFFFFF  }
0xad: {  	[dreg:$0x0] =	wrdreg $0x60  }
0xae: {  	[dreg:$0x2] =	wrdreg s24  }
0xaf: {  	[dreg:$0x3] =	wrdreg s2  }
0xb0: {  	[dreg:$0x4] =	wrdreg $0x9  }
0xb1: {  	_ =	task.clear_ibuf [dreg:s7], $0x5FFFF;
	_ =	strace $0x90000049  }
0xb2: {  	s29 =	simm.s32 $0x9;
	_ =	strace $0x8000004B  }
0xb3: {  	_ =	swait.ge [sflag:s29], $0x1  }
0xb4: {  	[sflag:s29] =	ssyncadd.s32 $0xFFFFFFFF  }
0xb5: {  	_ =	strace $0x9000004B  }
0xb6: {  	_ =	sfence  }
0xb7: {  	s30 =	sld [smem:$0x0];
	_ =	sdelay $0x2  }
0xb8: {  	s31 =	sshll.u32 s1, $0xD;
	s1 =	sshrl.u32 s1, $0x2  }
0xb9: {  	s3 =	sand.u32 $0x4000, s31;
	s1 =	sadd.s32 s1, s30  }
0xba: {  	s0 =	sor.u32 s3, s0;
	s1 =	sshll.u32 s1, $0x11  }
0xbb: {  	s0 =	sor.u32 s1, s0  }
0xbc: {  	s0 =	sadd.s32 $0x8F2B, s0  }
0xbd: {  	[sflag:s0] =	ssyncadd.remote.s32 $0x1  }
0xbe: {  	_ =	sfence.sel $0xFFFF  }
0xbf: {  	[dreg:$0x0] =	wrdreg $0xFFFFFFFF;
	(pc) =	sbr.abs _section_cstart, $3  }
0xc0: {  	[dreg:$0x1] =	wrdreg $0xFFFFFFFF  }
0xc1: {  	_ =	task.clear_ibuf [dreg:s7], $0x2FFFF;
	_ =	strace $0x9FFFFFFF  }
0xc2: {  	(tm) =	ssettm $0x7FFFFFFF  }
0xc3: {  	_ =	shalt  }
tec
execute0_lowered:
.L_overlay_start_1:
0x0: {  	(tag) =	ssettag $0x1  }
0x1: {  	s4 =	rddreg [dreg:$0x0]  }
0x2: {  	s1 =	srdreg.scid;
	s0 =	stileid.u32  }
0x3: {  	s2 =	rddreg [dreg:$0x1];
	s3 =	simm.s32 $0x0;
	s13 =	simm.s32 $0x5  }
0x4: {  	s14 =	simm.s32 $0x320;
	s15 =	simm.s32 $0x6400;
	s16 =	simm.s32 $0x12C00  }
0x5: {  	s17 =	simm.s32 $0x1;
	s18 =	simm.s32 $0x3;
	s19 =	simm.s32 $0x640  }
0x6: {  	s20 =	simm.s32 $0x2;
	s21 =	simm.s32 $0x4;
	s10 =	smul.u32 $0xC800, s0  }
0x7: {  	s22 =	simm.s32 $0x0;
	s8 =	sand.u32 $0x1, s1;
	s12 =	smul.u32 $0x64000, s0  }
0x8: {  	s5 =	sshll.u32 s0, $0x1;
	s1 =	rddreg [dreg:$0x2];
	s11 =	smul.u32 $0x6400, s8  }
0x9: {  	[smem:$0x7FF] =	sst s3;
	s5 =	sor.u32 s8, s5;
	s30 =	smul.u32 $0x32000, s8  }
0xa: {  	_ =	strace $0x8000004A;
	s7 =	ssub.s32 $0x2, s8;
	s6 =	smul.u32 $0x6400, s5  }
0xb: {  	s9 =	smul.u32 $0x32000, s5;
	s28 =	sshrl.u32 s7, $0x1;
	s12 =	sadd.s32 s12, s2  }
0xc: {  	s29 =	sadd.s32 s11, s10;
	s11 =	sadd.s32 s30, s12;
	s6 =	sshrl.u32 s6, $0x3  }
0xd: {  	s11 =	sadd.s32 $0x3200, s11;
	s26 =	sadd.s32 s6, s4;
	s4 =	sadd.s32 $0xF43400, s4  }
0xe: {  	s6 =	ssub.s32 s7, s28;
	s7 =	sadd.s32 s2, s9;
	s9 =	sadd.s32 $0x960, s29  }
0xf: {  	s5 =	sadd.s32 $0x16E4800, s26;
	s6 =	smax.u32 s6, $0x1;
	s31 =	sshll.u32 s9, $0x3  }
0x10: {  	s8 =	sadd.s32 $0x1900, s7;
	s10 =	sadd.s32 $0x2EE00, s7;
	s12 =	sadd.s32 s31, s2  }
.LBB2_1:
0x11: {  	[tilespmem:s3], [sflag:$0x5] =	stream.linear.gather [hbm4b:s5+s3], $0x6400, $0x38;
	[tilespmem:$0x1F400] =	vst v63  }
0x12: {  	_ =	swait.ge [sflag:s13], $0x6400  }
0x13: {  	[sflag:s13] =	ssyncset.done $0x0  }
0x14: {  	[sflag:s13] =	ssyncadd.s32 $0xFFFF9C00  }
0x15: {  	[tilespmem:s15], [sflag:$0x1] =	stream.indirect.gather [hbm4b:s4+s14], $0x40, s3, s14, $0xb8;
	[tilespmem:$0x1F400] =	vst v63  }
0x16: {  	_ = 	snop  }
0x17: {  	[tilespmem:s16], [sflag:$0x2] =	stream.indirect.gather [hbm4b:s4+s14], $0x40, s14, s14, $0xb8;
	[tilespmem:$0x1F400] =	vst v63  }
0x18: {  	_ =	swait.ge [sflag:s17], $0xC800  }
0x19: {  	[sflag:s17] =	ssyncset.done $0x0  }
0x1a: {  	[sflag:s17] =	ssyncadd.s32 $0xFFFF3800  }
0x1b: {  	[hbm4b:s7+s3] =	stream.linear.scatter [tilespmem:s15], [sflag:$0x3], $0xC800, $0x38;
	[tilespmem:$0x1F400] =	vst v63  }
0x1c: {  	_ =	swait.ge [sflag:s18], $0xC800  }
0x1d: {  	[sflag:s18] =	ssyncset.done $0x0  }
0x1e: {  	[sflag:s18] =	ssyncadd.s32 $0xFFFF3800  }
0x1f: {  	[tilespmem:s15], [sflag:$0x1] =	stream.indirect.gather [hbm4b:s4+s14], $0x40, s19, s14, $0xb8;
	[tilespmem:$0x1F400] =	vst v63  }
0x20: {  	_ =	swait.ge [sflag:s20], $0xC800  }
0x21: {  	[sflag:s20] =	ssyncset.done $0x0  }
0x22: {  	[sflag:s20] =	ssyncadd.s32 $0xFFFF3800  }
0x23: {  	[hbm4b:s8+s3] =	stream.linear.scatter [tilespmem:s16], [sflag:$0x4], $0xC800, $0x38;
	[tilespmem:$0x1F400] =	vst v63  }
0x24: {  	_ =	swait.ge [sflag:s21], $0xC800  }
0x25: {  	[sflag:s21] =	ssyncset.done $0x0  }
0x26: {  	s23 =	simm.s32 $0x960;
	[sflag:s21] =	ssyncadd.s32 $0xFFFF3800  }
0x27: {  	[tilespmem:s16], [sflag:$0x2] =	stream.indirect.gather [hbm4b:s4+s14], $0x40, s23, s14, $0xb8;
	[tilespmem:$0x1F400] =	vst v63  }
0x28: {  	_ =	swait.ge [sflag:s17], $0xC800  }
0x29: {  	[sflag:s17] =	ssyncset.done $0x0  }
0x2a: {  	[sflag:s17] =	ssyncadd.s32 $0xFFFF3800  }
0x2b: {  	[hbm4b:s11+s3] =	stream.linear.scatter [tilespmem:s15], [sflag:$0x3], $0xC800, $0x38;
	[tilespmem:$0x1F400] =	vst v63  }
0x2c: {  	_ =	swait.ge [sflag:s18], $0xC800  }
0x2d: {  	[sflag:s18] =	ssyncset.done $0x0  }
0x2e: {  	s31 =	simm.s32 $0xC80;
	[sflag:s18] =	ssyncadd.s32 $0xFFFF3800  }
0x2f: {  	[tilespmem:s15], [sflag:$0x1] =	stream.indirect.gather [hbm4b:s4+s14], $0x40, s31, s14, $0xb8;
	[tilespmem:$0x1F400] =	vst v63  }
0x30: {  	s24 =	simm.s32 $0x1900;
	_ =	swait.ge [sflag:s20], $0xC800  }
0x31: {  	s25 =	sadd.s32 $0x3200, s12;
	s26 =	sadd.s32 $0x3200, s11;
	[sflag:s20] =	ssyncset.done $0x0  }
0x32: {  	s28 =	smov.u32 s12;
	s23 =	sadd.s32 $0x640, s9;
	[sflag:s20] =	ssyncadd.s32 $0xFFFF3800  }
.LBB2_2:
0x33: {  	[hbm4b:s28+s3] =	stream.linear.scatter [tilespmem:s16], [sflag:$0x4], $0xC800, $0x38;
	[tilespmem:$0x1F400] =	vst v63  }
0x34: {  	s28 =	smov.u32 s24;
	s24 =	sadd.s32 $0x1900, s24;
	_ =	swait.ge [sflag:s21], $0xC800  }
0x35: {  	s29 =	sshra.s32 s28, $0x2;
	p0 =	sne.s32 s24, $0x15E00;
	[sflag:s21] =	ssyncset.done $0x0  }
0x36: {  	s28 =	smov.u32 s25;
	s30 =	sadd.s32 $0x960, s29;
	[sflag:s21] =	ssyncadd.s32 $0xFFFF3800  }
0x37: {  	[tilespmem:s16], [sflag:$0x2] =	stream.indirect.gather [hbm4b:s4+s14], $0x40, s30, s14, $0xb8;
	[tilespmem:$0x1F400] =	vst v63  }
0x38: {  	_ =	swait.ge [sflag:s17], $0xC800  }
0x39: {  	[sflag:s17] =	ssyncset.done $0x0  }
0x3a: {  	[sflag:s17] =	ssyncadd.s32 $0xFFFF3800  }
0x3b: {  	[hbm4b:s26+s3] =	stream.linear.scatter [tilespmem:s15], [sflag:$0x3], $0xC800, $0x38;
	[tilespmem:$0x1F400] =	vst v63  }
0x3c: {  	_ =	swait.ge [sflag:s18], $0xC800  }
0x3d: {  	[sflag:s18] =	ssyncset.done $0x0  }
.Ltmp0:
0x3e: {  	s29 =	sadd.s32 $0xC80, s29;
	[sflag:s18] =	ssyncadd.s32 $0xFFFF3800;
	(pc) =	sbr.rel @p0 .LBB2_2-.Ltmp0, $4  }
0x3f: {  	[tilespmem:s15], [sflag:$0x1] =	stream.indirect.gather [hbm4b:s4+s14], $0x40, s29, s14, $0xb8;
	[tilespmem:$0x1F400] =	vst v63  }
0x40: {  	_ =	swait.ge [sflag:s20], $0xC800  }
0x41: {  	s25 =	sadd.s32 $0x3200, s25;
	[sflag:s20] =	ssyncset.done $0x0  }
0x42: {  	s23 =	sadd.s32 $0x640, s23;
	s26 =	sadd.s32 $0x3200, s26;
	[sflag:s20] =	ssyncadd.s32 $0xFFFF3800  }
0x43: {  	[hbm4b:s28+s3] =	stream.linear.scatter [tilespmem:s16], [sflag:$0x4], $0xC800, $0x38;
	[tilespmem:$0x1F400] =	vst v63  }
0x44: {  	_ =	swait.ge [sflag:s21], $0xC800  }
0x45: {  	s24 =	sshra.s32 s24, $0x2;
	[sflag:s21] =	ssyncset.done $0x0  }
0x46: {  	s24 =	sadd.s32 $0x960, s24;
	[sflag:s21] =	ssyncadd.s32 $0xFFFF3800  }
0x47: {  	[tilespmem:s16], [sflag:$0x2] =	stream.indirect.gather [hbm4b:s4+s14], $0x40, s24, s14, $0xb8;
	[tilespmem:$0x1F400] =	vst v63  }
0x48: {  	_ =	swait.ge [sflag:s17], $0xC800  }
0x49: {  	[sflag:s17] =	ssyncset.done $0x0  }
0x4a: {  	[sflag:s17] =	ssyncadd.s32 $0xFFFF3800  }
0x4b: {  	[hbm4b:s10+s3] =	stream.linear.scatter [tilespmem:s15], [sflag:$0x3], $0xC800, $0x38;
	[tilespmem:$0x1F400] =	vst v63  }
0x4c: {  	_ =	swait.ge [sflag:s18], $0xC800  }
0x4d: {  	[sflag:s18] =	ssyncset.done $0x0  }
0x4e: {  	[sflag:s18] =	ssyncadd.s32 $0xFFFF3800  }
0x4f: {  	s23 =	sshll.u32 s23, $0x3;
	s22 =	sadd.s32 $0x1, s22;
	_ =	swait.ge [sflag:s20], $0xC800  }
0x50: {  	s23 =	sand.u32 $0x1FFFE700, s23;
	p0 =	sne.s32 s22, s6;
	[sflag:s20] =	ssyncset.done $0x0  }
.Ltmp1:
0x51: {  	s23 =	sadd.s32 s2, s23;
	[sflag:s20] =	ssyncadd.s32 $0xFFFF3800;
	(pc) =	sbr.rel @p0 .LBB2_1-.Ltmp1, $4  }
0x52: {  	[hbm4b:s23+s3] =	stream.linear.scatter [tilespmem:s16], [sflag:$0x4], $0xC800, $0x38;
	[tilespmem:$0x1F400] =	vst v63  }
0x53: {  	_ =	swait.ge [sflag:s21], $0xC800  }
0x54: {  	[sflag:s21] =	ssyncset.done $0x0  }
0x55: {  	[sflag:s21] =	ssyncadd.s32 $0xFFFF3800  }
0x56: {  	_ =	sfence.sel $0x180000  }
0x57: {  	[bflag:$0x0] =	sbarrier.arrive $0xFFFF  }
0x58: {  	p0 =	sne.s32 s0, $0x0;
	_ =	strace $0x9000004A  }
0x59: {  	s0 =	sadd.s32 @!p0 $0x100000, s1;
	[bflag:$0x2] =	sbarrier.arrive $0xFFFF  }
0x5a: {  	[sflag:s0] =	ssyncadd.tile.s32 @!p0 $0x1;
	_ =	shalt  }
.Lfunc_end2:
_tile_overlayer_lowered:
.L_overlay_start_2:
0x5b: {  	(tag) =	ssettag $0x2  }
0x5c: {  	s0 =	rddreg [dreg:$0x0];
	s2 =	stileid.u32  }
0x5d: {  	s1 =	rddreg [dreg:$0x1];
	p0 =	sne.s32 s2, $0x0  }
0x5e: {  	s3 =	rddreg [dreg:$0x2];
	[bflag:$0x3] =	sbarrier.arrive $0xFFFF;
	s2 =	simm.s32 @!p0 $0x1C05  }
0x5f: {  	[timem:s3], [sflag:s2] =	dma.local @!p0 [hbm:s0], s1  }
0x60: {  	s0 =	simm.s32 @!p0 $0x5  }
0x61: {  	_ =	swait.ge @!p0 [sflag:s0], s1  }
0x62: {  	s1 =	ssub.s32 @!p0 $0x0, s1;
	[sflag:s0] =	ssyncset.done @!p0 $0x0  }
0x63: {  	[sflag:s0] =	ssyncadd.s32 @!p0 s1  }
0x64: {  	[bflag:$0x3] =	sbarrier.arrive $0xFFFF  }
0x65: {  	_ =	shalt  }

</sc_bundles>
